<compile_context>
chip_gen: v7x
topology: tpu7x:2x2x1
jax: 0.10.2.dev20260603
libtpu: 0.0.44.dev20260713+nightly
codegen_flags: <defaults>
</compile_context>

<pallas_src>
import functools
import math

import jax
import jax.numpy as jnp
from jax import lax
from jax.experimental import pallas as pl
from jax.experimental.pallas import tpu as pltpu
from jax.experimental.pallas import tpu_sc as plsc

H = 16
P = 4




def _proj_body(x_ref, kv_ref, wq_ref, bq_ref, wk_ref, bk_ref, wv_ref, bv_ref,
               woff_ref, boff_ref, wattn_ref, battn_ref,
               qh_ref, k_ref, v_ref, off_ref, lg_ref):
    hd = qh_ref.shape[-1]
    x = x_ref[0]
    kv = kv_ref[0]
    q = jnp.dot(x, wq_ref[...], preferred_element_type=jnp.float32) + bq_ref[...]
    k_ref[0] = jnp.dot(kv, wk_ref[...], preferred_element_type=jnp.float32) + bk_ref[...]
    v_ref[0] = jnp.dot(kv, wv_ref[...], preferred_element_type=jnp.float32) + bv_ref[...]
    off_ref[0] = jnp.dot(x, woff_ref[...], preferred_element_type=jnp.float32) + boff_ref[...]
    lg_ref[0] = jnp.dot(x, wattn_ref[...], preferred_element_type=jnp.float32) + battn_ref[...]
    scale = 1.0 / math.sqrt(hd)
    for h in range(H):
        qh_ref[0, h] = q[:, h * hd:(h + 1) * hd] * scale


def _projections(q_in, kv_in, Wq, bq, Wk, bk, Wv, bv, Woff, boff, Wattn, battn):
    B, L, D = q_in.shape
    HD = D // H
    LB = 256
    grid = (B, L // LB)
    full = lambda shape: pl.BlockSpec(shape, lambda b, i: (0,) * len(shape))
    row_spec = pl.BlockSpec((1, LB, D), lambda b, i: (b, i, 0))
    out_shapes = (
        jax.ShapeDtypeStruct((B, H, L, HD), jnp.float32),
        jax.ShapeDtypeStruct((B, L, D), jnp.float32),
        jax.ShapeDtypeStruct((B, L, D), jnp.float32),
        jax.ShapeDtypeStruct((B, L, H * P), jnp.float32),
        jax.ShapeDtypeStruct((B, L, H * P), jnp.float32),
    )
    return pl.pallas_call(
        _proj_body,
        grid=grid,
        in_specs=[
            row_spec, row_spec,
            full((D, D)), full((D,)), full((D, D)), full((D,)),
            full((D, D)), full((D,)), full((D, H * P)), full((H * P,)),
            full((D, H * P)), full((H * P,)),
        ],
        out_specs=(
            pl.BlockSpec((1, H, LB, HD), lambda b, i: (b, 0, i, 0)),
            row_spec,
            row_spec,
            pl.BlockSpec((1, LB, H * P), lambda b, i: (b, i, 0)),
            pl.BlockSpec((1, LB, H * P), lambda b, i: (b, i, 0)),
        ),
        out_shape=out_shapes,
    )(q_in, kv_in, Wq, bq, Wk, bk, Wv, bv, Woff, boff, Wattn, battn)


def _build_body(k_ref, kn_ref, v_ref, vn_ref, kvp_ref):
    hd = kvp_ref.shape[-1] // 4
    k = k_ref[0]
    kn = kn_ref[0]
    v = v_ref[0]
    vn = vn_ref[0]
    for h in range(H):
        sl = slice(h * hd, (h + 1) * hd)
        kh = k[:, sl]
        vh = v[:, sl]
        kh1 = jnp.concatenate([kh[1:], kn[:1, sl]], axis=0)
        vh1 = jnp.concatenate([vh[1:], vn[:1, sl]], axis=0)
        kvp_ref[0, h] = jnp.concatenate([kh, kh1, vh, vh1], axis=1)


def _build_pairs(k, v):
    B, L, D = k.shape
    HD = D // H
    LB = 256
    nblk = L // LB
    grid = (B, nblk)
    cur = pl.BlockSpec((1, LB, D), lambda b, i: (b, i, 0))
    nxt = pl.BlockSpec((1, LB, D),
                       lambda b, i: (b, jnp.minimum(i + 1, nblk - 1), 0))
    return pl.pallas_call(
        _build_body,
        grid=grid,
        in_specs=[cur, nxt, cur, nxt],
        out_specs=pl.BlockSpec((1, H, LB, 4 * HD), lambda b, i: (b, 0, i, 0)),
        out_shape=jax.ShapeDtypeStruct((B, H, L, 4 * HD), jnp.float32),
    )(k, k, v, v)


def _mm(a, b):
    return jnp.dot(a, b, preferred_element_type=jnp.float32)


def _attn_body(q_ref, g_ref, meta_ref, ctx_ref):
    hd = q_ref.shape[-1]
    q = q_ref[0, 0]
    meta = meta_ref[0, 0]
    segcol = jax.lax.broadcasted_iota(jnp.int32, (2 * P, 2 * P * hd), 1)
    segrow = jax.lax.broadcasted_iota(jnp.int32, (2 * P, 2 * P * hd), 0)
    src = (segcol // hd) % 2 * P + segcol // (2 * hd)
    WC = (segrow == src).astype(jnp.float32)
    prow = jax.lax.broadcasted_iota(jnp.int32, (2 * P * hd, P), 0)
    pcol = jax.lax.broadcasted_iota(jnp.int32, (2 * P * hd, P), 1)
    S4 = (prow // (2 * hd) == pcol).astype(jnp.float32)

    kcat = jnp.concatenate([g_ref[p, 0, 0][:, :2 * hd] for p in range(P)],
                           axis=1)
    drow = jax.lax.broadcasted_iota(jnp.int32, (hd, 2 * P * hd), 0)
    dcol = jax.lax.broadcasted_iota(jnp.int32, (hd, 2 * P * hd), 1)
    QE = (drow == dcol % hd).astype(jnp.float32)
    wbig = _mm(meta[:, :2 * P], WC)
    qbig = _mm(q, QE)
    prod = kcat * wbig * qbig
    scores = jnp.dot(prod.astype(jnp.bfloat16), S4.astype(jnp.bfloat16),
                     preferred_element_type=jnp.float32)
    scores = scores + meta[:, 2 * P:3 * P]
    m = jnp.max(scores, axis=1, keepdims=True)
    e = jnp.exp(scores - m)
    z = jnp.sum(e, axis=1, keepdims=True)
    wgt = e / z

    vcat = jnp.concatenate([g_ref[p, 0, 0][:, 2 * hd:] for p in range(P)],
                           axis=1)
    ccat = jnp.concatenate([wgt * meta[:, :P], wgt * meta[:, P:2 * P]],
                           axis=1)
    cbig = _mm(ccat, WC)
    ctxfull = vcat * cbig
    ctx = ctxfull[:, :hd]
    for s in range(1, 2 * P):
        ctx = ctx + ctxfull[:, s * hd:(s + 1) * hd]
    ctx_ref[0, 0] = ctx


def _attention(qh, gath5, meta, h0, hg):
    B, Hh, L, HD = qh.shape
    LB = 1024
    grid = (B, hg, L // LB)
    return pl.pallas_call(
        _attn_body,
        grid=grid,
        in_specs=[
            pl.BlockSpec((1, 1, LB, HD), lambda b, h, i: (b, h0 + h, i, 0)),
            pl.BlockSpec((P, 1, 1, LB, 4 * HD), lambda b, h, i: (0, b, h, i, 0)),
            pl.BlockSpec((1, 1, LB, 64), lambda b, h, i: (b, h0 + h, i, 0)),
        ],
        out_specs=pl.BlockSpec((1, 1, LB, HD), lambda b, h, i: (b, h, i, 0)),
        out_shape=jax.ShapeDtypeStruct((B, hg, L, HD), jnp.float32),
    )(qh, gath5, meta)


def _outproj_body(*refs):
    c_refs = refs[:-3]
    w_ref, b_ref, o_ref = refs[-3:]
    hg = c_refs[0].shape[1]
    x = jnp.concatenate(
        [c_ref[0, h] for c_ref in c_refs for h in range(hg)], axis=1)
    o_ref[0] = jnp.dot(x, w_ref[...], preferred_element_type=jnp.float32) + b_ref[...]


def _outproj(ctxs, Wout, bout):
    B, hg, L, HD = ctxs[0].shape
    D = H * HD
    LB = 256
    grid = (B, L // LB)
    cspec = pl.BlockSpec((1, hg, LB, HD), lambda b, i: (b, 0, i, 0))
    return pl.pallas_call(
        _outproj_body,
        grid=grid,
        in_specs=[cspec] * len(ctxs) + [
            pl.BlockSpec((D, D), lambda b, i: (0, 0)),
            pl.BlockSpec((D,), lambda b, i: (0,)),
        ],
        out_specs=pl.BlockSpec((1, LB, D), lambda b, i: (b, i, 0)),
        out_shape=jax.ShapeDtypeStruct((B, L, D), jnp.float32),
    )(*ctxs, Wout, bout)




def _sc_gather(table, gidx):
    R = gidx.shape[0]
    W = table.shape[1]
    NC = 2
    NS = 16
    NW = NC * NS
    r_per_w = R // NW
    CH = 128
    NBUF = 2
    assert (R // NW) % CH == 0 and (R // NW // CH) % NBUF == 0
    n_chunks = r_per_w // CH
    mesh = plsc.VectorSubcoreMesh(core_axis_name="c", subcore_axis_name="s")

    @functools.partial(
        pl.kernel,
        out_type=jax.ShapeDtypeStruct((R, W), jnp.float32),
        mesh=mesh,
        scratch_types=[
            pltpu.VMEM((r_per_w,), jnp.int32),
            pltpu.VMEM((NBUF, CH, W), jnp.float32),
            pltpu.SemaphoreType.DMA((NBUF,)),
            pltpu.SemaphoreType.DMA((NBUF,)),
        ],
    )
    def gather_kernel(tab_hbm, idx_hbm, out_hbm, idx_v, rows_v, sem_g, sem_o):
        wid = lax.axis_index("s") * NC + lax.axis_index("c")
        base = wid * r_per_w
        pltpu.sync_copy(idx_hbm.at[pl.ds(base, r_per_w)], idx_v)

        def fill(c, b):
            pltpu.async_copy(tab_hbm.at[idx_v.at[pl.ds(c * CH, CH)]],
                             rows_v.at[b], sem_g.at[b])

        def wait_fill(c, b):
            pltpu.make_async_copy(tab_hbm.at[idx_v.at[pl.ds(c * CH, CH)]],
                                  rows_v.at[b], sem_g.at[b]).wait()

        def drain(c, b):
            pltpu.async_copy(rows_v.at[b], out_hbm.at[pl.ds(base + c * CH, CH)],
                             sem_o.at[b])

        def wait_drain(c, b):
            pltpu.make_async_copy(rows_v.at[b],
                                  out_hbm.at[pl.ds(base + c * CH, CH)],
                                  sem_o.at[b]).wait()

        for b in range(NBUF):
            fill(b, b)

        @pl.loop(0, n_chunks - NBUF, step=NBUF)
        def _(c):
            for b in range(NBUF):
                wait_fill(c + b, b)
                drain(c + b, b)
            for b in range(NBUF):
                wait_drain(c + b, b)
                fill(c + NBUF + b, b)

        for b in range(NBUF):
            wait_fill(n_chunks - NBUF + b, b)
            drain(n_chunks - NBUF + b, b)
        for b in range(NBUF):
            wait_drain(n_chunks - NBUF + b, b)

    return gather_kernel(table, gidx)




@jax.jit
def kernel(q_in, kv_in, Wq, bq, Wk, bk, Wv, bv, Woff, boff, Wattn, battn,
           Wout, bout):
    B, L, D = q_in.shape
    HD = D // H

    qh, k, v, off, lg = _projections(q_in, kv_in, Wq, bq, Wk, bk, Wv, bv,
                                     Woff, boff, Wattn, battn)
    kvp = _build_pairs(k, v)

    offT = off.reshape(B, L, H, P).transpose(0, 2, 1, 3)
    lgT = lg.reshape(B, L, H, P).transpose(0, 2, 1, 3)
    basef = jnp.arange(L, dtype=jnp.float32).reshape(1, 1, L, 1)
    idxf = jnp.clip(basef + offT, 0.0, float(L - 1))
    base = jnp.clip(jnp.floor(idxf), 0.0, float(L - 2))
    w1 = idxf - base
    w0 = 1.0 - w1
    meta = jnp.concatenate(
        [w0, w1, lgT, jnp.zeros((B, H, L, 64 - 3 * P), jnp.float32)], axis=-1)
    bh = jnp.arange(B * H, dtype=jnp.int32).reshape(B, H, 1, 1)
    rowid = (bh * L + base.astype(jnp.int32)).transpose(3, 0, 1, 2)

    G = 2
    hg = H // G
    kvp_flat = kvp.reshape(B * H * L, 4 * HD)
    gaths = [
        _sc_gather(kvp_flat, rowid[:, :, g * hg:(g + 1) * hg, :].reshape(-1))
        for g in range(G)
    ]
    ctxs = [
        _attention(qh, gaths[g].reshape(P, B, hg, L, 4 * HD), meta,
                   g * hg, hg)
        for g in range(G)
    ]
    return _outproj(ctxs, Wout, bout)

# --- scband reference (transcript-rebuilt; emitter-appended) ---
"""Pipeline reference for scband-model-16673063043377 (READ-ONLY COPY).

The authoritative reference and input builder live on the scoring server;
editing this copy changes nothing except your own understanding.
"""

import math
import jax, jax.numpy as jnp
import numpy as np

B, L, D_MODEL, H, P = 2, 2048, 1024, 16, 4
HD = D_MODEL // H


def setup_inputs(seed: int = 0) -> dict:
    key = jax.random.key(seed)
    ks = jax.random.split(key, 10)
    s = 0.02
    inp = {}
    inp["q_in"] = jax.random.normal(ks[0], (B, L, D_MODEL), jnp.float32)
    inp["kv_in"] = jax.random.normal(ks[1], (B, L, D_MODEL), jnp.float32)
    inp["Wq"] = jax.random.normal(ks[2], (D_MODEL, D_MODEL), jnp.float32) * s
    inp["bq"] = jnp.zeros((D_MODEL,), jnp.float32)
    inp["Wk"] = jax.random.normal(ks[3], (D_MODEL, D_MODEL), jnp.float32) * s
    inp["bk"] = jnp.zeros((D_MODEL,), jnp.float32)
    inp["Wv"] = jax.random.normal(ks[4], (D_MODEL, D_MODEL), jnp.float32) * s
    inp["bv"] = jnp.zeros((D_MODEL,), jnp.float32)
    inp["Woff"] = jax.random.normal(ks[5], (D_MODEL, H * P), jnp.float32) * s
    inp["boff"] = jnp.zeros((H * P,), jnp.float32)
    inp["Wattn"] = jax.random.normal(ks[6], (D_MODEL, H * P), jnp.float32) * s
    inp["battn"] = jnp.zeros((H * P,), jnp.float32)
    inp["Wout"] = jax.random.normal(ks[7], (D_MODEL, D_MODEL), jnp.float32) * s
    inp["bout"] = jnp.zeros((D_MODEL,), jnp.float32)
    return inp


def _linear_interpolate_1d(values, idx_float):
    # values: (B, H, Lk, D); idx_float: (B, H, Lq, P) -> (B, H, Lq, P, D)
    b, h, lk, d = values.shape
    lq = idx_float.shape[2]
    p = idx_float.shape[-1]
    idx0 = jnp.clip(jnp.floor(idx_float), 0, lk - 1).astype(jnp.int32)
    idx1 = jnp.clip(idx0 + 1, 0, lk - 1)
    w1 = (idx_float - idx0.astype(jnp.float32))[..., None]
    w0 = 1.0 - w1
    g0 = jnp.take_along_axis(values, idx0.reshape(b, h, lq * p, 1), axis=2).reshape(b, h, lq, p, d)
    g1 = jnp.take_along_axis(values, idx1.reshape(b, h, lq * p, 1), axis=2).reshape(b, h, lq, p, d)
    return w0 * g0 + w1 * g1


def reference(q_in, kv_in, Wq, bq, Wk, bk, Wv, bv, Woff, boff, Wattn, battn, Wout, bout):
    b, lq, _ = q_in.shape
    lk = kv_in.shape[1]
    q = (q_in @ Wq + bq).reshape(b, lq, H, HD).transpose(0, 2, 1, 3)
    k = (kv_in @ Wk + bk).reshape(b, lk, H, HD).transpose(0, 2, 1, 3)
    v = (kv_in @ Wv + bv).reshape(b, lk, H, HD).transpose(0, 2, 1, 3)
    offsets = (q_in @ Woff + boff).reshape(b, lq, H, P).transpose(0, 2, 1, 3)
    attn_logits = (q_in @ Wattn + battn).reshape(b, lq, H, P).transpose(0, 2, 1, 3)
    base = jnp.arange(lq, dtype=jnp.float32).reshape(1, 1, lq, 1)  # Lq == Lk here
    idx = jnp.clip(base + offsets, 0.0, float(lk - 1))
    k_s = _linear_interpolate_1d(k, idx)
    v_s = _linear_interpolate_1d(v, idx)
    dot = jnp.sum(q[:, :, :, None, :] * k_s, axis=-1) / math.sqrt(HD)
    scores = dot + attn_logits
    weights = jax.nn.softmax(scores, axis=-1)
    out = jnp.sum(weights[..., None] * v_s, axis=3)
    out = out.transpose(0, 2, 1, 3).reshape(b, lq, H * HD)
    out = out @ Wout + bout
    return out

if __name__ == "__main__":
    import jax
    _d = setup_inputs()
    print(jax.jit(kernel)(*tuple(_d.values())))

</pallas_src>

<mosaic_0001>
#map = affine_map<(d0, d1) -> (0, 0)>
#map1 = affine_map<(d0, d1) -> (0)>
module attributes {stable_mosaic.version = 14 : i64} {
  func.func @gather_kernel(%arg0: i32, %arg1: i32, %arg2: memref<65536x256xf32, #tpu.memory_space<hbm>>, %arg3: memref<131072xi32, #tpu.memory_space<hbm>>, %arg4: memref<131072x256xf32, #tpu.memory_space<hbm>>, %arg5: memref<4096xi32, #tpu.memory_space<vmem>>, %arg6: memref<2x128x256xf32, #tpu.memory_space<vmem>>, %arg7: memref<2x!tpu.dma_semaphore, #tpu.memory_space<semaphore_mem>>, %arg8: memref<2x!tpu.dma_semaphore, #tpu.memory_space<semaphore_mem>>) attributes {dimension_semantics = [#tpu.dimension_semantics<core_parallel>, #tpu.dimension_semantics<subcore_parallel>], iteration_bounds = array<i64: 2, 16>, scalar_prefetch = 0 : i64, scratch_operands = 4 : i64, tpu.core_type = #tpu.core_type<sc_vector_subcore>, window_params = [{transform_indices = #map}, {transform_indices = #map1}, {transform_indices = #map}]} {
    %mul3A = arith.constant 2 : i32
    %mul3A_0 = arith.muli %arg1, %mul3A : i32
    %add3A = arith.addi %mul3A_0, %arg0 : i32
    %mul3A_1 = arith.constant 4096 : i32
    %mul3A_2 = arith.muli %add3A, %mul3A_1 : i32
    "tpu.region"() ({
      %run_scoped3A = tpu.sem_alloc : memref<!tpu.dma_semaphore, #tpu.memory_space<semaphore_mem>>
      %dma_start3A_129 = tpu.memref_slice %arg3[%mul3A_2] : memref<131072xi32, #tpu.memory_space<hbm>> -> memref<4096xi32, #tpu.memory_space<hbm>>
      %dma_start3A_130 = tpu.memref_slice %arg3[%mul3A_2] : memref<131072xi32, #tpu.memory_space<hbm>> -> memref<4096xi32, #tpu.memory_space<hbm>>
      tpu.enqueue_dma source(%dma_start3A_130 : memref<4096xi32, #tpu.memory_space<hbm>>) target(%arg5 : memref<4096xi32, #tpu.memory_space<vmem>>) target_semaphore(%run_scoped3A : memref<!tpu.dma_semaphore, #tpu.memory_space<semaphore_mem>>)
      %dma_wait3A_131 = tpu.memref_slice %arg3[%mul3A_2] : memref<131072xi32, #tpu.memory_space<hbm>> -> memref<4096xi32, #tpu.memory_space<hbm>>
      %dma_wait3A_132 = tpu.memref_slice %arg3[%mul3A_2] : memref<131072xi32, #tpu.memory_space<hbm>> -> memref<4096xi32, #tpu.memory_space<hbm>>
      tpu.wait_dma2 semaphore(%run_scoped3A : memref<!tpu.dma_semaphore, #tpu.memory_space<semaphore_mem>>) src(%dma_wait3A_132 : memref<4096xi32, #tpu.memory_space<hbm>>) dst(%arg5 : memref<4096xi32, #tpu.memory_space<vmem>>)
      tpu.yield
    }) : () -> ()
    %dma_start3A = arith.constant 0 : i32
    %dma_start3A_3 = arith.constant 0 : i32
    %dma_start3A_4 = arith.constant 0 : i32
    %dma_start3A_5 = arith.constant 0 : i32
    %dma_start3A_6 = tpu.memref_slice %arg6[%dma_start3A, %dma_start3A_4, %dma_start3A_5] : memref<2x128x256xf32, #tpu.memory_space<vmem>> -> memref<1x128x256xf32, #tpu.memory_space<vmem>>
    %dma_start3A_7 = tpu.memref_squeeze %dma_start3A_6 : memref<1x128x256xf32, #tpu.memory_space<vmem>> -> memref<128x256xf32, #tpu.memory_space<vmem>>
    %dma_start3A_8 = arith.constant 0 : i32
    %dma_start3A_9 = tpu.memref_slice %arg5[%dma_start3A_8] : memref<4096xi32, #tpu.memory_space<vmem>> -> memref<128xi32, #tpu.memory_space<vmem>>
    %dma_start3A_10 = arith.constant 0 : i32
    %dma_start3A_11 = arith.constant 0 : i32
    %dma_start3A_12 = tpu.memref_slice %arg2[%dma_start3A_10, %dma_start3A_11] : memref<65536x256xf32, #tpu.memory_space<hbm>> -> memref<65536x256xf32, #tpu.memory_space<hbm>>
    %dma_start3A_13 = tpu.memref_slice %arg7[%dma_start3A_3] : memref<2x!tpu.dma_semaphore, #tpu.memory_space<semaphore_mem>> -> memref<1x!tpu.dma_semaphore, #tpu.memory_space<semaphore_mem>>
    %dma_start3A_14 = tpu.memref_squeeze %dma_start3A_13 : memref<1x!tpu.dma_semaphore, #tpu.memory_space<semaphore_mem>> -> memref<!tpu.dma_semaphore, #tpu.memory_space<semaphore_mem>>
    tpu.enqueue_indirect_dma source(%dma_start3A_12 : memref<65536x256xf32, #tpu.memory_space<hbm>>) target(%dma_start3A_7 : memref<128x256xf32, #tpu.memory_space<vmem>>) offsets(%dma_start3A_9 : memref<128xi32, #tpu.memory_space<vmem>>) semaphore(%dma_start3A_14 : memref<!tpu.dma_semaphore, #tpu.memory_space<semaphore_mem>>)
    %dma_start3A_15 = arith.constant 1 : i32
    %dma_start3A_16 = arith.constant 1 : i32
    %dma_start3A_17 = arith.constant 0 : i32
    %dma_start3A_18 = arith.constant 0 : i32
    %dma_start3A_19 = tpu.memref_slice %arg6[%dma_start3A_15, %dma_start3A_17, %dma_start3A_18] : memref<2x128x256xf32, #tpu.memory_space<vmem>> -> memref<1x128x256xf32, #tpu.memory_space<vmem>>
    %dma_start3A_20 = tpu.memref_squeeze %dma_start3A_19 : memref<1x128x256xf32, #tpu.memory_space<vmem>> -> memref<128x256xf32, #tpu.memory_space<vmem>>
    %dma_start3A_21 = arith.constant 128 : i32
    %dma_start3A_22 = tpu.memref_slice %arg5[%dma_start3A_21] : memref<4096xi32, #tpu.memory_space<vmem>> -> memref<128xi32, #tpu.memory_space<vmem>>
    %dma_start3A_23 = arith.constant 0 : i32
    %dma_start3A_24 = arith.constant 0 : i32
    %dma_start3A_25 = tpu.memref_slice %arg2[%dma_start3A_23, %dma_start3A_24] : memref<65536x256xf32, #tpu.memory_space<hbm>> -> memref<65536x256xf32, #tpu.memory_space<hbm>>
    %dma_start3A_26 = tpu.memref_slice %arg7[%dma_start3A_16] : memref<2x!tpu.dma_semaphore, #tpu.memory_space<semaphore_mem>> -> memref<1x!tpu.dma_semaphore, #tpu.memory_space<semaphore_mem>>
    %dma_start3A_27 = tpu.memref_squeeze %dma_start3A_26 : memref<1x!tpu.dma_semaphore, #tpu.memory_space<semaphore_mem>> -> memref<!tpu.dma_semaphore, #tpu.memory_space<semaphore_mem>>
    tpu.enqueue_indirect_dma source(%dma_start3A_25 : memref<65536x256xf32, #tpu.memory_space<hbm>>) target(%dma_start3A_20 : memref<128x256xf32, #tpu.memory_space<vmem>>) offsets(%dma_start3A_22 : memref<128xi32, #tpu.memory_space<vmem>>) semaphore(%dma_start3A_27 : memref<!tpu.dma_semaphore, #tpu.memory_space<semaphore_mem>>)
    %scan3A = arith.constant 0 : i32
    %scan3A_28 = arith.constant 15 : i32
    %scan3A_29 = arith.addi %scan3A, %scan3A_28 : i32
    %scan3A_30 = arith.constant 1 : i32
    scf.for %scan3A_129 = %scan3A to %scan3A_29 step %scan3A_30  : i32 {
      %mul3A_130 = arith.constant 2 : i32
      %mul3A_131 = arith.muli %scan3A_129, %mul3A_130 : i32
      %add3A_132 = arith.constant 0 : i32
      %add3A_133 = arith.addi %add3A_132, %mul3A_131 : i32
      %add3A_134 = arith.constant 0 : i32
      %add3A_135 = arith.addi %add3A_133, %add3A_134 : i32
      %mul3A_136 = arith.constant 128 : i32
      %mul3A_137 = arith.muli %add3A_135, %mul3A_136 : i32
      %dma_wait3A_138 = arith.constant 0 : i32
      %dma_wait3A_139 = arith.constant 0 : i32
      %dma_wait3A_140 = arith.constant 0 : i32
      %dma_wait3A_141 = arith.constant 0 : i32
      %dma_wait3A_142 = tpu.memref_slice %arg6[%dma_wait3A_138, %dma_wait3A_140, %dma_wait3A_141] : memref<2x128x256xf32, #tpu.memory_space<vmem>> -> memref<1x128x256xf32, #tpu.memory_space<vmem>>
      %dma_wait3A_143 = tpu.memref_squeeze %dma_wait3A_142 : memref<1x128x256xf32, #tpu.memory_space<vmem>> -> memref<128x256xf32, #tpu.memory_space<vmem>>
      %dma_wait3A_144 = tpu.memref_slice %arg5[%mul3A_137] : memref<4096xi32, #tpu.memory_space<vmem>> -> memref<128xi32, #tpu.memory_space<vmem>>
      %dma_wait3A_145 = arith.constant 0 : i32
      %dma_wait3A_146 = arith.constant 0 : i32
      %dma_wait3A_147 = tpu.memref_slice %arg2[%dma_wait3A_145, %dma_wait3A_146] : memref<65536x256xf32, #tpu.memory_space<hbm>> -> memref<65536x256xf32, #tpu.memory_space<hbm>>
      %dma_wait3A_148 = tpu.memref_slice %arg7[%dma_wait3A_139] : memref<2x!tpu.dma_semaphore, #tpu.memory_space<semaphore_mem>> -> memref<1x!tpu.dma_semaphore, #tpu.memory_space<semaphore_mem>>
      %dma_wait3A_149 = tpu.memref_squeeze %dma_wait3A_148 : memref<1x!tpu.dma_semaphore, #tpu.memory_space<semaphore_mem>> -> memref<!tpu.dma_semaphore, #tpu.memory_space<semaphore_mem>>
      tpu.wait_indirect_dma semaphore(%dma_wait3A_149 : memref<!tpu.dma_semaphore, #tpu.memory_space<semaphore_mem>>) src(%dma_wait3A_147 : memref<65536x256xf32, #tpu.memory_space<hbm>>) dst(%dma_wait3A_143 : memref<128x256xf32, #tpu.memory_space<vmem>>)
      %add3A_150 = arith.constant 0 : i32
      %add3A_151 = arith.addi %add3A_133, %add3A_150 : i32
      %mul3A_152 = arith.constant 128 : i32
      %mul3A_153 = arith.muli %add3A_151, %mul3A_152 : i32
      %add3A_154 = arith.addi %mul3A_2, %mul3A_153 : i32
      %dma_start3A_155 = arith.constant 0 : i32
      %dma_start3A_156 = arith.constant 0 : i32
      %dma_start3A_157 = arith.constant 0 : i32
      %dma_start3A_158 = arith.constant 0 : i32
      %dma_start3A_159 = tpu.memref_slice %arg6[%dma_start3A_155, %dma_start3A_157, %dma_start3A_158] : memref<2x128x256xf32, #tpu.memory_space<vmem>> -> memref<1x128x256xf32, #tpu.memory_space<vmem>>
      %dma_start3A_160 = tpu.memref_squeeze %dma_start3A_159 : memref<1x128x256xf32, #tpu.memory_space<vmem>> -> memref<128x256xf32, #tpu.memory_space<vmem>>
      %dma_start3A_161 = arith.constant 0 : i32
      %dma_start3A_162 = tpu.memref_slice %arg4[%add3A_154, %dma_start3A_161] : memref<131072x256xf32, #tpu.memory_space<hbm>> -> memref<128x256xf32, #tpu.memory_space<hbm>>
      %dma_start3A_163 = tpu.memref_slice %arg8[%dma_start3A_156] : memref<2x!tpu.dma_semaphore, #tpu.memory_space<semaphore_mem>> -> memref<1x!tpu.dma_semaphore, #tpu.memory_space<semaphore_mem>>
      %dma_start3A_164 = tpu.memref_squeeze %dma_start3A_163 : memref<1x!tpu.dma_semaphore, #tpu.memory_space<semaphore_mem>> -> memref<!tpu.dma_semaphore, #tpu.memory_space<semaphore_mem>>
      %dma_start3A_165 = arith.constant 0 : i32
      %dma_start3A_166 = tpu.memref_slice %arg4[%add3A_154, %dma_start3A_165] : memref<131072x256xf32, #tpu.memory_space<hbm>> -> memref<128x256xf32, #tpu.memory_space<hbm>>
      %dma_start3A_167 = arith.constant 0 : i32
      %dma_start3A_168 = arith.constant 0 : i32
      %dma_start3A_169 = tpu.memref_slice %arg6[%dma_start3A_155, %dma_start3A_167, %dma_start3A_168] : memref<2x128x256xf32, #tpu.memory_space<vmem>> -> memref<1x128x256xf32, #tpu.memory_space<vmem>>
      %dma_start3A_170 = tpu.memref_squeeze %dma_start3A_169 : memref<1x128x256xf32, #tpu.memory_space<vmem>> -> memref<128x256xf32, #tpu.memory_space<vmem>>
      tpu.enqueue_dma source(%dma_start3A_170 : memref<128x256xf32, #tpu.memory_space<vmem>>) target(%dma_start3A_166 : memref<128x256xf32, #tpu.memory_space<hbm>>) target_semaphore(%dma_start3A_164 : memref<!tpu.dma_semaphore, #tpu.memory_space<semaphore_mem>>)
      %add3A_171 = arith.constant 1 : i32
      %add3A_172 = arith.addi %add3A_133, %add3A_171 : i32
      %mul3A_173 = arith.constant 128 : i32
      %mul3A_174 = arith.muli %add3A_172, %mul3A_173 : i32
      %dma_wait3A_175 = arith.constant 1 : i32
      %dma_wait3A_176 = arith.constant 1 : i32
      %dma_wait3A_177 = arith.constant 0 : i32
      %dma_wait3A_178 = arith.constant 0 : i32
      %dma_wait3A_179 = tpu.memref_slice %arg6[%dma_wait3A_175, %dma_wait3A_177, %dma_wait3A_178] : memref<2x128x256xf32, #tpu.memory_space<vmem>> -> memref<1x128x256xf32, #tpu.memory_space<vmem>>
      %dma_wait3A_180 = tpu.memref_squeeze %dma_wait3A_179 : memref<1x128x256xf32, #tpu.memory_space<vmem>> -> memref<128x256xf32, #tpu.memory_space<vmem>>
      %dma_wait3A_181 = tpu.memref_slice %arg5[%mul3A_174] : memref<4096xi32, #tpu.memory_space<vmem>> -> memref<128xi32, #tpu.memory_space<vmem>>
      %dma_wait3A_182 = arith.constant 0 : i32
      %dma_wait3A_183 = arith.constant 0 : i32
      %dma_wait3A_184 = tpu.memref_slice %arg2[%dma_wait3A_182, %dma_wait3A_183] : memref<65536x256xf32, #tpu.memory_space<hbm>> -> memref<65536x256xf32, #tpu.memory_space<hbm>>
      %dma_wait3A_185 = tpu.memref_slice %arg7[%dma_wait3A_176] : memref<2x!tpu.dma_semaphore, #tpu.memory_space<semaphore_mem>> -> memref<1x!tpu.dma_semaphore, #tpu.memory_space<semaphore_mem>>
      %dma_wait3A_186 = tpu.memref_squeeze %dma_wait3A_185 : memref<1x!tpu.dma_semaphore, #tpu.memory_space<semaphore_mem>> -> memref<!tpu.dma_semaphore, #tpu.memory_space<semaphore_mem>>
      tpu.wait_indirect_dma semaphore(%dma_wait3A_186 : memref<!tpu.dma_semaphore, #tpu.memory_space<semaphore_mem>>) src(%dma_wait3A_184 : memref<65536x256xf32, #tpu.memory_space<hbm>>) dst(%dma_wait3A_180 : memref<128x256xf32, #tpu.memory_space<vmem>>)
      %add3A_187 = arith.constant 1 : i32
      %add3A_188 = arith.addi %add3A_133, %add3A_187 : i32
      %mul3A_189 = arith.constant 128 : i32
      %mul3A_190 = arith.muli %add3A_188, %mul3A_189 : i32
      %add3A_191 = arith.addi %mul3A_2, %mul3A_190 : i32
      %dma_start3A_192 = arith.constant 1 : i32
      %dma_start3A_193 = arith.constant 1 : i32
      %dma_start3A_194 = arith.constant 0 : i32
      %dma_start3A_195 = arith.constant 0 : i32
      %dma_start3A_196 = tpu.memref_slice %arg6[%dma_start3A_192, %dma_start3A_194, %dma_start3A_195] : memref<2x128x256xf32, #tpu.memory_space<vmem>> -> memref<1x128x256xf32, #tpu.memory_space<vmem>>
      %dma_start3A_197 = tpu.memref_squeeze %dma_start3A_196 : memref<1x128x256xf32, #tpu.memory_space<vmem>> -> memref<128x256xf32, #tpu.memory_space<vmem>>
      %dma_start3A_198 = arith.constant 0 : i32
      %dma_start3A_199 = tpu.memref_slice %arg4[%add3A_191, %dma_start3A_198] : memref<131072x256xf32, #tpu.memory_space<hbm>> -> memref<128x256xf32, #tpu.memory_space<hbm>>
      %dma_start3A_200 = tpu.memref_slice %arg8[%dma_start3A_193] : memref<2x!tpu.dma_semaphore, #tpu.memory_space<semaphore_mem>> -> memref<1x!tpu.dma_semaphore, #tpu.memory_space<semaphore_mem>>
      %dma_start3A_201 = tpu.memref_squeeze %dma_start3A_200 : memref<1x!tpu.dma_semaphore, #tpu.memory_space<semaphore_mem>> -> memref<!tpu.dma_semaphore, #tpu.memory_space<semaphore_mem>>
      %dma_start3A_202 = arith.constant 0 : i32
      %dma_start3A_203 = tpu.memref_slice %arg4[%add3A_191, %dma_start3A_202] : memref<131072x256xf32, #tpu.memory_space<hbm>> -> memref<128x256xf32, #tpu.memory_space<hbm>>
      %dma_start3A_204 = arith.constant 0 : i32
      %dma_start3A_205 = arith.constant 0 : i32
      %dma_start3A_206 = tpu.memref_slice %arg6[%dma_start3A_192, %dma_start3A_204, %dma_start3A_205] : memref<2x128x256xf32, #tpu.memory_space<vmem>> -> memref<1x128x256xf32, #tpu.memory_space<vmem>>
      %dma_start3A_207 = tpu.memref_squeeze %dma_start3A_206 : memref<1x128x256xf32, #tpu.memory_space<vmem>> -> memref<128x256xf32, #tpu.memory_space<vmem>>
      tpu.enqueue_dma source(%dma_start3A_207 : memref<128x256xf32, #tpu.memory_space<vmem>>) target(%dma_start3A_203 : memref<128x256xf32, #tpu.memory_space<hbm>>) target_semaphore(%dma_start3A_201 : memref<!tpu.dma_semaphore, #tpu.memory_space<semaphore_mem>>)
      %add3A_208 = arith.constant 0 : i32
      %add3A_209 = arith.addi %add3A_133, %add3A_208 : i32
      %mul3A_210 = arith.constant 128 : i32
      %mul3A_211 = arith.muli %add3A_209, %mul3A_210 : i32
      %add3A_212 = arith.addi %mul3A_2, %mul3A_211 : i32
      %dma_wait3A_213 = arith.constant 0 : i32
      %dma_wait3A_214 = arith.constant 0 : i32
      %dma_wait3A_215 = arith.constant 0 : i32
      %dma_wait3A_216 = arith.constant 0 : i32
      %dma_wait3A_217 = tpu.memref_slice %arg6[%dma_wait3A_213, %dma_wait3A_215, %dma_wait3A_216] : memref<2x128x256xf32, #tpu.memory_space<vmem>> -> memref<1x128x256xf32, #tpu.memory_space<vmem>>
      %dma_wait3A_218 = tpu.memref_squeeze %dma_wait3A_217 : memref<1x128x256xf32, #tpu.memory_space<vmem>> -> memref<128x256xf32, #tpu.memory_space<vmem>>
      %dma_wait3A_219 = arith.constant 0 : i32
      %dma_wait3A_220 = tpu.memref_slice %arg4[%add3A_212, %dma_wait3A_219] : memref<131072x256xf32, #tpu.memory_space<hbm>> -> memref<128x256xf32, #tpu.memory_space<hbm>>
      %dma_wait3A_221 = tpu.memref_slice %arg8[%dma_wait3A_214] : memref<2x!tpu.dma_semaphore, #tpu.memory_space<semaphore_mem>> -> memref<1x!tpu.dma_semaphore, #tpu.memory_space<semaphore_mem>>
      %dma_wait3A_222 = tpu.memref_squeeze %dma_wait3A_221 : memref<1x!tpu.dma_semaphore, #tpu.memory_space<semaphore_mem>> -> memref<!tpu.dma_semaphore, #tpu.memory_space<semaphore_mem>>
      %dma_wait3A_223 = arith.constant 0 : i32
      %dma_wait3A_224 = tpu.memref_slice %arg4[%add3A_212, %dma_wait3A_223] : memref<131072x256xf32, #tpu.memory_space<hbm>> -> memref<128x256xf32, #tpu.memory_space<hbm>>
      %dma_wait3A_225 = arith.constant 0 : i32
      %dma_wait3A_226 = arith.constant 0 : i32
      %dma_wait3A_227 = tpu.memref_slice %arg6[%dma_wait3A_213, %dma_wait3A_225, %dma_wait3A_226] : memref<2x128x256xf32, #tpu.memory_space<vmem>> -> memref<1x128x256xf32, #tpu.memory_space<vmem>>
      %dma_wait3A_228 = tpu.memref_squeeze %dma_wait3A_227 : memref<1x128x256xf32, #tpu.memory_space<vmem>> -> memref<128x256xf32, #tpu.memory_space<vmem>>
      tpu.wait_dma2 semaphore(%dma_wait3A_222 : memref<!tpu.dma_semaphore, #tpu.memory_space<semaphore_mem>>) src(%dma_wait3A_228 : memref<128x256xf32, #tpu.memory_space<vmem>>) dst(%dma_wait3A_224 : memref<128x256xf32, #tpu.memory_space<hbm>>)
      %add3A_229 = arith.constant 2 : i32
      %add3A_230 = arith.addi %add3A_133, %add3A_229 : i32
      %add3A_231 = arith.constant 0 : i32
      %add3A_232 = arith.addi %add3A_230, %add3A_231 : i32
      %mul3A_233 = arith.constant 128 : i32
      %mul3A_234 = arith.muli %add3A_232, %mul3A_233 : i32
      %dma_start3A_235 = arith.constant 0 : i32
      %dma_start3A_236 = arith.constant 0 : i32
      %dma_start3A_237 = arith.constant 0 : i32
      %dma_start3A_238 = arith.constant 0 : i32
      %dma_start3A_239 = tpu.memref_slice %arg6[%dma_start3A_235, %dma_start3A_237, %dma_start3A_238] : memref<2x128x256xf32, #tpu.memory_space<vmem>> -> memref<1x128x256xf32, #tpu.memory_space<vmem>>
      %dma_start3A_240 = tpu.memref_squeeze %dma_start3A_239 : memref<1x128x256xf32, #tpu.memory_space<vmem>> -> memref<128x256xf32, #tpu.memory_space<vmem>>
      %dma_start3A_241 = tpu.memref_slice %arg5[%mul3A_234] : memref<4096xi32, #tpu.memory_space<vmem>> -> memref<128xi32, #tpu.memory_space<vmem>>
      %dma_start3A_242 = arith.constant 0 : i32
      %dma_start3A_243 = arith.constant 0 : i32
      %dma_start3A_244 = tpu.memref_slice %arg2[%dma_start3A_242, %dma_start3A_243] : memref<65536x256xf32, #tpu.memory_space<hbm>> -> memref<65536x256xf32, #tpu.memory_space<hbm>>
      %dma_start3A_245 = tpu.memref_slice %arg7[%dma_start3A_236] : memref<2x!tpu.dma_semaphore, #tpu.memory_space<semaphore_mem>> -> memref<1x!tpu.dma_semaphore, #tpu.memory_space<semaphore_mem>>
      %dma_start3A_246 = tpu.memref_squeeze %dma_start3A_245 : memref<1x!tpu.dma_semaphore, #tpu.memory_space<semaphore_mem>> -> memref<!tpu.dma_semaphore, #tpu.memory_space<semaphore_mem>>
      tpu.enqueue_indirect_dma source(%dma_start3A_244 : memref<65536x256xf32, #tpu.memory_space<hbm>>) target(%dma_start3A_240 : memref<128x256xf32, #tpu.memory_space<vmem>>) offsets(%dma_start3A_241 : memref<128xi32, #tpu.memory_space<vmem>>) semaphore(%dma_start3A_246 : memref<!tpu.dma_semaphore, #tpu.memory_space<semaphore_mem>>)
      %add3A_247 = arith.constant 1 : i32
      %add3A_248 = arith.addi %add3A_133, %add3A_247 : i32
      %mul3A_249 = arith.constant 128 : i32
      %mul3A_250 = arith.muli %add3A_248, %mul3A_249 : i32
      %add3A_251 = arith.addi %mul3A_2, %mul3A_250 : i32
      %dma_wait3A_252 = arith.constant 1 : i32
      %dma_wait3A_253 = arith.constant 1 : i32
      %dma_wait3A_254 = arith.constant 0 : i32
      %dma_wait3A_255 = arith.constant 0 : i32
      %dma_wait3A_256 = tpu.memref_slice %arg6[%dma_wait3A_252, %dma_wait3A_254, %dma_wait3A_255] : memref<2x128x256xf32, #tpu.memory_space<vmem>> -> memref<1x128x256xf32, #tpu.memory_space<vmem>>
      %dma_wait3A_257 = tpu.memref_squeeze %dma_wait3A_256 : memref<1x128x256xf32, #tpu.memory_space<vmem>> -> memref<128x256xf32, #tpu.memory_space<vmem>>
      %dma_wait3A_258 = arith.constant 0 : i32
      %dma_wait3A_259 = tpu.memref_slice %arg4[%add3A_251, %dma_wait3A_258] : memref<131072x256xf32, #tpu.memory_space<hbm>> -> memref<128x256xf32, #tpu.memory_space<hbm>>
      %dma_wait3A_260 = tpu.memref_slice %arg8[%dma_wait3A_253] : memref<2x!tpu.dma_semaphore, #tpu.memory_space<semaphore_mem>> -> memref<1x!tpu.dma_semaphore, #tpu.memory_space<semaphore_mem>>
      %dma_wait3A_261 = tpu.memref_squeeze %dma_wait3A_260 : memref<1x!tpu.dma_semaphore, #tpu.memory_space<semaphore_mem>> -> memref<!tpu.dma_semaphore, #tpu.memory_space<semaphore_mem>>
      %dma_wait3A_262 = arith.constant 0 : i32
      %dma_wait3A_263 = tpu.memref_slice %arg4[%add3A_251, %dma_wait3A_262] : memref<131072x256xf32, #tpu.memory_space<hbm>> -> memref<128x256xf32, #tpu.memory_space<hbm>>
      %dma_wait3A_264 = arith.constant 0 : i32
      %dma_wait3A_265 = arith.constant 0 : i32
      %dma_wait3A_266 = tpu.memref_slice %arg6[%dma_wait3A_252, %dma_wait3A_264, %dma_wait3A_265] : memref<2x128x256xf32, #tpu.memory_space<vmem>> -> memref<1x128x256xf32, #tpu.memory_space<vmem>>
      %dma_wait3A_267 = tpu.memref_squeeze %dma_wait3A_266 : memref<1x128x256xf32, #tpu.memory_space<vmem>> -> memref<128x256xf32, #tpu.memory_space<vmem>>
      tpu.wait_dma2 semaphore(%dma_wait3A_261 : memref<!tpu.dma_semaphore, #tpu.memory_space<semaphore_mem>>) src(%dma_wait3A_267 : memref<128x256xf32, #tpu.memory_space<vmem>>) dst(%dma_wait3A_263 : memref<128x256xf32, #tpu.memory_space<hbm>>)
      %add3A_268 = arith.constant 2 : i32
      %add3A_269 = arith.addi %add3A_133, %add3A_268 : i32
      %add3A_270 = arith.constant 1 : i32
      %add3A_271 = arith.addi %add3A_269, %add3A_270 : i32
      %mul3A_272 = arith.constant 128 : i32
      %mul3A_273 = arith.muli %add3A_271, %mul3A_272 : i32
      %dma_start3A_274 = arith.constant 1 : i32
      %dma_start3A_275 = arith.constant 1 : i32
      %dma_start3A_276 = arith.constant 0 : i32
      %dma_start3A_277 = arith.constant 0 : i32
      %dma_start3A_278 = tpu.memref_slice %arg6[%dma_start3A_274, %dma_start3A_276, %dma_start3A_277] : memref<2x128x256xf32, #tpu.memory_space<vmem>> -> memref<1x128x256xf32, #tpu.memory_space<vmem>>
      %dma_start3A_279 = tpu.memref_squeeze %dma_start3A_278 : memref<1x128x256xf32, #tpu.memory_space<vmem>> -> memref<128x256xf32, #tpu.memory_space<vmem>>
      %dma_start3A_280 = tpu.memref_slice %arg5[%mul3A_273] : memref<4096xi32, #tpu.memory_space<vmem>> -> memref<128xi32, #tpu.memory_space<vmem>>
      %dma_start3A_281 = arith.constant 0 : i32
      %dma_start3A_282 = arith.constant 0 : i32
      %dma_start3A_283 = tpu.memref_slice %arg2[%dma_start3A_281, %dma_start3A_282] : memref<65536x256xf32, #tpu.memory_space<hbm>> -> memref<65536x256xf32, #tpu.memory_space<hbm>>
      %dma_start3A_284 = tpu.memref_slice %arg7[%dma_start3A_275] : memref<2x!tpu.dma_semaphore, #tpu.memory_space<semaphore_mem>> -> memref<1x!tpu.dma_semaphore, #tpu.memory_space<semaphore_mem>>
      %dma_start3A_285 = tpu.memref_squeeze %dma_start3A_284 : memref<1x!tpu.dma_semaphore, #tpu.memory_space<semaphore_mem>> -> memref<!tpu.dma_semaphore, #tpu.memory_space<semaphore_mem>>
      tpu.enqueue_indirect_dma source(%dma_start3A_283 : memref<65536x256xf32, #tpu.memory_space<hbm>>) target(%dma_start3A_279 : memref<128x256xf32, #tpu.memory_space<vmem>>) offsets(%dma_start3A_280 : memref<128xi32, #tpu.memory_space<vmem>>) semaphore(%dma_start3A_285 : memref<!tpu.dma_semaphore, #tpu.memory_space<semaphore_mem>>)
    }
    %scan3A_31 = arith.constant 15 : i32
    %dma_wait3A = arith.constant 0 : i32
    %dma_wait3A_32 = arith.constant 0 : i32
    %dma_wait3A_33 = arith.constant 0 : i32
    %dma_wait3A_34 = arith.constant 0 : i32
    %dma_wait3A_35 = tpu.memref_slice %arg6[%dma_wait3A, %dma_wait3A_33, %dma_wait3A_34] : memref<2x128x256xf32, #tpu.memory_space<vmem>> -> memref<1x128x256xf32, #tpu.memory_space<vmem>>
    %dma_wait3A_36 = tpu.memref_squeeze %dma_wait3A_35 : memref<1x128x256xf32, #tpu.memory_space<vmem>> -> memref<128x256xf32, #tpu.memory_space<vmem>>
    %dma_wait3A_37 = arith.constant 3840 : i32
    %dma_wait3A_38 = tpu.memref_slice %arg5[%dma_wait3A_37] : memref<4096xi32, #tpu.memory_space<vmem>> -> memref<128xi32, #tpu.memory_space<vmem>>
    %dma_wait3A_39 = arith.constant 0 : i32
    %dma_wait3A_40 = arith.constant 0 : i32
    %dma_wait3A_41 = tpu.memref_slice %arg2[%dma_wait3A_39, %dma_wait3A_40] : memref<65536x256xf32, #tpu.memory_space<hbm>> -> memref<65536x256xf32, #tpu.memory_space<hbm>>
    %dma_wait3A_42 = tpu.memref_slice %arg7[%dma_wait3A_32] : memref<2x!tpu.dma_semaphore, #tpu.memory_space<semaphore_mem>> -> memref<1x!tpu.dma_semaphore, #tpu.memory_space<semaphore_mem>>
    %dma_wait3A_43 = tpu.memref_squeeze %dma_wait3A_42 : memref<1x!tpu.dma_semaphore, #tpu.memory_space<semaphore_mem>> -> memref<!tpu.dma_semaphore, #tpu.memory_space<semaphore_mem>>
    tpu.wait_indirect_dma semaphore(%dma_wait3A_43 : memref<!tpu.dma_semaphore, #tpu.memory_space<semaphore_mem>>) src(%dma_wait3A_41 : memref<65536x256xf32, #tpu.memory_space<hbm>>) dst(%dma_wait3A_36 : memref<128x256xf32, #tpu.memory_space<vmem>>)
    %add3A_44 = arith.constant 3840 : i32
    %add3A_45 = arith.addi %mul3A_2, %add3A_44 : i32
    %dma_start3A_46 = arith.constant 0 : i32
    %dma_start3A_47 = arith.constant 0 : i32
    %dma_start3A_48 = arith.constant 0 : i32
    %dma_start3A_49 = arith.constant 0 : i32
    %dma_start3A_50 = tpu.memref_slice %arg6[%dma_start3A_46, %dma_start3A_48, %dma_start3A_49] : memref<2x128x256xf32, #tpu.memory_space<vmem>> -> memref<1x128x256xf32, #tpu.memory_space<vmem>>
    %dma_start3A_51 = tpu.memref_squeeze %dma_start3A_50 : memref<1x128x256xf32, #tpu.memory_space<vmem>> -> memref<128x256xf32, #tpu.memory_space<vmem>>
    %dma_start3A_52 = arith.constant 0 : i32
    %dma_start3A_53 = tpu.memref_slice %arg4[%add3A_45, %dma_start3A_52] : memref<131072x256xf32, #tpu.memory_space<hbm>> -> memref<128x256xf32, #tpu.memory_space<hbm>>
    %dma_start3A_54 = tpu.memref_slice %arg8[%dma_start3A_47] : memref<2x!tpu.dma_semaphore, #tpu.memory_space<semaphore_mem>> -> memref<1x!tpu.dma_semaphore, #tpu.memory_space<semaphore_mem>>
    %dma_start3A_55 = tpu.memref_squeeze %dma_start3A_54 : memref<1x!tpu.dma_semaphore, #tpu.memory_space<semaphore_mem>> -> memref<!tpu.dma_semaphore, #tpu.memory_space<semaphore_mem>>
    %dma_start3A_56 = arith.constant 0 : i32
    %dma_start3A_57 = tpu.memref_slice %arg4[%add3A_45, %dma_start3A_56] : memref<131072x256xf32, #tpu.memory_space<hbm>> -> memref<128x256xf32, #tpu.memory_space<hbm>>
    %dma_start3A_58 = arith.constant 0 : i32
    %dma_start3A_59 = arith.constant 0 : i32
    %dma_start3A_60 = tpu.memref_slice %arg6[%dma_start3A_46, %dma_start3A_58, %dma_start3A_59] : memref<2x128x256xf32, #tpu.memory_space<vmem>> -> memref<1x128x256xf32, #tpu.memory_space<vmem>>
    %dma_start3A_61 = tpu.memref_squeeze %dma_start3A_60 : memref<1x128x256xf32, #tpu.memory_space<vmem>> -> memref<128x256xf32, #tpu.memory_space<vmem>>
    tpu.enqueue_dma source(%dma_start3A_61 : memref<128x256xf32, #tpu.memory_space<vmem>>) target(%dma_start3A_57 : memref<128x256xf32, #tpu.memory_space<hbm>>) target_semaphore(%dma_start3A_55 : memref<!tpu.dma_semaphore, #tpu.memory_space<semaphore_mem>>)
    %dma_wait3A_62 = arith.constant 1 : i32
    %dma_wait3A_63 = arith.constant 1 : i32
    %dma_wait3A_64 = arith.constant 0 : i32
    %dma_wait3A_65 = arith.constant 0 : i32
    %dma_wait3A_66 = tpu.memref_slice %arg6[%dma_wait3A_62, %dma_wait3A_64, %dma_wait3A_65] : memref<2x128x256xf32, #tpu.memory_space<vmem>> -> memref<1x128x256xf32, #tpu.memory_space<vmem>>
    %dma_wait3A_67 = tpu.memref_squeeze %dma_wait3A_66 : memref<1x128x256xf32, #tpu.memory_space<vmem>> -> memref<128x256xf32, #tpu.memory_space<vmem>>
    %dma_wait3A_68 = arith.constant 3968 : i32
    %dma_wait3A_69 = tpu.memref_slice %arg5[%dma_wait3A_68] : memref<4096xi32, #tpu.memory_space<vmem>> -> memref<128xi32, #tpu.memory_space<vmem>>
    %dma_wait3A_70 = arith.constant 0 : i32
    %dma_wait3A_71 = arith.constant 0 : i32
    %dma_wait3A_72 = tpu.memref_slice %arg2[%dma_wait3A_70, %dma_wait3A_71] : memref<65536x256xf32, #tpu.memory_space<hbm>> -> memref<65536x256xf32, #tpu.memory_space<hbm>>
    %dma_wait3A_73 = tpu.memref_slice %arg7[%dma_wait3A_63] : memref<2x!tpu.dma_semaphore, #tpu.memory_space<semaphore_mem>> -> memref<1x!tpu.dma_semaphore, #tpu.memory_space<semaphore_mem>>
    %dma_wait3A_74 = tpu.memref_squeeze %dma_wait3A_73 : memref<1x!tpu.dma_semaphore, #tpu.memory_space<semaphore_mem>> -> memref<!tpu.dma_semaphore, #tpu.memory_space<semaphore_mem>>
    tpu.wait_indirect_dma semaphore(%dma_wait3A_74 : memref<!tpu.dma_semaphore, #tpu.memory_space<semaphore_mem>>) src(%dma_wait3A_72 : memref<65536x256xf32, #tpu.memory_space<hbm>>) dst(%dma_wait3A_67 : memref<128x256xf32, #tpu.memory_space<vmem>>)
    %add3A_75 = arith.constant 3968 : i32
    %add3A_76 = arith.addi %mul3A_2, %add3A_75 : i32
    %dma_start3A_77 = arith.constant 1 : i32
    %dma_start3A_78 = arith.constant 1 : i32
    %dma_start3A_79 = arith.constant 0 : i32
    %dma_start3A_80 = arith.constant 0 : i32
    %dma_start3A_81 = tpu.memref_slice %arg6[%dma_start3A_77, %dma_start3A_79, %dma_start3A_80] : memref<2x128x256xf32, #tpu.memory_space<vmem>> -> memref<1x128x256xf32, #tpu.memory_space<vmem>>
    %dma_start3A_82 = tpu.memref_squeeze %dma_start3A_81 : memref<1x128x256xf32, #tpu.memory_space<vmem>> -> memref<128x256xf32, #tpu.memory_space<vmem>>
    %dma_start3A_83 = arith.constant 0 : i32
    %dma_start3A_84 = tpu.memref_slice %arg4[%add3A_76, %dma_start3A_83] : memref<131072x256xf32, #tpu.memory_space<hbm>> -> memref<128x256xf32, #tpu.memory_space<hbm>>
    %dma_start3A_85 = tpu.memref_slice %arg8[%dma_start3A_78] : memref<2x!tpu.dma_semaphore, #tpu.memory_space<semaphore_mem>> -> memref<1x!tpu.dma_semaphore, #tpu.memory_space<semaphore_mem>>
    %dma_start3A_86 = tpu.memref_squeeze %dma_start3A_85 : memref<1x!tpu.dma_semaphore, #tpu.memory_space<semaphore_mem>> -> memref<!tpu.dma_semaphore, #tpu.memory_space<semaphore_mem>>
    %dma_start3A_87 = arith.constant 0 : i32
    %dma_start3A_88 = tpu.memref_slice %arg4[%add3A_76, %dma_start3A_87] : memref<131072x256xf32, #tpu.memory_space<hbm>> -> memref<128x256xf32, #tpu.memory_space<hbm>>
    %dma_start3A_89 = arith.constant 0 : i32
    %dma_start3A_90 = arith.constant 0 : i32
    %dma_start3A_91 = tpu.memref_slice %arg6[%dma_start3A_77, %dma_start3A_89, %dma_start3A_90] : memref<2x128x256xf32, #tpu.memory_space<vmem>> -> memref<1x128x256xf32, #tpu.memory_space<vmem>>
    %dma_start3A_92 = tpu.memref_squeeze %dma_start3A_91 : memref<1x128x256xf32, #tpu.memory_space<vmem>> -> memref<128x256xf32, #tpu.memory_space<vmem>>
    tpu.enqueue_dma source(%dma_start3A_92 : memref<128x256xf32, #tpu.memory_space<vmem>>) target(%dma_start3A_88 : memref<128x256xf32, #tpu.memory_space<hbm>>) target_semaphore(%dma_start3A_86 : memref<!tpu.dma_semaphore, #tpu.memory_space<semaphore_mem>>)
    %add3A_93 = arith.constant 3840 : i32
    %add3A_94 = arith.addi %mul3A_2, %add3A_93 : i32
    %dma_wait3A_95 = arith.constant 0 : i32
    %dma_wait3A_96 = arith.constant 0 : i32
    %dma_wait3A_97 = arith.constant 0 : i32
    %dma_wait3A_98 = arith.constant 0 : i32
    %dma_wait3A_99 = tpu.memref_slice %arg6[%dma_wait3A_95, %dma_wait3A_97, %dma_wait3A_98] : memref<2x128x256xf32, #tpu.memory_space<vmem>> -> memref<1x128x256xf32, #tpu.memory_space<vmem>>
    %dma_wait3A_100 = tpu.memref_squeeze %dma_wait3A_99 : memref<1x128x256xf32, #tpu.memory_space<vmem>> -> memref<128x256xf32, #tpu.memory_space<vmem>>
    %dma_wait3A_101 = arith.constant 0 : i32
    %dma_wait3A_102 = tpu.memref_slice %arg4[%add3A_94, %dma_wait3A_101] : memref<131072x256xf32, #tpu.memory_space<hbm>> -> memref<128x256xf32, #tpu.memory_space<hbm>>
    %dma_wait3A_103 = tpu.memref_slice %arg8[%dma_wait3A_96] : memref<2x!tpu.dma_semaphore, #tpu.memory_space<semaphore_mem>> -> memref<1x!tpu.dma_semaphore, #tpu.memory_space<semaphore_mem>>
    %dma_wait3A_104 = tpu.memref_squeeze %dma_wait3A_103 : memref<1x!tpu.dma_semaphore, #tpu.memory_space<semaphore_mem>> -> memref<!tpu.dma_semaphore, #tpu.memory_space<semaphore_mem>>
    %dma_wait3A_105 = arith.constant 0 : i32
    %dma_wait3A_106 = tpu.memref_slice %arg4[%add3A_94, %dma_wait3A_105] : memref<131072x256xf32, #tpu.memory_space<hbm>> -> memref<128x256xf32, #tpu.memory_space<hbm>>
    %dma_wait3A_107 = arith.constant 0 : i32
    %dma_wait3A_108 = arith.constant 0 : i32
    %dma_wait3A_109 = tpu.memref_slice %arg6[%dma_wait3A_95, %dma_wait3A_107, %dma_wait3A_108] : memref<2x128x256xf32, #tpu.memory_space<vmem>> -> memref<1x128x256xf32, #tpu.memory_space<vmem>>
    %dma_wait3A_110 = tpu.memref_squeeze %dma_wait3A_109 : memref<1x128x256xf32, #tpu.memory_space<vmem>> -> memref<128x256xf32, #tpu.memory_space<vmem>>
    tpu.wait_dma2 semaphore(%dma_wait3A_104 : memref<!tpu.dma_semaphore, #tpu.memory_space<semaphore_mem>>) src(%dma_wait3A_110 : memref<128x256xf32, #tpu.memory_space<vmem>>) dst(%dma_wait3A_106 : memref<128x256xf32, #tpu.memory_space<hbm>>)
    %add3A_111 = arith.constant 3968 : i32
    %add3A_112 = arith.addi %mul3A_2, %add3A_111 : i32
    %dma_wait3A_113 = arith.constant 1 : i32
    %dma_wait3A_114 = arith.constant 1 : i32
    %dma_wait3A_115 = arith.constant 0 : i32
    %dma_wait3A_116 = arith.constant 0 : i32
    %dma_wait3A_117 = tpu.memref_slice %arg6[%dma_wait3A_113, %dma_wait3A_115, %dma_wait3A_116] : memref<2x128x256xf32, #tpu.memory_space<vmem>> -> memref<1x128x256xf32, #tpu.memory_space<vmem>>
    %dma_wait3A_118 = tpu.memref_squeeze %dma_wait3A_117 : memref<1x128x256xf32, #tpu.memory_space<vmem>> -> memref<128x256xf32, #tpu.memory_space<vmem>>
    %dma_wait3A_119 = arith.constant 0 : i32
    %dma_wait3A_120 = tpu.memref_slice %arg4[%add3A_112, %dma_wait3A_119] : memref<131072x256xf32, #tpu.memory_space<hbm>> -> memref<128x256xf32, #tpu.memory_space<hbm>>
    %dma_wait3A_121 = tpu.memref_slice %arg8[%dma_wait3A_114] : memref<2x!tpu.dma_semaphore, #tpu.memory_space<semaphore_mem>> -> memref<1x!tpu.dma_semaphore, #tpu.memory_space<semaphore_mem>>
    %dma_wait3A_122 = tpu.memref_squeeze %dma_wait3A_121 : memref<1x!tpu.dma_semaphore, #tpu.memory_space<semaphore_mem>> -> memref<!tpu.dma_semaphore, #tpu.memory_space<semaphore_mem>>
    %dma_wait3A_123 = arith.constant 0 : i32
    %dma_wait3A_124 = tpu.memref_slice %arg4[%add3A_112, %dma_wait3A_123] : memref<131072x256xf32, #tpu.memory_space<hbm>> -> memref<128x256xf32, #tpu.memory_space<hbm>>
    %dma_wait3A_125 = arith.constant 0 : i32
    %dma_wait3A_126 = arith.constant 0 : i32
    %dma_wait3A_127 = tpu.memref_slice %arg6[%dma_wait3A_113, %dma_wait3A_125, %dma_wait3A_126] : memref<2x128x256xf32, #tpu.memory_space<vmem>> -> memref<1x128x256xf32, #tpu.memory_space<vmem>>
    %dma_wait3A_128 = tpu.memref_squeeze %dma_wait3A_127 : memref<1x128x256xf32, #tpu.memory_space<vmem>> -> memref<128x256xf32, #tpu.memory_space<vmem>>
    tpu.wait_dma2 semaphore(%dma_wait3A_122 : memref<!tpu.dma_semaphore, #tpu.memory_space<semaphore_mem>>) src(%dma_wait3A_128 : memref<128x256xf32, #tpu.memory_space<vmem>>) dst(%dma_wait3A_124 : memref<128x256xf32, #tpu.memory_space<hbm>>)
    return
  }
}

#map = affine_map<(d0, d1) -> (0, 0)>
#map1 = affine_map<(d0, d1) -> (0)>
module attributes {stable_mosaic.version = 14 : i64} {
  func.func @gather_kernel(%arg0: i32, %arg1: i32, %arg2: memref<65536x256xf32, #tpu.memory_space<hbm>>, %arg3: memref<131072xi32, #tpu.memory_space<hbm>>, %arg4: memref<131072x256xf32, #tpu.memory_space<hbm>>, %arg5: memref<4096xi32, #tpu.memory_space<vmem>>, %arg6: memref<2x128x256xf32, #tpu.memory_space<vmem>>, %arg7: memref<2x!tpu.dma_semaphore, #tpu.memory_space<semaphore_mem>>, %arg8: memref<2x!tpu.dma_semaphore, #tpu.memory_space<semaphore_mem>>) attributes {dimension_semantics = [#tpu.dimension_semantics<core_parallel>, #tpu.dimension_semantics<subcore_parallel>], iteration_bounds = array<i64: 2, 16>, scalar_prefetch = 0 : i64, scratch_operands = 4 : i64, tpu.core_type = #tpu.core_type<sc_vector_subcore>, window_params = [{transform_indices = #map}, {transform_indices = #map1}, {transform_indices = #map}]} {
    %mul3A = arith.constant 2 : i32
    %mul3A_0 = arith.muli %arg1, %mul3A : i32
    %add3A = arith.addi %mul3A_0, %arg0 : i32
    %mul3A_1 = arith.constant 4096 : i32
    %mul3A_2 = arith.muli %add3A, %mul3A_1 : i32
    "tpu.region"() ({
      %run_scoped3A = tpu.sem_alloc : memref<!tpu.dma_semaphore, #tpu.memory_space<semaphore_mem>>
      %dma_start3A_129 = tpu.memref_slice %arg3[%mul3A_2] : memref<131072xi32, #tpu.memory_space<hbm>> -> memref<4096xi32, #tpu.memory_space<hbm>>
      %dma_start3A_130 = tpu.memref_slice %arg3[%mul3A_2] : memref<131072xi32, #tpu.memory_space<hbm>> -> memref<4096xi32, #tpu.memory_space<hbm>>
      tpu.enqueue_dma source(%dma_start3A_130 : memref<4096xi32, #tpu.memory_space<hbm>>) target(%arg5 : memref<4096xi32, #tpu.memory_space<vmem>>) target_semaphore(%run_scoped3A : memref<!tpu.dma_semaphore, #tpu.memory_space<semaphore_mem>>)
      %dma_wait3A_131 = tpu.memref_slice %arg3[%mul3A_2] : memref<131072xi32, #tpu.memory_space<hbm>> -> memref<4096xi32, #tpu.memory_space<hbm>>
      %dma_wait3A_132 = tpu.memref_slice %arg3[%mul3A_2] : memref<131072xi32, #tpu.memory_space<hbm>> -> memref<4096xi32, #tpu.memory_space<hbm>>
      tpu.wait_dma2 semaphore(%run_scoped3A : memref<!tpu.dma_semaphore, #tpu.memory_space<semaphore_mem>>) src(%dma_wait3A_132 : memref<4096xi32, #tpu.memory_space<hbm>>) dst(%arg5 : memref<4096xi32, #tpu.memory_space<vmem>>)
      tpu.yield
    }) : () -> ()
    %dma_start3A = arith.constant 0 : i32
    %dma_start3A_3 = arith.constant 0 : i32
    %dma_start3A_4 = arith.constant 0 : i32
    %dma_start3A_5 = arith.constant 0 : i32
    %dma_start3A_6 = tpu.memref_slice %arg6[%dma_start3A, %dma_start3A_4, %dma_start3A_5] : memref<2x128x256xf32, #tpu.memory_space<vmem>> -> memref<1x128x256xf32, #tpu.memory_space<vmem>>
    %dma_start3A_7 = tpu.memref_squeeze %dma_start3A_6 : memref<1x128x256xf32, #tpu.memory_space<vmem>> -> memref<128x256xf32, #tpu.memory_space<vmem>>
    %dma_start3A_8 = arith.constant 0 : i32
    %dma_start3A_9 = tpu.memref_slice %arg5[%dma_start3A_8] : memref<4096xi32, #tpu.memory_space<vmem>> -> memref<128xi32, #tpu.memory_space<vmem>>
    %dma_start3A_10 = arith.constant 0 : i32
    %dma_start3A_11 = arith.constant 0 : i32
    %dma_start3A_12 = tpu.memref_slice %arg2[%dma_start3A_10, %dma_start3A_11] : memref<65536x256xf32, #tpu.memory_space<hbm>> -> memref<65536x256xf32, #tpu.memory_space<hbm>>
    %dma_start3A_13 = tpu.memref_slice %arg7[%dma_start3A_3] : memref<2x!tpu.dma_semaphore, #tpu.memory_space<semaphore_mem>> -> memref<1x!tpu.dma_semaphore, #tpu.memory_space<semaphore_mem>>
    %dma_start3A_14 = tpu.memref_squeeze %dma_start3A_13 : memref<1x!tpu.dma_semaphore, #tpu.memory_space<semaphore_mem>> -> memref<!tpu.dma_semaphore, #tpu.memory_space<semaphore_mem>>
    tpu.enqueue_indirect_dma source(%dma_start3A_12 : memref<65536x256xf32, #tpu.memory_space<hbm>>) target(%dma_start3A_7 : memref<128x256xf32, #tpu.memory_space<vmem>>) offsets(%dma_start3A_9 : memref<128xi32, #tpu.memory_space<vmem>>) semaphore(%dma_start3A_14 : memref<!tpu.dma_semaphore, #tpu.memory_space<semaphore_mem>>)
    %dma_start3A_15 = arith.constant 1 : i32
    %dma_start3A_16 = arith.constant 1 : i32
    %dma_start3A_17 = arith.constant 0 : i32
    %dma_start3A_18 = arith.constant 0 : i32
    %dma_start3A_19 = tpu.memref_slice %arg6[%dma_start3A_15, %dma_start3A_17, %dma_start3A_18] : memref<2x128x256xf32, #tpu.memory_space<vmem>> -> memref<1x128x256xf32, #tpu.memory_space<vmem>>
    %dma_start3A_20 = tpu.memref_squeeze %dma_start3A_19 : memref<1x128x256xf32, #tpu.memory_space<vmem>> -> memref<128x256xf32, #tpu.memory_space<vmem>>
    %dma_start3A_21 = arith.constant 128 : i32
    %dma_start3A_22 = tpu.memref_slice %arg5[%dma_start3A_21] : memref<4096xi32, #tpu.memory_space<vmem>> -> memref<128xi32, #tpu.memory_space<vmem>>
    %dma_start3A_23 = arith.constant 0 : i32
    %dma_start3A_24 = arith.constant 0 : i32
    %dma_start3A_25 = tpu.memref_slice %arg2[%dma_start3A_23, %dma_start3A_24] : memref<65536x256xf32, #tpu.memory_space<hbm>> -> memref<65536x256xf32, #tpu.memory_space<hbm>>
    %dma_start3A_26 = tpu.memref_slice %arg7[%dma_start3A_16] : memref<2x!tpu.dma_semaphore, #tpu.memory_space<semaphore_mem>> -> memref<1x!tpu.dma_semaphore, #tpu.memory_space<semaphore_mem>>
    %dma_start3A_27 = tpu.memref_squeeze %dma_start3A_26 : memref<1x!tpu.dma_semaphore, #tpu.memory_space<semaphore_mem>> -> memref<!tpu.dma_semaphore, #tpu.memory_space<semaphore_mem>>
    tpu.enqueue_indirect_dma source(%dma_start3A_25 : memref<65536x256xf32, #tpu.memory_space<hbm>>) target(%dma_start3A_20 : memref<128x256xf32, #tpu.memory_space<vmem>>) offsets(%dma_start3A_22 : memref<128xi32, #tpu.memory_space<vmem>>) semaphore(%dma_start3A_27 : memref<!tpu.dma_semaphore, #tpu.memory_space<semaphore_mem>>)
    %scan3A = arith.constant 0 : i32
    %scan3A_28 = arith.constant 15 : i32
    %scan3A_29 = arith.addi %scan3A, %scan3A_28 : i32
    %scan3A_30 = arith.constant 1 : i32
    scf.for %scan3A_129 = %scan3A to %scan3A_29 step %scan3A_30  : i32 {
      %mul3A_130 = arith.constant 2 : i32
      %mul3A_131 = arith.muli %scan3A_129, %mul3A_130 : i32
      %add3A_132 = arith.constant 0 : i32
      %add3A_133 = arith.addi %add3A_132, %mul3A_131 : i32
      %add3A_134 = arith.constant 0 : i32
      %add3A_135 = arith.addi %add3A_133, %add3A_134 : i32
      %mul3A_136 = arith.constant 128 : i32
      %mul3A_137 = arith.muli %add3A_135, %mul3A_136 : i32
      %dma_wait3A_138 = arith.constant 0 : i32
      %dma_wait3A_139 = arith.constant 0 : i32
      %dma_wait3A_140 = arith.constant 0 : i32
      %dma_wait3A_141 = arith.constant 0 : i32
      %dma_wait3A_142 = tpu.memref_slice %arg6[%dma_wait3A_138, %dma_wait3A_140, %dma_wait3A_141] : memref<2x128x256xf32, #tpu.memory_space<vmem>> -> memref<1x128x256xf32, #tpu.memory_space<vmem>>
      %dma_wait3A_143 = tpu.memref_squeeze %dma_wait3A_142 : memref<1x128x256xf32, #tpu.memory_space<vmem>> -> memref<128x256xf32, #tpu.memory_space<vmem>>
      %dma_wait3A_144 = tpu.memref_slice %arg5[%mul3A_137] : memref<4096xi32, #tpu.memory_space<vmem>> -> memref<128xi32, #tpu.memory_space<vmem>>
      %dma_wait3A_145 = arith.constant 0 : i32
      %dma_wait3A_146 = arith.constant 0 : i32
      %dma_wait3A_147 = tpu.memref_slice %arg2[%dma_wait3A_145, %dma_wait3A_146] : memref<65536x256xf32, #tpu.memory_space<hbm>> -> memref<65536x256xf32, #tpu.memory_space<hbm>>
      %dma_wait3A_148 = tpu.memref_slice %arg7[%dma_wait3A_139] : memref<2x!tpu.dma_semaphore, #tpu.memory_space<semaphore_mem>> -> memref<1x!tpu.dma_semaphore, #tpu.memory_space<semaphore_mem>>
      %dma_wait3A_149 = tpu.memref_squeeze %dma_wait3A_148 : memref<1x!tpu.dma_semaphore, #tpu.memory_space<semaphore_mem>> -> memref<!tpu.dma_semaphore, #tpu.memory_space<semaphore_mem>>
      tpu.wait_indirect_dma semaphore(%dma_wait3A_149 : memref<!tpu.dma_semaphore, #tpu.memory_space<semaphore_mem>>) src(%dma_wait3A_147 : memref<65536x256xf32, #tpu.memory_space<hbm>>) dst(%dma_wait3A_143 : memref<128x256xf32, #tpu.memory_space<vmem>>)
      %add3A_150 = arith.constant 0 : i32
      %add3A_151 = arith.addi %add3A_133, %add3A_150 : i32
      %mul3A_152 = arith.constant 128 : i32
      %mul3A_153 = arith.muli %add3A_151, %mul3A_152 : i32
      %add3A_154 = arith.addi %mul3A_2, %mul3A_153 : i32
      %dma_start3A_155 = arith.constant 0 : i32
      %dma_start3A_156 = arith.constant 0 : i32
      %dma_start3A_157 = arith.constant 0 : i32
      %dma_start3A_158 = arith.constant 0 : i32
      %dma_start3A_159 = tpu.memref_slice %arg6[%dma_start3A_155, %dma_start3A_157, %dma_start3A_158] : memref<2x128x256xf32, #tpu.memory_space<vmem>> -> memref<1x128x256xf32, #tpu.memory_space<vmem>>
      %dma_start3A_160 = tpu.memref_squeeze %dma_start3A_159 : memref<1x128x256xf32, #tpu.memory_space<vmem>> -> memref<128x256xf32, #tpu.memory_space<vmem>>
      %dma_start3A_161 = arith.constant 0 : i32
      %dma_start3A_162 = tpu.memref_slice %arg4[%add3A_154, %dma_start3A_161] : memref<131072x256xf32, #tpu.memory_space<hbm>> -> memref<128x256xf32, #tpu.memory_space<hbm>>
      %dma_start3A_163 = tpu.memref_slice %arg8[%dma_start3A_156] : memref<2x!tpu.dma_semaphore, #tpu.memory_space<semaphore_mem>> -> memref<1x!tpu.dma_semaphore, #tpu.memory_space<semaphore_mem>>
      %dma_start3A_164 = tpu.memref_squeeze %dma_start3A_163 : memref<1x!tpu.dma_semaphore, #tpu.memory_space<semaphore_mem>> -> memref<!tpu.dma_semaphore, #tpu.memory_space<semaphore_mem>>
      %dma_start3A_165 = arith.constant 0 : i32
      %dma_start3A_166 = tpu.memref_slice %arg4[%add3A_154, %dma_start3A_165] : memref<131072x256xf32, #tpu.memory_space<hbm>> -> memref<128x256xf32, #tpu.memory_space<hbm>>
      %dma_start3A_167 = arith.constant 0 : i32
      %dma_start3A_168 = arith.constant 0 : i32
      %dma_start3A_169 = tpu.memref_slice %arg6[%dma_start3A_155, %dma_start3A_167, %dma_start3A_168] : memref<2x128x256xf32, #tpu.memory_space<vmem>> -> memref<1x128x256xf32, #tpu.memory_space<vmem>>
      %dma_start3A_170 = tpu.memref_squeeze %dma_start3A_169 : memref<1x128x256xf32, #tpu.memory_space<vmem>> -> memref<128x256xf32, #tpu.memory_space<vmem>>
      tpu.enqueue_dma source(%dma_start3A_170 : memref<128x256xf32, #tpu.memory_space<vmem>>) target(%dma_start3A_166 : memref<128x256xf32, #tpu.memory_space<hbm>>) target_semaphore(%dma_start3A_164 : memref<!tpu.dma_semaphore, #tpu.memory_space<semaphore_mem>>)
      %add3A_171 = arith.constant 1 : i32
      %add3A_172 = arith.addi %add3A_133, %add3A_171 : i32
      %mul3A_173 = arith.constant 128 : i32
      %mul3A_174 = arith.muli %add3A_172, %mul3A_173 : i32
      %dma_wait3A_175 = arith.constant 1 : i32
      %dma_wait3A_176 = arith.constant 1 : i32
      %dma_wait3A_177 = arith.constant 0 : i32
      %dma_wait3A_178 = arith.constant 0 : i32
      %dma_wait3A_179 = tpu.memref_slice %arg6[%dma_wait3A_175, %dma_wait3A_177, %dma_wait3A_178] : memref<2x128x256xf32, #tpu.memory_space<vmem>> -> memref<1x128x256xf32, #tpu.memory_space<vmem>>
      %dma_wait3A_180 = tpu.memref_squeeze %dma_wait3A_179 : memref<1x128x256xf32, #tpu.memory_space<vmem>> -> memref<128x256xf32, #tpu.memory_space<vmem>>
      %dma_wait3A_181 = tpu.memref_slice %arg5[%mul3A_174] : memref<4096xi32, #tpu.memory_space<vmem>> -> memref<128xi32, #tpu.memory_space<vmem>>
      %dma_wait3A_182 = arith.constant 0 : i32
      %dma_wait3A_183 = arith.constant 0 : i32
      %dma_wait3A_184 = tpu.memref_slice %arg2[%dma_wait3A_182, %dma_wait3A_183] : memref<65536x256xf32, #tpu.memory_space<hbm>> -> memref<65536x256xf32, #tpu.memory_space<hbm>>
      %dma_wait3A_185 = tpu.memref_slice %arg7[%dma_wait3A_176] : memref<2x!tpu.dma_semaphore, #tpu.memory_space<semaphore_mem>> -> memref<1x!tpu.dma_semaphore, #tpu.memory_space<semaphore_mem>>
      %dma_wait3A_186 = tpu.memref_squeeze %dma_wait3A_185 : memref<1x!tpu.dma_semaphore, #tpu.memory_space<semaphore_mem>> -> memref<!tpu.dma_semaphore, #tpu.memory_space<semaphore_mem>>
      tpu.wait_indirect_dma semaphore(%dma_wait3A_186 : memref<!tpu.dma_semaphore, #tpu.memory_space<semaphore_mem>>) src(%dma_wait3A_184 : memref<65536x256xf32, #tpu.memory_space<hbm>>) dst(%dma_wait3A_180 : memref<128x256xf32, #tpu.memory_space<vmem>>)
      %add3A_187 = arith.constant 1 : i32
      %add3A_188 = arith.addi %add3A_133, %add3A_187 : i32
      %mul3A_189 = arith.constant 128 : i32
      %mul3A_190 = arith.muli %add3A_188, %mul3A_189 : i32
      %add3A_191 = arith.addi %mul3A_2, %mul3A_190 : i32
      %dma_start3A_192 = arith.constant 1 : i32
      %dma_start3A_193 = arith.constant 1 : i32
      %dma_start3A_194 = arith.constant 0 : i32
      %dma_start3A_195 = arith.constant 0 : i32
      %dma_start3A_196 = tpu.memref_slice %arg6[%dma_start3A_192, %dma_start3A_194, %dma_start3A_195] : memref<2x128x256xf32, #tpu.memory_space<vmem>> -> memref<1x128x256xf32, #tpu.memory_space<vmem>>
      %dma_start3A_197 = tpu.memref_squeeze %dma_start3A_196 : memref<1x128x256xf32, #tpu.memory_space<vmem>> -> memref<128x256xf32, #tpu.memory_space<vmem>>
      %dma_start3A_198 = arith.constant 0 : i32
      %dma_start3A_199 = tpu.memref_slice %arg4[%add3A_191, %dma_start3A_198] : memref<131072x256xf32, #tpu.memory_space<hbm>> -> memref<128x256xf32, #tpu.memory_space<hbm>>
      %dma_start3A_200 = tpu.memref_slice %arg8[%dma_start3A_193] : memref<2x!tpu.dma_semaphore, #tpu.memory_space<semaphore_mem>> -> memref<1x!tpu.dma_semaphore, #tpu.memory_space<semaphore_mem>>
      %dma_start3A_201 = tpu.memref_squeeze %dma_start3A_200 : memref<1x!tpu.dma_semaphore, #tpu.memory_space<semaphore_mem>> -> memref<!tpu.dma_semaphore, #tpu.memory_space<semaphore_mem>>
      %dma_start3A_202 = arith.constant 0 : i32
      %dma_start3A_203 = tpu.memref_slice %arg4[%add3A_191, %dma_start3A_202] : memref<131072x256xf32, #tpu.memory_space<hbm>> -> memref<128x256xf32, #tpu.memory_space<hbm>>
      %dma_start3A_204 = arith.constant 0 : i32
      %dma_start3A_205 = arith.constant 0 : i32
      %dma_start3A_206 = tpu.memref_slice %arg6[%dma_start3A_192, %dma_start3A_204, %dma_start3A_205] : memref<2x128x256xf32, #tpu.memory_space<vmem>> -> memref<1x128x256xf32, #tpu.memory_space<vmem>>
      %dma_start3A_207 = tpu.memref_squeeze %dma_start3A_206 : memref<1x128x256xf32, #tpu.memory_space<vmem>> -> memref<128x256xf32, #tpu.memory_space<vmem>>
      tpu.enqueue_dma source(%dma_start3A_207 : memref<128x256xf32, #tpu.memory_space<vmem>>) target(%dma_start3A_203 : memref<128x256xf32, #tpu.memory_space<hbm>>) target_semaphore(%dma_start3A_201 : memref<!tpu.dma_semaphore, #tpu.memory_space<semaphore_mem>>)
      %add3A_208 = arith.constant 0 : i32
      %add3A_209 = arith.addi %add3A_133, %add3A_208 : i32
      %mul3A_210 = arith.constant 128 : i32
      %mul3A_211 = arith.muli %add3A_209, %mul3A_210 : i32
      %add3A_212 = arith.addi %mul3A_2, %mul3A_211 : i32
      %dma_wait3A_213 = arith.constant 0 : i32
      %dma_wait3A_214 = arith.constant 0 : i32
      %dma_wait3A_215 = arith.constant 0 : i32
      %dma_wait3A_216 = arith.constant 0 : i32
      %dma_wait3A_217 = tpu.memref_slice %arg6[%dma_wait3A_213, %dma_wait3A_215, %dma_wait3A_216] : memref<2x128x256xf32, #tpu.memory_space<vmem>> -> memref<1x128x256xf32, #tpu.memory_space<vmem>>
      %dma_wait3A_218 = tpu.memref_squeeze %dma_wait3A_217 : memref<1x128x256xf32, #tpu.memory_space<vmem>> -> memref<128x256xf32, #tpu.memory_space<vmem>>
      %dma_wait3A_219 = arith.constant 0 : i32
      %dma_wait3A_220 = tpu.memref_slice %arg4[%add3A_212, %dma_wait3A_219] : memref<131072x256xf32, #tpu.memory_space<hbm>> -> memref<128x256xf32, #tpu.memory_space<hbm>>
      %dma_wait3A_221 = tpu.memref_slice %arg8[%dma_wait3A_214] : memref<2x!tpu.dma_semaphore, #tpu.memory_space<semaphore_mem>> -> memref<1x!tpu.dma_semaphore, #tpu.memory_space<semaphore_mem>>
      %dma_wait3A_222 = tpu.memref_squeeze %dma_wait3A_221 : memref<1x!tpu.dma_semaphore, #tpu.memory_space<semaphore_mem>> -> memref<!tpu.dma_semaphore, #tpu.memory_space<semaphore_mem>>
      %dma_wait3A_223 = arith.constant 0 : i32
      %dma_wait3A_224 = tpu.memref_slice %arg4[%add3A_212, %dma_wait3A_223] : memref<131072x256xf32, #tpu.memory_space<hbm>> -> memref<128x256xf32, #tpu.memory_space<hbm>>
      %dma_wait3A_225 = arith.constant 0 : i32
      %dma_wait3A_226 = arith.constant 0 : i32
      %dma_wait3A_227 = tpu.memref_slice %arg6[%dma_wait3A_213, %dma_wait3A_225, %dma_wait3A_226] : memref<2x128x256xf32, #tpu.memory_space<vmem>> -> memref<1x128x256xf32, #tpu.memory_space<vmem>>
      %dma_wait3A_228 = tpu.memref_squeeze %dma_wait3A_227 : memref<1x128x256xf32, #tpu.memory_space<vmem>> -> memref<128x256xf32, #tpu.memory_space<vmem>>
      tpu.wait_dma2 semaphore(%dma_wait3A_222 : memref<!tpu.dma_semaphore, #tpu.memory_space<semaphore_mem>>) src(%dma_wait3A_228 : memref<128x256xf32, #tpu.memory_space<vmem>>) dst(%dma_wait3A_224 : memref<128x256xf32, #tpu.memory_space<hbm>>)
      %add3A_229 = arith.constant 2 : i32
      %add3A_230 = arith.addi %add3A_133, %add3A_229 : i32
      %add3A_231 = arith.constant 0 : i32
      %add3A_232 = arith.addi %add3A_230, %add3A_231 : i32
      %mul3A_233 = arith.constant 128 : i32
      %mul3A_234 = arith.muli %add3A_232, %mul3A_233 : i32
      %dma_start3A_235 = arith.constant 0 : i32
      %dma_start3A_236 = arith.constant 0 : i32
      %dma_start3A_237 = arith.constant 0 : i32
      %dma_start3A_238 = arith.constant 0 : i32
      %dma_start3A_239 = tpu.memref_slice %arg6[%dma_start3A_235, %dma_start3A_237, %dma_start3A_238] : memref<2x128x256xf32, #tpu.memory_space<vmem>> -> memref<1x128x256xf32, #tpu.memory_space<vmem>>
      %dma_start3A_240 = tpu.memref_squeeze %dma_start3A_239 : memref<1x128x256xf32, #tpu.memory_space<vmem>> -> memref<128x256xf32, #tpu.memory_space<vmem>>
      %dma_start3A_241 = tpu.memref_slice %arg5[%mul3A_234] : memref<4096xi32, #tpu.memory_space<vmem>> -> memref<128xi32, #tpu.memory_space<vmem>>
      %dma_start3A_242 = arith.constant 0 : i32
      %dma_start3A_243 = arith.constant 0 : i32
      %dma_start3A_244 = tpu.memref_slice %arg2[%dma_start3A_242, %dma_start3A_243] : memref<65536x256xf32, #tpu.memory_space<hbm>> -> memref<65536x256xf32, #tpu.memory_space<hbm>>
      %dma_start3A_245 = tpu.memref_slice %arg7[%dma_start3A_236] : memref<2x!tpu.dma_semaphore, #tpu.memory_space<semaphore_mem>> -> memref<1x!tpu.dma_semaphore, #tpu.memory_space<semaphore_mem>>
      %dma_start3A_246 = tpu.memref_squeeze %dma_start3A_245 : memref<1x!tpu.dma_semaphore, #tpu.memory_space<semaphore_mem>> -> memref<!tpu.dma_semaphore, #tpu.memory_space<semaphore_mem>>
      tpu.enqueue_indirect_dma source(%dma_start3A_244 : memref<65536x256xf32, #tpu.memory_space<hbm>>) target(%dma_start3A_240 : memref<128x256xf32, #tpu.memory_space<vmem>>) offsets(%dma_start3A_241 : memref<128xi32, #tpu.memory_space<vmem>>) semaphore(%dma_start3A_246 : memref<!tpu.dma_semaphore, #tpu.memory_space<semaphore_mem>>)
      %add3A_247 = arith.constant 1 : i32
      %add3A_248 = arith.addi %add3A_133, %add3A_247 : i32
      %mul3A_249 = arith.constant 128 : i32
      %mul3A_250 = arith.muli %add3A_248, %mul3A_249 : i32
      %add3A_251 = arith.addi %mul3A_2, %mul3A_250 : i32
      %dma_wait3A_252 = arith.constant 1 : i32
      %dma_wait3A_253 = arith.constant 1 : i32
      %dma_wait3A_254 = arith.constant 0 : i32
      %dma_wait3A_255 = arith.constant 0 : i32
      %dma_wait3A_256 = tpu.memref_slice %arg6[%dma_wait3A_252, %dma_wait3A_254, %dma_wait3A_255] : memref<2x128x256xf32, #tpu.memory_space<vmem>> -> memref<1x128x256xf32, #tpu.memory_space<vmem>>
      %dma_wait3A_257 = tpu.memref_squeeze %dma_wait3A_256 : memref<1x128x256xf32, #tpu.memory_space<vmem>> -> memref<128x256xf32, #tpu.memory_space<vmem>>
      %dma_wait3A_258 = arith.constant 0 : i32
      %dma_wait3A_259 = tpu.memref_slice %arg4[%add3A_251, %dma_wait3A_258] : memref<131072x256xf32, #tpu.memory_space<hbm>> -> memref<128x256xf32, #tpu.memory_space<hbm>>
      %dma_wait3A_260 = tpu.memref_slice %arg8[%dma_wait3A_253] : memref<2x!tpu.dma_semaphore, #tpu.memory_space<semaphore_mem>> -> memref<1x!tpu.dma_semaphore, #tpu.memory_space<semaphore_mem>>
      %dma_wait3A_261 = tpu.memref_squeeze %dma_wait3A_260 : memref<1x!tpu.dma_semaphore, #tpu.memory_space<semaphore_mem>> -> memref<!tpu.dma_semaphore, #tpu.memory_space<semaphore_mem>>
      %dma_wait3A_262 = arith.constant 0 : i32
      %dma_wait3A_263 = tpu.memref_slice %arg4[%add3A_251, %dma_wait3A_262] : memref<131072x256xf32, #tpu.memory_space<hbm>> -> memref<128x256xf32, #tpu.memory_space<hbm>>
      %dma_wait3A_264 = arith.constant 0 : i32
      %dma_wait3A_265 = arith.constant 0 : i32
      %dma_wait3A_266 = tpu.memref_slice %arg6[%dma_wait3A_252, %dma_wait3A_264, %dma_wait3A_265] : memref<2x128x256xf32, #tpu.memory_space<vmem>> -> memref<1x128x256xf32, #tpu.memory_space<vmem>>
      %dma_wait3A_267 = tpu.memref_squeeze %dma_wait3A_266 : memref<1x128x256xf32, #tpu.memory_space<vmem>> -> memref<128x256xf32, #tpu.memory_space<vmem>>
      tpu.wait_dma2 semaphore(%dma_wait3A_261 : memref<!tpu.dma_semaphore, #tpu.memory_space<semaphore_mem>>) src(%dma_wait3A_267 : memref<128x256xf32, #tpu.memory_space<vmem>>) dst(%dma_wait3A_263 : memref<128x256xf32, #tpu.memory_space<hbm>>)
      %add3A_268 = arith.constant 2 : i32
      %add3A_269 = arith.addi %add3A_133, %add3A_268 : i32
      %add3A_270 = arith.constant 1 : i32
      %add3A_271 = arith.addi %add3A_269, %add3A_270 : i32
      %mul3A_272 = arith.constant 128 : i32
      %mul3A_273 = arith.muli %add3A_271, %mul3A_272 : i32
      %dma_start3A_274 = arith.constant 1 : i32
      %dma_start3A_275 = arith.constant 1 : i32
      %dma_start3A_276 = arith.constant 0 : i32
      %dma_start3A_277 = arith.constant 0 : i32
      %dma_start3A_278 = tpu.memref_slice %arg6[%dma_start3A_274, %dma_start3A_276, %dma_start3A_277] : memref<2x128x256xf32, #tpu.memory_space<vmem>> -> memref<1x128x256xf32, #tpu.memory_space<vmem>>
      %dma_start3A_279 = tpu.memref_squeeze %dma_start3A_278 : memref<1x128x256xf32, #tpu.memory_space<vmem>> -> memref<128x256xf32, #tpu.memory_space<vmem>>
      %dma_start3A_280 = tpu.memref_slice %arg5[%mul3A_273] : memref<4096xi32, #tpu.memory_space<vmem>> -> memref<128xi32, #tpu.memory_space<vmem>>
      %dma_start3A_281 = arith.constant 0 : i32
      %dma_start3A_282 = arith.constant 0 : i32
      %dma_start3A_283 = tpu.memref_slice %arg2[%dma_start3A_281, %dma_start3A_282] : memref<65536x256xf32, #tpu.memory_space<hbm>> -> memref<65536x256xf32, #tpu.memory_space<hbm>>
      %dma_start3A_284 = tpu.memref_slice %arg7[%dma_start3A_275] : memref<2x!tpu.dma_semaphore, #tpu.memory_space<semaphore_mem>> -> memref<1x!tpu.dma_semaphore, #tpu.memory_space<semaphore_mem>>
      %dma_start3A_285 = tpu.memref_squeeze %dma_start3A_284 : memref<1x!tpu.dma_semaphore, #tpu.memory_space<semaphore_mem>> -> memref<!tpu.dma_semaphore, #tpu.memory_space<semaphore_mem>>
      tpu.enqueue_indirect_dma source(%dma_start3A_283 : memref<65536x256xf32, #tpu.memory_space<hbm>>) target(%dma_start3A_279 : memref<128x256xf32, #tpu.memory_space<vmem>>) offsets(%dma_start3A_280 : memref<128xi32, #tpu.memory_space<vmem>>) semaphore(%dma_start3A_285 : memref<!tpu.dma_semaphore, #tpu.memory_space<semaphore_mem>>)
    }
    %scan3A_31 = arith.constant 15 : i32
    %dma_wait3A = arith.constant 0 : i32
    %dma_wait3A_32 = arith.constant 0 : i32
    %dma_wait3A_33 = arith.constant 0 : i32
    %dma_wait3A_34 = arith.constant 0 : i32
    %dma_wait3A_35 = tpu.memref_slice %arg6[%dma_wait3A, %dma_wait3A_33, %dma_wait3A_34] : memref<2x128x256xf32, #tpu.memory_space<vmem>> -> memref<1x128x256xf32, #tpu.memory_space<vmem>>
    %dma_wait3A_36 = tpu.memref_squeeze %dma_wait3A_35 : memref<1x128x256xf32, #tpu.memory_space<vmem>> -> memref<128x256xf32, #tpu.memory_space<vmem>>
    %dma_wait3A_37 = arith.constant 3840 : i32
    %dma_wait3A_38 = tpu.memref_slice %arg5[%dma_wait3A_37] : memref<4096xi32, #tpu.memory_space<vmem>> -> memref<128xi32, #tpu.memory_space<vmem>>
    %dma_wait3A_39 = arith.constant 0 : i32
    %dma_wait3A_40 = arith.constant 0 : i32
    %dma_wait3A_41 = tpu.memref_slice %arg2[%dma_wait3A_39, %dma_wait3A_40] : memref<65536x256xf32, #tpu.memory_space<hbm>> -> memref<65536x256xf32, #tpu.memory_space<hbm>>
    %dma_wait3A_42 = tpu.memref_slice %arg7[%dma_wait3A_32] : memref<2x!tpu.dma_semaphore, #tpu.memory_space<semaphore_mem>> -> memref<1x!tpu.dma_semaphore, #tpu.memory_space<semaphore_mem>>
    %dma_wait3A_43 = tpu.memref_squeeze %dma_wait3A_42 : memref<1x!tpu.dma_semaphore, #tpu.memory_space<semaphore_mem>> -> memref<!tpu.dma_semaphore, #tpu.memory_space<semaphore_mem>>
    tpu.wait_indirect_dma semaphore(%dma_wait3A_43 : memref<!tpu.dma_semaphore, #tpu.memory_space<semaphore_mem>>) src(%dma_wait3A_41 : memref<65536x256xf32, #tpu.memory_space<hbm>>) dst(%dma_wait3A_36 : memref<128x256xf32, #tpu.memory_space<vmem>>)
    %add3A_44 = arith.constant 3840 : i32
    %add3A_45 = arith.addi %mul3A_2, %add3A_44 : i32
    %dma_start3A_46 = arith.constant 0 : i32
    %dma_start3A_47 = arith.constant 0 : i32
    %dma_start3A_48 = arith.constant 0 : i32
    %dma_start3A_49 = arith.constant 0 : i32
    %dma_start3A_50 = tpu.memref_slice %arg6[%dma_start3A_46, %dma_start3A_48, %dma_start3A_49] : memref<2x128x256xf32, #tpu.memory_space<vmem>> -> memref<1x128x256xf32, #tpu.memory_space<vmem>>
    %dma_start3A_51 = tpu.memref_squeeze %dma_start3A_50 : memref<1x128x256xf32, #tpu.memory_space<vmem>> -> memref<128x256xf32, #tpu.memory_space<vmem>>
    %dma_start3A_52 = arith.constant 0 : i32
    %dma_start3A_53 = tpu.memref_slice %arg4[%add3A_45, %dma_start3A_52] : memref<131072x256xf32, #tpu.memory_space<hbm>> -> memref<128x256xf32, #tpu.memory_space<hbm>>
    %dma_start3A_54 = tpu.memref_slice %arg8[%dma_start3A_47] : memref<2x!tpu.dma_semaphore, #tpu.memory_space<semaphore_mem>> -> memref<1x!tpu.dma_semaphore, #tpu.memory_space<semaphore_mem>>
    %dma_start3A_55 = tpu.memref_squeeze %dma_start3A_54 : memref<1x!tpu.dma_semaphore, #tpu.memory_space<semaphore_mem>> -> memref<!tpu.dma_semaphore, #tpu.memory_space<semaphore_mem>>
    %dma_start3A_56 = arith.constant 0 : i32
    %dma_start3A_57 = tpu.memref_slice %arg4[%add3A_45, %dma_start3A_56] : memref<131072x256xf32, #tpu.memory_space<hbm>> -> memref<128x256xf32, #tpu.memory_space<hbm>>
    %dma_start3A_58 = arith.constant 0 : i32
    %dma_start3A_59 = arith.constant 0 : i32
    %dma_start3A_60 = tpu.memref_slice %arg6[%dma_start3A_46, %dma_start3A_58, %dma_start3A_59] : memref<2x128x256xf32, #tpu.memory_space<vmem>> -> memref<1x128x256xf32, #tpu.memory_space<vmem>>
    %dma_start3A_61 = tpu.memref_squeeze %dma_start3A_60 : memref<1x128x256xf32, #tpu.memory_space<vmem>> -> memref<128x256xf32, #tpu.memory_space<vmem>>
    tpu.enqueue_dma source(%dma_start3A_61 : memref<128x256xf32, #tpu.memory_space<vmem>>) target(%dma_start3A_57 : memref<128x256xf32, #tpu.memory_space<hbm>>) target_semaphore(%dma_start3A_55 : memref<!tpu.dma_semaphore, #tpu.memory_space<semaphore_mem>>)
    %dma_wait3A_62 = arith.constant 1 : i32
    %dma_wait3A_63 = arith.constant 1 : i32
    %dma_wait3A_64 = arith.constant 0 : i32
    %dma_wait3A_65 = arith.constant 0 : i32
    %dma_wait3A_66 = tpu.memref_slice %arg6[%dma_wait3A_62, %dma_wait3A_64, %dma_wait3A_65] : memref<2x128x256xf32, #tpu.memory_space<vmem>> -> memref<1x128x256xf32, #tpu.memory_space<vmem>>
    %dma_wait3A_67 = tpu.memref_squeeze %dma_wait3A_66 : memref<1x128x256xf32, #tpu.memory_space<vmem>> -> memref<128x256xf32, #tpu.memory_space<vmem>>
    %dma_wait3A_68 = arith.constant 3968 : i32
    %dma_wait3A_69 = tpu.memref_slice %arg5[%dma_wait3A_68] : memref<4096xi32, #tpu.memory_space<vmem>> -> memref<128xi32, #tpu.memory_space<vmem>>
    %dma_wait3A_70 = arith.constant 0 : i32
    %dma_wait3A_71 = arith.constant 0 : i32
    %dma_wait3A_72 = tpu.memref_slice %arg2[%dma_wait3A_70, %dma_wait3A_71] : memref<65536x256xf32, #tpu.memory_space<hbm>> -> memref<65536x256xf32, #tpu.memory_space<hbm>>
    %dma_wait3A_73 = tpu.memref_slice %arg7[%dma_wait3A_63] : memref<2x!tpu.dma_semaphore, #tpu.memory_space<semaphore_mem>> -> memref<1x!tpu.dma_semaphore, #tpu.memory_space<semaphore_mem>>
    %dma_wait3A_74 = tpu.memref_squeeze %dma_wait3A_73 : memref<1x!tpu.dma_semaphore, #tpu.memory_space<semaphore_mem>> -> memref<!tpu.dma_semaphore, #tpu.memory_space<semaphore_mem>>
    tpu.wait_indirect_dma semaphore(%dma_wait3A_74 : memref<!tpu.dma_semaphore, #tpu.memory_space<semaphore_mem>>) src(%dma_wait3A_72 : memref<65536x256xf32, #tpu.memory_space<hbm>>) dst(%dma_wait3A_67 : memref<128x256xf32, #tpu.memory_space<vmem>>)
    %add3A_75 = arith.constant 3968 : i32
    %add3A_76 = arith.addi %mul3A_2, %add3A_75 : i32
    %dma_start3A_77 = arith.constant 1 : i32
    %dma_start3A_78 = arith.constant 1 : i32
    %dma_start3A_79 = arith.constant 0 : i32
    %dma_start3A_80 = arith.constant 0 : i32
    %dma_start3A_81 = tpu.memref_slice %arg6[%dma_start3A_77, %dma_start3A_79, %dma_start3A_80] : memref<2x128x256xf32, #tpu.memory_space<vmem>> -> memref<1x128x256xf32, #tpu.memory_space<vmem>>
    %dma_start3A_82 = tpu.memref_squeeze %dma_start3A_81 : memref<1x128x256xf32, #tpu.memory_space<vmem>> -> memref<128x256xf32, #tpu.memory_space<vmem>>
    %dma_start3A_83 = arith.constant 0 : i32
    %dma_start3A_84 = tpu.memref_slice %arg4[%add3A_76, %dma_start3A_83] : memref<131072x256xf32, #tpu.memory_space<hbm>> -> memref<128x256xf32, #tpu.memory_space<hbm>>
    %dma_start3A_85 = tpu.memref_slice %arg8[%dma_start3A_78] : memref<2x!tpu.dma_semaphore, #tpu.memory_space<semaphore_mem>> -> memref<1x!tpu.dma_semaphore, #tpu.memory_space<semaphore_mem>>
    %dma_start3A_86 = tpu.memref_squeeze %dma_start3A_85 : memref<1x!tpu.dma_semaphore, #tpu.memory_space<semaphore_mem>> -> memref<!tpu.dma_semaphore, #tpu.memory_space<semaphore_mem>>
    %dma_start3A_87 = arith.constant 0 : i32
    %dma_start3A_88 = tpu.memref_slice %arg4[%add3A_76, %dma_start3A_87] : memref<131072x256xf32, #tpu.memory_space<hbm>> -> memref<128x256xf32, #tpu.memory_space<hbm>>
    %dma_start3A_89 = arith.constant 0 : i32
    %dma_start3A_90 = arith.constant 0 : i32
    %dma_start3A_91 = tpu.memref_slice %arg6[%dma_start3A_77, %dma_start3A_89, %dma_start3A_90] : memref<2x128x256xf32, #tpu.memory_space<vmem>> -> memref<1x128x256xf32, #tpu.memory_space<vmem>>
    %dma_start3A_92 = tpu.memref_squeeze %dma_start3A_91 : memref<1x128x256xf32, #tpu.memory_space<vmem>> -> memref<128x256xf32, #tpu.memory_space<vmem>>
    tpu.enqueue_dma source(%dma_start3A_92 : memref<128x256xf32, #tpu.memory_space<vmem>>) target(%dma_start3A_88 : memref<128x256xf32, #tpu.memory_space<hbm>>) target_semaphore(%dma_start3A_86 : memref<!tpu.dma_semaphore, #tpu.memory_space<semaphore_mem>>)
    %add3A_93 = arith.constant 3840 : i32
    %add3A_94 = arith.addi %mul3A_2, %add3A_93 : i32
    %dma_wait3A_95 = arith.constant 0 : i32
    %dma_wait3A_96 = arith.constant 0 : i32
    %dma_wait3A_97 = arith.constant 0 : i32
    %dma_wait3A_98 = arith.constant 0 : i32
    %dma_wait3A_99 = tpu.memref_slice %arg6[%dma_wait3A_95, %dma_wait3A_97, %dma_wait3A_98] : memref<2x128x256xf32, #tpu.memory_space<vmem>> -> memref<1x128x256xf32, #tpu.memory_space<vmem>>
    %dma_wait3A_100 = tpu.memref_squeeze %dma_wait3A_99 : memref<1x128x256xf32, #tpu.memory_space<vmem>> -> memref<128x256xf32, #tpu.memory_space<vmem>>
    %dma_wait3A_101 = arith.constant 0 : i32
    %dma_wait3A_102 = tpu.memref_slice %arg4[%add3A_94, %dma_wait3A_101] : memref<131072x256xf32, #tpu.memory_space<hbm>> -> memref<128x256xf32, #tpu.memory_space<hbm>>
    %dma_wait3A_103 = tpu.memref_slice %arg8[%dma_wait3A_96] : memref<2x!tpu.dma_semaphore, #tpu.memory_space<semaphore_mem>> -> memref<1x!tpu.dma_semaphore, #tpu.memory_space<semaphore_mem>>
    %dma_wait3A_104 = tpu.memref_squeeze %dma_wait3A_103 : memref<1x!tpu.dma_semaphore, #tpu.memory_space<semaphore_mem>> -> memref<!tpu.dma_semaphore, #tpu.memory_space<semaphore_mem>>
    %dma_wait3A_105 = arith.constant 0 : i32
    %dma_wait3A_106 = tpu.memref_slice %arg4[%add3A_94, %dma_wait3A_105] : memref<131072x256xf32, #tpu.memory_space<hbm>> -> memref<128x256xf32, #tpu.memory_space<hbm>>
    %dma_wait3A_107 = arith.constant 0 : i32
    %dma_wait3A_108 = arith.constant 0 : i32
    %dma_wait3A_109 = tpu.memref_slice %arg6[%dma_wait3A_95, %dma_wait3A_107, %dma_wait3A_108] : memref<2x128x256xf32, #tpu.memory_space<vmem>> -> memref<1x128x256xf32, #tpu.memory_space<vmem>>
    %dma_wait3A_110 = tpu.memref_squeeze %dma_wait3A_109 : memref<1x128x256xf32, #tpu.memory_space<vmem>> -> memref<128x256xf32, #tpu.memory_space<vmem>>
    tpu.wait_dma2 semaphore(%dma_wait3A_104 : memref<!tpu.dma_semaphore, #tpu.memory_space<semaphore_mem>>) src(%dma_wait3A_110 : memref<128x256xf32, #tpu.memory_space<vmem>>) dst(%dma_wait3A_106 : memref<128x256xf32, #tpu.memory_space<hbm>>)
    %add3A_111 = arith.constant 3968 : i32
    %add3A_112 = arith.addi %mul3A_2, %add3A_111 : i32
    %dma_wait3A_113 = arith.constant 1 : i32
    %dma_wait3A_114 = arith.constant 1 : i32
    %dma_wait3A_115 = arith.constant 0 : i32
    %dma_wait3A_116 = arith.constant 0 : i32
    %dma_wait3A_117 = tpu.memref_slice %arg6[%dma_wait3A_113, %dma_wait3A_115, %dma_wait3A_116] : memref<2x128x256xf32, #tpu.memory_space<vmem>> -> memref<1x128x256xf32, #tpu.memory_space<vmem>>
    %dma_wait3A_118 = tpu.memref_squeeze %dma_wait3A_117 : memref<1x128x256xf32, #tpu.memory_space<vmem>> -> memref<128x256xf32, #tpu.memory_space<vmem>>
    %dma_wait3A_119 = arith.constant 0 : i32
    %dma_wait3A_120 = tpu.memref_slice %arg4[%add3A_112, %dma_wait3A_119] : memref<131072x256xf32, #tpu.memory_space<hbm>> -> memref<128x256xf32, #tpu.memory_space<hbm>>
    %dma_wait3A_121 = tpu.memref_slice %arg8[%dma_wait3A_114] : memref<2x!tpu.dma_semaphore, #tpu.memory_space<semaphore_mem>> -> memref<1x!tpu.dma_semaphore, #tpu.memory_space<semaphore_mem>>
    %dma_wait3A_122 = tpu.memref_squeeze %dma_wait3A_121 : memref<1x!tpu.dma_semaphore, #tpu.memory_space<semaphore_mem>> -> memref<!tpu.dma_semaphore, #tpu.memory_space<semaphore_mem>>
    %dma_wait3A_123 = arith.constant 0 : i32
    %dma_wait3A_124 = tpu.memref_slice %arg4[%add3A_112, %dma_wait3A_123] : memref<131072x256xf32, #tpu.memory_space<hbm>> -> memref<128x256xf32, #tpu.memory_space<hbm>>
    %dma_wait3A_125 = arith.constant 0 : i32
    %dma_wait3A_126 = arith.constant 0 : i32
    %dma_wait3A_127 = tpu.memref_slice %arg6[%dma_wait3A_113, %dma_wait3A_125, %dma_wait3A_126] : memref<2x128x256xf32, #tpu.memory_space<vmem>> -> memref<1x128x256xf32, #tpu.memory_space<vmem>>
    %dma_wait3A_128 = tpu.memref_squeeze %dma_wait3A_127 : memref<1x128x256xf32, #tpu.memory_space<vmem>> -> memref<128x256xf32, #tpu.memory_space<vmem>>
    tpu.wait_dma2 semaphore(%dma_wait3A_122 : memref<!tpu.dma_semaphore, #tpu.memory_space<semaphore_mem>>) src(%dma_wait3A_128 : memref<128x256xf32, #tpu.memory_space<vmem>>) dst(%dma_wait3A_124 : memref<128x256xf32, #tpu.memory_space<hbm>>)
    return
  }
}

module attributes {stable_mosaic.version = 14 : i64} {
  func.func @_proj_body(%arg0: i32, %arg1: i32, %arg2: memref<1x256x1024xf32, #tpu.memory_space<vmem>>, %arg3: memref<1x256x1024xf32, #tpu.memory_space<vmem>>, %arg4: memref<1024x1024xf32, #tpu.memory_space<vmem>>, %arg5: memref<1024xf32, #tpu.memory_space<vmem>>, %arg6: memref<1024x1024xf32, #tpu.memory_space<vmem>>, %arg7: memref<1024xf32, #tpu.memory_space<vmem>>, %arg8: memref<1024x1024xf32, #tpu.memory_space<vmem>>, %arg9: memref<1024xf32, #tpu.memory_space<vmem>>, %arg10: memref<1024x64xf32, #tpu.memory_space<vmem>>, %arg11: memref<64xf32, #tpu.memory_space<vmem>>, %arg12: memref<1024x64xf32, #tpu.memory_space<vmem>>, %arg13: memref<64xf32, #tpu.memory_space<vmem>>, %arg14: memref<1x16x256x64xf32, #tpu.memory_space<vmem>>, %arg15: memref<1x256x1024xf32, #tpu.memory_space<vmem>>, %arg16: memref<1x256x1024xf32, #tpu.memory_space<vmem>>, %arg17: memref<1x256x64xf32, #tpu.memory_space<vmem>>, %arg18: memref<1x256x64xf32, #tpu.memory_space<vmem>>) attributes {dimension_semantics = [#tpu.dimension_semantics<arbitrary>, #tpu.dimension_semantics<arbitrary>], iteration_bounds = array<i64: 2, 8>, scalar_prefetch = 0 : i64, scratch_operands = 0 : i64, tpu.core_type = #tpu.core_type<tc>, window_params = [{transform_indices = @transform_0, window_bounds = array<i64: 1, 256, 1024>}, {transform_indices = @transform_1, window_bounds = array<i64: 1, 256, 1024>}, {pipeline_mode = #tpu.pipeline_mode<synchronous>, transform_indices = @transform_2, window_bounds = array<i64: 1024, 1024>}, {pipeline_mode = #tpu.pipeline_mode<synchronous>, transform_indices = @transform_3, window_bounds = array<i64: 1024>}, {pipeline_mode = #tpu.pipeline_mode<synchronous>, transform_indices = @transform_4, window_bounds = array<i64: 1024, 1024>}, {pipeline_mode = #tpu.pipeline_mode<synchronous>, transform_indices = @transform_5, window_bounds = array<i64: 1024>}, {pipeline_mode = #tpu.pipeline_mode<synchronous>, transform_indices = @transform_6, window_bounds = array<i64: 1024, 1024>}, {pipeline_mode = #tpu.pipeline_mode<synchronous>, transform_indices = @transform_7, window_bounds = array<i64: 1024>}, {pipeline_mode = #tpu.pipeline_mode<synchronous>, transform_indices = @transform_8, window_bounds = array<i64: 1024, 64>}, {pipeline_mode = #tpu.pipeline_mode<synchronous>, transform_indices = @transform_9, window_bounds = array<i64: 64>}, {pipeline_mode = #tpu.pipeline_mode<synchronous>, transform_indices = @transform_10, window_bounds = array<i64: 1024, 64>}, {pipeline_mode = #tpu.pipeline_mode<synchronous>, transform_indices = @transform_11, window_bounds = array<i64: 64>}, {transform_indices = @transform_12, window_bounds = array<i64: 1, 16, 256, 64>}, {transform_indices = @transform_13, window_bounds = array<i64: 1, 256, 1024>}, {transform_indices = @transform_14, window_bounds = array<i64: 1, 256, 1024>}, {transform_indices = @transform_15, window_bounds = array<i64: 1, 256, 64>}, {transform_indices = @transform_16, window_bounds = array<i64: 1, 256, 64>}]} {
    %get3A = arith.constant 0 : index
    %get3A_0 = arith.constant 0 : index
    %get3A_1 = arith.constant 0 : index
    %get3A_2 = vector.load %arg2[%get3A, %get3A_0, %get3A_1] : memref<1x256x1024xf32, #tpu.memory_space<vmem>>, vector<1x256x1024xf32>
    %get3A_3 = vector.shape_cast %get3A_2 : vector<1x256x1024xf32> to vector<256x1024xf32>
    %get3A_4 = arith.constant 0 : index
    %get3A_5 = arith.constant 0 : index
    %get3A_6 = arith.constant 0 : index
    %get3A_7 = vector.load %arg3[%get3A_4, %get3A_5, %get3A_6] : memref<1x256x1024xf32, #tpu.memory_space<vmem>>, vector<1x256x1024xf32>
    %get3A_8 = vector.shape_cast %get3A_7 : vector<1x256x1024xf32> to vector<256x1024xf32>
    %get3A_9 = arith.constant 0 : index
    %get3A_10 = arith.constant 0 : index
    %get3A_11 = vector.load %arg4[%get3A_9, %get3A_10] : memref<1024x1024xf32, #tpu.memory_space<vmem>>, vector<1024x1024xf32>
    %dot_general3A = arith.constant dense<0.000000e+00> : vector<256x1024xf32>
    %dot_general3A_12 = tpu.matmul %get3A_3, %get3A_11, %dot_general3A {dimension_numbers = #tpu.dot_dimension_numbers<[1], [0], [0], [1], [0, 0, 1, 1], [], []>, transpose_lhs_hint = false} : vector<256x1024xf32>, vector<1024x1024xf32>, vector<256x1024xf32> -> vector<256x1024xf32>
    %get3A_13 = arith.constant 0 : index
    %get3A_14 = vector.load %arg5[%get3A_13] : memref<1024xf32, #tpu.memory_space<vmem>>, vector<1024xf32>
    %broadcast_in_dim3A = vector.shape_cast %get3A_14 : vector<1024xf32> to vector<1x1024xf32>
    %add3A = vector.broadcast %broadcast_in_dim3A : vector<1x1024xf32> to vector<256x1024xf32>
    %add3A_15 = arith.addf %dot_general3A_12, %add3A : vector<256x1024xf32>
    %get3A_16 = arith.constant 0 : index
    %get3A_17 = arith.constant 0 : index
    %get3A_18 = vector.load %arg6[%get3A_16, %get3A_17] : memref<1024x1024xf32, #tpu.memory_space<vmem>>, vector<1024x1024xf32>
    %dot_general3A_19 = arith.constant dense<0.000000e+00> : vector<256x1024xf32>
    %dot_general3A_20 = tpu.matmul %get3A_8, %get3A_18, %dot_general3A_19 {dimension_numbers = #tpu.dot_dimension_numbers<[1], [0], [0], [1], [0, 0, 1, 1], [], []>, transpose_lhs_hint = false} : vector<256x1024xf32>, vector<1024x1024xf32>, vector<256x1024xf32> -> vector<256x1024xf32>
    %get3A_21 = arith.constant 0 : index
    %get3A_22 = vector.load %arg7[%get3A_21] : memref<1024xf32, #tpu.memory_space<vmem>>, vector<1024xf32>
    %broadcast_in_dim3A_23 = vector.shape_cast %get3A_22 : vector<1024xf32> to vector<1x1024xf32>
    %add3A_24 = vector.broadcast %broadcast_in_dim3A_23 : vector<1x1024xf32> to vector<256x1024xf32>
    %add3A_25 = arith.addf %dot_general3A_20, %add3A_24 : vector<256x1024xf32>
    %swap3A = arith.constant 0 : index
    %swap3A_26 = arith.constant 0 : index
    %swap3A_27 = arith.constant 0 : index
    %swap3A_28 = vector.load %arg15[%swap3A, %swap3A_26, %swap3A_27] : memref<1x256x1024xf32, #tpu.memory_space<vmem>>, vector<1x256x1024xf32>
    %swap3A_29 = vector.shape_cast %swap3A_28 : vector<1x256x1024xf32> to vector<256x1024xf32>
    %swap3A_30 = vector.shape_cast %add3A_25 : vector<256x1024xf32> to vector<1x256x1024xf32>
    tpu.vector_store %arg15[%swap3A, %swap3A_26, %swap3A_27], %swap3A_30 {strides = array<i32>} : memref<1x256x1024xf32, #tpu.memory_space<vmem>>, vector<1x256x1024xf32>,
    %get3A_31 = arith.constant 0 : index
    %get3A_32 = arith.constant 0 : index
    %get3A_33 = vector.load %arg8[%get3A_31, %get3A_32] : memref<1024x1024xf32, #tpu.memory_space<vmem>>, vector<1024x1024xf32>
    %dot_general3A_34 = arith.constant dense<0.000000e+00> : vector<256x1024xf32>
    %dot_general3A_35 = tpu.matmul %get3A_8, %get3A_33, %dot_general3A_34 {dimension_numbers = #tpu.dot_dimension_numbers<[1], [0], [0], [1], [0, 0, 1, 1], [], []>, transpose_lhs_hint = false} : vector<256x1024xf32>, vector<1024x1024xf32>, vector<256x1024xf32> -> vector<256x1024xf32>
    %get3A_36 = arith.constant 0 : index
    %get3A_37 = vector.load %arg9[%get3A_36] : memref<1024xf32, #tpu.memory_space<vmem>>, vector<1024xf32>
    %broadcast_in_dim3A_38 = vector.shape_cast %get3A_37 : vector<1024xf32> to vector<1x1024xf32>
    %add3A_39 = vector.broadcast %broadcast_in_dim3A_38 : vector<1x1024xf32> to vector<256x1024xf32>
    %add3A_40 = arith.addf %dot_general3A_35, %add3A_39 : vector<256x1024xf32>
    %swap3A_41 = arith.constant 0 : index
    %swap3A_42 = arith.constant 0 : index
    %swap3A_43 = arith.constant 0 : index
    %swap3A_44 = vector.load %arg16[%swap3A_41, %swap3A_42, %swap3A_43] : memref<1x256x1024xf32, #tpu.memory_space<vmem>>, vector<1x256x1024xf32>
    %swap3A_45 = vector.shape_cast %swap3A_44 : vector<1x256x1024xf32> to vector<256x1024xf32>
    %swap3A_46 = vector.shape_cast %add3A_40 : vector<256x1024xf32> to vector<1x256x1024xf32>
    tpu.vector_store %arg16[%swap3A_41, %swap3A_42, %swap3A_43], %swap3A_46 {strides = array<i32>} : memref<1x256x1024xf32, #tpu.memory_space<vmem>>, vector<1x256x1024xf32>,
    %get3A_47 = arith.constant 0 : index
    %get3A_48 = arith.constant 0 : index
    %get3A_49 = vector.load %arg10[%get3A_47, %get3A_48] : memref<1024x64xf32, #tpu.memory_space<vmem>>, vector<1024x64xf32>
    %dot_general3A_50 = arith.constant dense<0.000000e+00> : vector<256x64xf32>
    %dot_general3A_51 = tpu.matmul %get3A_3, %get3A_49, %dot_general3A_50 {dimension_numbers = #tpu.dot_dimension_numbers<[1], [0], [0], [1], [0, 0, 1, 1], [], []>, transpose_lhs_hint = false} : vector<256x1024xf32>, vector<1024x64xf32>, vector<256x64xf32> -> vector<256x64xf32>
    %get3A_52 = arith.constant 0 : index
    %get3A_53 = vector.load %arg11[%get3A_52] : memref<64xf32, #tpu.memory_space<vmem>>, vector<64xf32>
    %broadcast_in_dim3A_54 = vector.shape_cast %get3A_53 : vector<64xf32> to vector<1x64xf32>
    %add3A_55 = vector.broadcast %broadcast_in_dim3A_54 : vector<1x64xf32> to vector<256x64xf32>
    %add3A_56 = arith.addf %dot_general3A_51, %add3A_55 : vector<256x64xf32>
    %swap3A_57 = arith.constant 0 : index
    %swap3A_58 = arith.constant 0 : index
    %swap3A_59 = arith.constant 0 : index
    %swap3A_60 = vector.load %arg17[%swap3A_57, %swap3A_58, %swap3A_59] : memref<1x256x64xf32, #tpu.memory_space<vmem>>, vector<1x256x64xf32>
    %swap3A_61 = vector.shape_cast %swap3A_60 : vector<1x256x64xf32> to vector<256x64xf32>
    %swap3A_62 = vector.shape_cast %add3A_56 : vector<256x64xf32> to vector<1x256x64xf32>
    tpu.vector_store %arg17[%swap3A_57, %swap3A_58, %swap3A_59], %swap3A_62 {strides = array<i32>} : memref<1x256x64xf32, #tpu.memory_space<vmem>>, vector<1x256x64xf32>,
    %get3A_63 = arith.constant 0 : index
    %get3A_64 = arith.constant 0 : index
    %get3A_65 = vector.load %arg12[%get3A_63, %get3A_64] : memref<1024x64xf32, #tpu.memory_space<vmem>>, vector<1024x64xf32>
    %dot_general3A_66 = arith.constant dense<0.000000e+00> : vector<256x64xf32>
    %dot_general3A_67 = tpu.matmul %get3A_3, %get3A_65, %dot_general3A_66 {dimension_numbers = #tpu.dot_dimension_numbers<[1], [0], [0], [1], [0, 0, 1, 1], [], []>, transpose_lhs_hint = false} : vector<256x1024xf32>, vector<1024x64xf32>, vector<256x64xf32> -> vector<256x64xf32>
    %get3A_68 = arith.constant 0 : index
    %get3A_69 = vector.load %arg13[%get3A_68] : memref<64xf32, #tpu.memory_space<vmem>>, vector<64xf32>
    %broadcast_in_dim3A_70 = vector.shape_cast %get3A_69 : vector<64xf32> to vector<1x64xf32>
    %add3A_71 = vector.broadcast %broadcast_in_dim3A_70 : vector<1x64xf32> to vector<256x64xf32>
    %add3A_72 = arith.addf %dot_general3A_67, %add3A_71 : vector<256x64xf32>
    %swap3A_73 = arith.constant 0 : index
    %swap3A_74 = arith.constant 0 : index
    %swap3A_75 = arith.constant 0 : index
    %swap3A_76 = vector.load %arg18[%swap3A_73, %swap3A_74, %swap3A_75] : memref<1x256x64xf32, #tpu.memory_space<vmem>>, vector<1x256x64xf32>
    %swap3A_77 = vector.shape_cast %swap3A_76 : vector<1x256x64xf32> to vector<256x64xf32>
    %swap3A_78 = vector.shape_cast %add3A_72 : vector<256x64xf32> to vector<1x256x64xf32>
    tpu.vector_store %arg18[%swap3A_73, %swap3A_74, %swap3A_75], %swap3A_78 {strides = array<i32>} : memref<1x256x64xf32, #tpu.memory_space<vmem>>, vector<1x256x64xf32>,
    %slice3A = vector.extract_strided_slice %add3A_15 {offsets = [0, 0], sizes = [256, 64], strides = [1, 1]} : vector<256x1024xf32> to vector<256x64xf32>
    %mul3A = arith.constant 1.250000e-01 : f32
    %mul3A_79 = vector.broadcast %mul3A : f32 to vector<256x64xf32>
    %mul3A_80 = arith.mulf %slice3A, %mul3A_79 : vector<256x64xf32>
    %swap3A_81 = arith.constant 0 : index
    %swap3A_82 = arith.constant 0 : index
    %swap3A_83 = arith.constant 0 : index
    %swap3A_84 = arith.constant 0 : index
    %swap3A_85 = vector.load %arg14[%swap3A_81, %swap3A_82, %swap3A_83, %swap3A_84] : memref<1x16x256x64xf32, #tpu.memory_space<vmem>>, vector<1x1x256x64xf32>
    %swap3A_86 = vector.shape_cast %swap3A_85 : vector<1x1x256x64xf32> to vector<256x64xf32>
    %swap3A_87 = vector.shape_cast %mul3A_80 : vector<256x64xf32> to vector<1x1x256x64xf32>
    tpu.vector_store %arg14[%swap3A_81, %swap3A_82, %swap3A_83, %swap3A_84], %swap3A_87 {strides = array<i32>} : memref<1x16x256x64xf32, #tpu.memory_space<vmem>>, vector<1x1x256x64xf32>,
    %slice3A_88 = vector.extract_strided_slice %add3A_15 {offsets = [0, 64], sizes = [256, 64], strides = [1, 1]} : vector<256x1024xf32> to vector<256x64xf32>
    %mul3A_89 = arith.constant 1.250000e-01 : f32
    %mul3A_90 = vector.broadcast %mul3A_89 : f32 to vector<256x64xf32>
    %mul3A_91 = arith.mulf %slice3A_88, %mul3A_90 : vector<256x64xf32>
    %swap3A_92 = arith.constant 0 : index
    %swap3A_93 = arith.constant 1 : index
    %swap3A_94 = arith.constant 0 : index
    %swap3A_95 = arith.constant 0 : index
    %swap3A_96 = vector.load %arg14[%swap3A_92, %swap3A_93, %swap3A_94, %swap3A_95] : memref<1x16x256x64xf32, #tpu.memory_space<vmem>>, vector<1x1x256x64xf32>
    %swap3A_97 = vector.shape_cast %swap3A_96 : vector<1x1x256x64xf32> to vector<256x64xf32>
    %swap3A_98 = vector.shape_cast %mul3A_91 : vector<256x64xf32> to vector<1x1x256x64xf32>
    tpu.vector_store %arg14[%swap3A_92, %swap3A_93, %swap3A_94, %swap3A_95], %swap3A_98 {strides = array<i32>} : memref<1x16x256x64xf32, #tpu.memory_space<vmem>>, vector<1x1x256x64xf32>,
    %slice3A_99 = vector.extract_strided_slice %add3A_15 {offsets = [0, 128], sizes = [256, 64], strides = [1, 1]} : vector<256x1024xf32> to vector<256x64xf32>
    %mul3A_100 = arith.constant 1.250000e-01 : f32
    %mul3A_101 = vector.broadcast %mul3A_100 : f32 to vector<256x64xf32>
    %mul3A_102 = arith.mulf %slice3A_99, %mul3A_101 : vector<256x64xf32>
    %swap3A_103 = arith.constant 0 : index
    %swap3A_104 = arith.constant 2 : index
    %swap3A_105 = arith.constant 0 : index
    %swap3A_106 = arith.constant 0 : index
    %swap3A_107 = vector.load %arg14[%swap3A_103, %swap3A_104, %swap3A_105, %swap3A_106] : memref<1x16x256x64xf32, #tpu.memory_space<vmem>>, vector<1x1x256x64xf32>
    %swap3A_108 = vector.shape_cast %swap3A_107 : vector<1x1x256x64xf32> to vector<256x64xf32>
    %swap3A_109 = vector.shape_cast %mul3A_102 : vector<256x64xf32> to vector<1x1x256x64xf32>
    tpu.vector_store %arg14[%swap3A_103, %swap3A_104, %swap3A_105, %swap3A_106], %swap3A_109 {strides = array<i32>} : memref<1x16x256x64xf32, #tpu.memory_space<vmem>>, vector<1x1x256x64xf32>,
    %slice3A_110 = vector.extract_strided_slice %add3A_15 {offsets = [0, 192], sizes = [256, 64], strides = [1, 1]} : vector<256x1024xf32> to vector<256x64xf32>
    %mul3A_111 = arith.constant 1.250000e-01 : f32
    %mul3A_112 = vector.broadcast %mul3A_111 : f32 to vector<256x64xf32>
    %mul3A_113 = arith.mulf %slice3A_110, %mul3A_112 : vector<256x64xf32>
    %swap3A_114 = arith.constant 0 : index
    %swap3A_115 = arith.constant 3 : index
    %swap3A_116 = arith.constant 0 : index
    %swap3A_117 = arith.constant 0 : index
    %swap3A_118 = vector.load %arg14[%swap3A_114, %swap3A_115, %swap3A_116, %swap3A_117] : memref<1x16x256x64xf32, #tpu.memory_space<vmem>>, vector<1x1x256x64xf32>
    %swap3A_119 = vector.shape_cast %swap3A_118 : vector<1x1x256x64xf32> to vector<256x64xf32>
    %swap3A_120 = vector.shape_cast %mul3A_113 : vector<256x64xf32> to vector<1x1x256x64xf32>
    tpu.vector_store %arg14[%swap3A_114, %swap3A_115, %swap3A_116, %swap3A_117], %swap3A_120 {strides = array<i32>} : memref<1x16x256x64xf32, #tpu.memory_space<vmem>>, vector<1x1x256x64xf32>,
    %slice3A_121 = vector.extract_strided_slice %add3A_15 {offsets = [0, 256], sizes = [256, 64], strides = [1, 1]} : vector<256x1024xf32> to vector<256x64xf32>
    %mul3A_122 = arith.constant 1.250000e-01 : f32
    %mul3A_123 = vector.broadcast %mul3A_122 : f32 to vector<256x64xf32>
    %mul3A_124 = arith.mulf %slice3A_121, %mul3A_123 : vector<256x64xf32>
    %swap3A_125 = arith.constant 0 : index
    %swap3A_126 = arith.constant 4 : index
    %swap3A_127 = arith.constant 0 : index
    %swap3A_128 = arith.constant 0 : index
    %swap3A_129 = vector.load %arg14[%swap3A_125, %swap3A_126, %swap3A_127, %swap3A_128] : memref<1x16x256x64xf32, #tpu.memory_space<vmem>>, vector<1x1x256x64xf32>
    %swap3A_130 = vector.shape_cast %swap3A_129 : vector<1x1x256x64xf32> to vector<256x64xf32>
    %swap3A_131 = vector.shape_cast %mul3A_124 : vector<256x64xf32> to vector<1x1x256x64xf32>
    tpu.vector_store %arg14[%swap3A_125, %swap3A_126, %swap3A_127, %swap3A_128], %swap3A_131 {strides = array<i32>} : memref<1x16x256x64xf32, #tpu.memory_space<vmem>>, vector<1x1x256x64xf32>,
    %slice3A_132 = vector.extract_strided_slice %add3A_15 {offsets = [0, 320], sizes = [256, 64], strides = [1, 1]} : vector<256x1024xf32> to vector<256x64xf32>
    %mul3A_133 = arith.constant 1.250000e-01 : f32
    %mul3A_134 = vector.broadcast %mul3A_133 : f32 to vector<256x64xf32>
    %mul3A_135 = arith.mulf %slice3A_132, %mul3A_134 : vector<256x64xf32>
    %swap3A_136 = arith.constant 0 : index
    %swap3A_137 = arith.constant 5 : index
    %swap3A_138 = arith.constant 0 : index
    %swap3A_139 = arith.constant 0 : index
    %swap3A_140 = vector.load %arg14[%swap3A_136, %swap3A_137, %swap3A_138, %swap3A_139] : memref<1x16x256x64xf32, #tpu.memory_space<vmem>>, vector<1x1x256x64xf32>
    %swap3A_141 = vector.shape_cast %swap3A_140 : vector<1x1x256x64xf32> to vector<256x64xf32>
    %swap3A_142 = vector.shape_cast %mul3A_135 : vector<256x64xf32> to vector<1x1x256x64xf32>
    tpu.vector_store %arg14[%swap3A_136, %swap3A_137, %swap3A_138, %swap3A_139], %swap3A_142 {strides = array<i32>} : memref<1x16x256x64xf32, #tpu.memory_space<vmem>>, vector<1x1x256x64xf32>,
    %slice3A_143 = vector.extract_strided_slice %add3A_15 {offsets = [0, 384], sizes = [256, 64], strides = [1, 1]} : vector<256x1024xf32> to vector<256x64xf32>
    %mul3A_144 = arith.constant 1.250000e-01 : f32
    %mul3A_145 = vector.broadcast %mul3A_144 : f32 to vector<256x64xf32>
    %mul3A_146 = arith.mulf %slice3A_143, %mul3A_145 : vector<256x64xf32>
    %swap3A_147 = arith.constant 0 : index
    %swap3A_148 = arith.constant 6 : index
    %swap3A_149 = arith.constant 0 : index
    %swap3A_150 = arith.constant 0 : index
    %swap3A_151 = vector.load %arg14[%swap3A_147, %swap3A_148, %swap3A_149, %swap3A_150] : memref<1x16x256x64xf32, #tpu.memory_space<vmem>>, vector<1x1x256x64xf32>
    %swap3A_152 = vector.shape_cast %swap3A_151 : vector<1x1x256x64xf32> to vector<256x64xf32>
    %swap3A_153 = vector.shape_cast %mul3A_146 : vector<256x64xf32> to vector<1x1x256x64xf32>
    tpu.vector_store %arg14[%swap3A_147, %swap3A_148, %swap3A_149, %swap3A_150], %swap3A_153 {strides = array<i32>} : memref<1x16x256x64xf32, #tpu.memory_space<vmem>>, vector<1x1x256x64xf32>,
    %slice3A_154 = vector.extract_strided_slice %add3A_15 {offsets = [0, 448], sizes = [256, 64], strides = [1, 1]} : vector<256x1024xf32> to vector<256x64xf32>
    %mul3A_155 = arith.constant 1.250000e-01 : f32
    %mul3A_156 = vector.broadcast %mul3A_155 : f32 to vector<256x64xf32>
    %mul3A_157 = arith.mulf %slice3A_154, %mul3A_156 : vector<256x64xf32>
    %swap3A_158 = arith.constant 0 : index
    %swap3A_159 = arith.constant 7 : index
    %swap3A_160 = arith.constant 0 : index
    %swap3A_161 = arith.constant 0 : index
    %swap3A_162 = vector.load %arg14[%swap3A_158, %swap3A_159, %swap3A_160, %swap3A_161] : memref<1x16x256x64xf32, #tpu.memory_space<vmem>>, vector<1x1x256x64xf32>
    %swap3A_163 = vector.shape_cast %swap3A_162 : vector<1x1x256x64xf32> to vector<256x64xf32>
    %swap3A_164 = vector.shape_cast %mul3A_157 : vector<256x64xf32> to vector<1x1x256x64xf32>
    tpu.vector_store %arg14[%swap3A_158, %swap3A_159, %swap3A_160, %swap3A_161], %swap3A_164 {strides = array<i32>} : memref<1x16x256x64xf32, #tpu.memory_space<vmem>>, vector<1x1x256x64xf32>,
    %slice3A_165 = vector.extract_strided_slice %add3A_15 {offsets = [0, 512], sizes = [256, 64], strides = [1, 1]} : vector<256x1024xf32> to vector<256x64xf32>
    %mul3A_166 = arith.constant 1.250000e-01 : f32
    %mul3A_167 = vector.broadcast %mul3A_166 : f32 to vector<256x64xf32>
    %mul3A_168 = arith.mulf %slice3A_165, %mul3A_167 : vector<256x64xf32>
    %swap3A_169 = arith.constant 0 : index
    %swap3A_170 = arith.constant 8 : index
    %swap3A_171 = arith.constant 0 : index
    %swap3A_172 = arith.constant 0 : index
    %swap3A_173 = vector.load %arg14[%swap3A_169, %swap3A_170, %swap3A_171, %swap3A_172] : memref<1x16x256x64xf32, #tpu.memory_space<vmem>>, vector<1x1x256x64xf32>
    %swap3A_174 = vector.shape_cast %swap3A_173 : vector<1x1x256x64xf32> to vector<256x64xf32>
    %swap3A_175 = vector.shape_cast %mul3A_168 : vector<256x64xf32> to vector<1x1x256x64xf32>
    tpu.vector_store %arg14[%swap3A_169, %swap3A_170, %swap3A_171, %swap3A_172], %swap3A_175 {strides = array<i32>} : memref<1x16x256x64xf32, #tpu.memory_space<vmem>>, vector<1x1x256x64xf32>,
    %slice3A_176 = vector.extract_strided_slice %add3A_15 {offsets = [0, 576], sizes = [256, 64], strides = [1, 1]} : vector<256x1024xf32> to vector<256x64xf32>
    %mul3A_177 = arith.constant 1.250000e-01 : f32
    %mul3A_178 = vector.broadcast %mul3A_177 : f32 to vector<256x64xf32>
    %mul3A_179 = arith.mulf %slice3A_176, %mul3A_178 : vector<256x64xf32>
    %swap3A_180 = arith.constant 0 : index
    %swap3A_181 = arith.constant 9 : index
    %swap3A_182 = arith.constant 0 : index
    %swap3A_183 = arith.constant 0 : index
    %swap3A_184 = vector.load %arg14[%swap3A_180, %swap3A_181, %swap3A_182, %swap3A_183] : memref<1x16x256x64xf32, #tpu.memory_space<vmem>>, vector<1x1x256x64xf32>
    %swap3A_185 = vector.shape_cast %swap3A_184 : vector<1x1x256x64xf32> to vector<256x64xf32>
    %swap3A_186 = vector.shape_cast %mul3A_179 : vector<256x64xf32> to vector<1x1x256x64xf32>
    tpu.vector_store %arg14[%swap3A_180, %swap3A_181, %swap3A_182, %swap3A_183], %swap3A_186 {strides = array<i32>} : memref<1x16x256x64xf32, #tpu.memory_space<vmem>>, vector<1x1x256x64xf32>,
    %slice3A_187 = vector.extract_strided_slice %add3A_15 {offsets = [0, 640], sizes = [256, 64], strides = [1, 1]} : vector<256x1024xf32> to vector<256x64xf32>
    %mul3A_188 = arith.constant 1.250000e-01 : f32
    %mul3A_189 = vector.broadcast %mul3A_188 : f32 to vector<256x64xf32>
    %mul3A_190 = arith.mulf %slice3A_187, %mul3A_189 : vector<256x64xf32>
    %swap3A_191 = arith.constant 0 : index
    %swap3A_192 = arith.constant 10 : index
    %swap3A_193 = arith.constant 0 : index
    %swap3A_194 = arith.constant 0 : index
    %swap3A_195 = vector.load %arg14[%swap3A_191, %swap3A_192, %swap3A_193, %swap3A_194] : memref<1x16x256x64xf32, #tpu.memory_space<vmem>>, vector<1x1x256x64xf32>
    %swap3A_196 = vector.shape_cast %swap3A_195 : vector<1x1x256x64xf32> to vector<256x64xf32>
    %swap3A_197 = vector.shape_cast %mul3A_190 : vector<256x64xf32> to vector<1x1x256x64xf32>
    tpu.vector_store %arg14[%swap3A_191, %swap3A_192, %swap3A_193, %swap3A_194], %swap3A_197 {strides = array<i32>} : memref<1x16x256x64xf32, #tpu.memory_space<vmem>>, vector<1x1x256x64xf32>,
    %slice3A_198 = vector.extract_strided_slice %add3A_15 {offsets = [0, 704], sizes = [256, 64], strides = [1, 1]} : vector<256x1024xf32> to vector<256x64xf32>
    %mul3A_199 = arith.constant 1.250000e-01 : f32
    %mul3A_200 = vector.broadcast %mul3A_199 : f32 to vector<256x64xf32>
    %mul3A_201 = arith.mulf %slice3A_198, %mul3A_200 : vector<256x64xf32>
    %swap3A_202 = arith.constant 0 : index
    %swap3A_203 = arith.constant 11 : index
    %swap3A_204 = arith.constant 0 : index
    %swap3A_205 = arith.constant 0 : index
    %swap3A_206 = vector.load %arg14[%swap3A_202, %swap3A_203, %swap3A_204, %swap3A_205] : memref<1x16x256x64xf32, #tpu.memory_space<vmem>>, vector<1x1x256x64xf32>
    %swap3A_207 = vector.shape_cast %swap3A_206 : vector<1x1x256x64xf32> to vector<256x64xf32>
    %swap3A_208 = vector.shape_cast %mul3A_201 : vector<256x64xf32> to vector<1x1x256x64xf32>
    tpu.vector_store %arg14[%swap3A_202, %swap3A_203, %swap3A_204, %swap3A_205], %swap3A_208 {strides = array<i32>} : memref<1x16x256x64xf32, #tpu.memory_space<vmem>>, vector<1x1x256x64xf32>,
    %slice3A_209 = vector.extract_strided_slice %add3A_15 {offsets = [0, 768], sizes = [256, 64], strides = [1, 1]} : vector<256x1024xf32> to vector<256x64xf32>
    %mul3A_210 = arith.constant 1.250000e-01 : f32
    %mul3A_211 = vector.broadcast %mul3A_210 : f32 to vector<256x64xf32>
    %mul3A_212 = arith.mulf %slice3A_209, %mul3A_211 : vector<256x64xf32>
    %swap3A_213 = arith.constant 0 : index
    %swap3A_214 = arith.constant 12 : index
    %swap3A_215 = arith.constant 0 : index
    %swap3A_216 = arith.constant 0 : index
    %swap3A_217 = vector.load %arg14[%swap3A_213, %swap3A_214, %swap3A_215, %swap3A_216] : memref<1x16x256x64xf32, #tpu.memory_space<vmem>>, vector<1x1x256x64xf32>
    %swap3A_218 = vector.shape_cast %swap3A_217 : vector<1x1x256x64xf32> to vector<256x64xf32>
    %swap3A_219 = vector.shape_cast %mul3A_212 : vector<256x64xf32> to vector<1x1x256x64xf32>
    tpu.vector_store %arg14[%swap3A_213, %swap3A_214, %swap3A_215, %swap3A_216], %swap3A_219 {strides = array<i32>} : memref<1x16x256x64xf32, #tpu.memory_space<vmem>>, vector<1x1x256x64xf32>,
    %slice3A_220 = vector.extract_strided_slice %add3A_15 {offsets = [0, 832], sizes = [256, 64], strides = [1, 1]} : vector<256x1024xf32> to vector<256x64xf32>
    %mul3A_221 = arith.constant 1.250000e-01 : f32
    %mul3A_222 = vector.broadcast %mul3A_221 : f32 to vector<256x64xf32>
    %mul3A_223 = arith.mulf %slice3A_220, %mul3A_222 : vector<256x64xf32>
    %swap3A_224 = arith.constant 0 : index
    %swap3A_225 = arith.constant 13 : index
    %swap3A_226 = arith.constant 0 : index
    %swap3A_227 = arith.constant 0 : index
    %swap3A_228 = vector.load %arg14[%swap3A_224, %swap3A_225, %swap3A_226, %swap3A_227] : memref<1x16x256x64xf32, #tpu.memory_space<vmem>>, vector<1x1x256x64xf32>
    %swap3A_229 = vector.shape_cast %swap3A_228 : vector<1x1x256x64xf32> to vector<256x64xf32>
    %swap3A_230 = vector.shape_cast %mul3A_223 : vector<256x64xf32> to vector<1x1x256x64xf32>
    tpu.vector_store %arg14[%swap3A_224, %swap3A_225, %swap3A_226, %swap3A_227], %swap3A_230 {strides = array<i32>} : memref<1x16x256x64xf32, #tpu.memory_space<vmem>>, vector<1x1x256x64xf32>,
    %slice3A_231 = vector.extract_strided_slice %add3A_15 {offsets = [0, 896], sizes = [256, 64], strides = [1, 1]} : vector<256x1024xf32> to vector<256x64xf32>
    %mul3A_232 = arith.constant 1.250000e-01 : f32
    %mul3A_233 = vector.broadcast %mul3A_232 : f32 to vector<256x64xf32>
    %mul3A_234 = arith.mulf %slice3A_231, %mul3A_233 : vector<256x64xf32>
    %swap3A_235 = arith.constant 0 : index
    %swap3A_236 = arith.constant 14 : index
    %swap3A_237 = arith.constant 0 : index
    %swap3A_238 = arith.constant 0 : index
    %swap3A_239 = vector.load %arg14[%swap3A_235, %swap3A_236, %swap3A_237, %swap3A_238] : memref<1x16x256x64xf32, #tpu.memory_space<vmem>>, vector<1x1x256x64xf32>
    %swap3A_240 = vector.shape_cast %swap3A_239 : vector<1x1x256x64xf32> to vector<256x64xf32>
    %swap3A_241 = vector.shape_cast %mul3A_234 : vector<256x64xf32> to vector<1x1x256x64xf32>
    tpu.vector_store %arg14[%swap3A_235, %swap3A_236, %swap3A_237, %swap3A_238], %swap3A_241 {strides = array<i32>} : memref<1x16x256x64xf32, #tpu.memory_space<vmem>>, vector<1x1x256x64xf32>,
    %slice3A_242 = vector.extract_strided_slice %add3A_15 {offsets = [0, 960], sizes = [256, 64], strides = [1, 1]} : vector<256x1024xf32> to vector<256x64xf32>
    %mul3A_243 = arith.constant 1.250000e-01 : f32
    %mul3A_244 = vector.broadcast %mul3A_243 : f32 to vector<256x64xf32>
    %mul3A_245 = arith.mulf %slice3A_242, %mul3A_244 : vector<256x64xf32>
    %swap3A_246 = arith.constant 0 : index
    %swap3A_247 = arith.constant 15 : index
    %swap3A_248 = arith.constant 0 : index
    %swap3A_249 = arith.constant 0 : index
    %swap3A_250 = vector.load %arg14[%swap3A_246, %swap3A_247, %swap3A_248, %swap3A_249] : memref<1x16x256x64xf32, #tpu.memory_space<vmem>>, vector<1x1x256x64xf32>
    %swap3A_251 = vector.shape_cast %swap3A_250 : vector<1x1x256x64xf32> to vector<256x64xf32>
    %swap3A_252 = vector.shape_cast %mul3A_245 : vector<256x64xf32> to vector<1x1x256x64xf32>
    tpu.vector_store %arg14[%swap3A_246, %swap3A_247, %swap3A_248, %swap3A_249], %swap3A_252 {strides = array<i32>} : memref<1x16x256x64xf32, #tpu.memory_space<vmem>>, vector<1x1x256x64xf32>,
    return
  }
  func.func @transform_0(%arg0: i32, %arg1: i32) -> (i32, i32, i32) {
    %c0_i32 = arith.constant 0 : i32
    %c0_i32_0 = arith.constant 0 : i32
    return %arg0, %arg1, %c0_i32 : i32, i32, i32
  }
  func.func @transform_1(%arg0: i32, %arg1: i32) -> (i32, i32, i32) {
    %c0_i32 = arith.constant 0 : i32
    %c0_i32_0 = arith.constant 0 : i32
    return %arg0, %arg1, %c0_i32 : i32, i32, i32
  }
  func.func @transform_2(%arg0: i32, %arg1: i32) -> (i32, i32) {
    %c0_i32 = arith.constant 0 : i32
    %c0_i32_0 = arith.constant 0 : i32
    %c0_i32_1 = arith.constant 0 : i32
    return %c0_i32, %c0_i32_0 : i32, i32
  }
  func.func @transform_3(%arg0: i32, %arg1: i32) -> i32 {
    %c0_i32 = arith.constant 0 : i32
    %c0_i32_0 = arith.constant 0 : i32
    return %c0_i32 : i32
  }
  func.func @transform_4(%arg0: i32, %arg1: i32) -> (i32, i32) {
    %c0_i32 = arith.constant 0 : i32
    %c0_i32_0 = arith.constant 0 : i32
    %c0_i32_1 = arith.constant 0 : i32
    return %c0_i32, %c0_i32_0 : i32, i32
  }
  func.func @transform_5(%arg0: i32, %arg1: i32) -> i32 {
    %c0_i32 = arith.constant 0 : i32
    %c0_i32_0 = arith.constant 0 : i32
    return %c0_i32 : i32
  }
  func.func @transform_6(%arg0: i32, %arg1: i32) -> (i32, i32) {
    %c0_i32 = arith.constant 0 : i32
    %c0_i32_0 = arith.constant 0 : i32
    %c0_i32_1 = arith.constant 0 : i32
    return %c0_i32, %c0_i32_0 : i32, i32
  }
  func.func @transform_7(%arg0: i32, %arg1: i32) -> i32 {
    %c0_i32 = arith.constant 0 : i32
    %c0_i32_0 = arith.constant 0 : i32
    return %c0_i32 : i32
  }
  func.func @transform_8(%arg0: i32, %arg1: i32) -> (i32, i32) {
    %c0_i32 = arith.constant 0 : i32
    %c0_i32_0 = arith.constant 0 : i32
    %c0_i32_1 = arith.constant 0 : i32
    return %c0_i32, %c0_i32_0 : i32, i32
  }
  func.func @transform_9(%arg0: i32, %arg1: i32) -> i32 {
    %c0_i32 = arith.constant 0 : i32
    %c0_i32_0 = arith.constant 0 : i32
    return %c0_i32 : i32
  }
  func.func @transform_10(%arg0: i32, %arg1: i32) -> (i32, i32) {
    %c0_i32 = arith.constant 0 : i32
    %c0_i32_0 = arith.constant 0 : i32
    %c0_i32_1 = arith.constant 0 : i32
    return %c0_i32, %c0_i32_0 : i32, i32
  }
  func.func @transform_11(%arg0: i32, %arg1: i32) -> i32 {
    %c0_i32 = arith.constant 0 : i32
    %c0_i32_0 = arith.constant 0 : i32
    return %c0_i32 : i32
  }
  func.func @transform_12(%arg0: i32, %arg1: i32) -> (i32, i32, i32, i32) {
    %c0_i32 = arith.constant 0 : i32
    %c0_i32_0 = arith.constant 0 : i32
    %c0_i32_1 = arith.constant 0 : i32
    return %arg0, %c0_i32, %arg1, %c0_i32_0 : i32, i32, i32, i32
  }
  func.func @transform_13(%arg0: i32, %arg1: i32) -> (i32, i32, i32) {
    %c0_i32 = arith.constant 0 : i32
    %c0_i32_0 = arith.constant 0 : i32
    return %arg0, %arg1, %c0_i32 : i32, i32, i32
  }
  func.func @transform_14(%arg0: i32, %arg1: i32) -> (i32, i32, i32) {
    %c0_i32 = arith.constant 0 : i32
    %c0_i32_0 = arith.constant 0 : i32
    return %arg0, %arg1, %c0_i32 : i32, i32, i32
  }
  func.func @transform_15(%arg0: i32, %arg1: i32) -> (i32, i32, i32) {
    %c0_i32 = arith.constant 0 : i32
    %c0_i32_0 = arith.constant 0 : i32
    return %arg0, %arg1, %c0_i32 : i32, i32, i32
  }
  func.func @transform_16(%arg0: i32, %arg1: i32) -> (i32, i32, i32) {
    %c0_i32 = arith.constant 0 : i32
    %c0_i32_0 = arith.constant 0 : i32
    return %arg0, %arg1, %c0_i32 : i32, i32, i32
  }
}

module attributes {stable_mosaic.version = 14 : i64} {
  func.func @_build_body(%arg0: i32, %arg1: i32, %arg2: memref<1x256x1024xf32, #tpu.memory_space<vmem>>, %arg3: memref<1x256x1024xf32, #tpu.memory_space<vmem>>, %arg4: memref<1x256x1024xf32, #tpu.memory_space<vmem>>, %arg5: memref<1x256x1024xf32, #tpu.memory_space<vmem>>, %arg6: memref<1x16x256x256xf32, #tpu.memory_space<vmem>>) attributes {dimension_semantics = [#tpu.dimension_semantics<arbitrary>, #tpu.dimension_semantics<arbitrary>], iteration_bounds = array<i64: 2, 8>, scalar_prefetch = 0 : i64, scratch_operands = 0 : i64, tpu.core_type = #tpu.core_type<tc>, window_params = [{transform_indices = @transform_0, window_bounds = array<i64: 1, 256, 1024>}, {transform_indices = @transform_1, window_bounds = array<i64: 1, 256, 1024>}, {transform_indices = @transform_2, window_bounds = array<i64: 1, 256, 1024>}, {transform_indices = @transform_3, window_bounds = array<i64: 1, 256, 1024>}, {transform_indices = @transform_4, window_bounds = array<i64: 1, 16, 256, 256>}]} {
    %get3A = arith.constant 0 : index
    %get3A_0 = arith.constant 0 : index
    %get3A_1 = arith.constant 0 : index
    %get3A_2 = vector.load %arg2[%get3A, %get3A_0, %get3A_1] : memref<1x256x1024xf32, #tpu.memory_space<vmem>>, vector<1x256x1024xf32>
    %get3A_3 = vector.shape_cast %get3A_2 : vector<1x256x1024xf32> to vector<256x1024xf32>
    %get3A_4 = arith.constant 0 : index
    %get3A_5 = arith.constant 0 : index
    %get3A_6 = arith.constant 0 : index
    %get3A_7 = vector.load %arg3[%get3A_4, %get3A_5, %get3A_6] : memref<1x256x1024xf32, #tpu.memory_space<vmem>>, vector<1x256x1024xf32>
    %get3A_8 = vector.shape_cast %get3A_7 : vector<1x256x1024xf32> to vector<256x1024xf32>
    %get3A_9 = arith.constant 0 : index
    %get3A_10 = arith.constant 0 : index
    %get3A_11 = arith.constant 0 : index
    %get3A_12 = vector.load %arg4[%get3A_9, %get3A_10, %get3A_11] : memref<1x256x1024xf32, #tpu.memory_space<vmem>>, vector<1x256x1024xf32>
    %get3A_13 = vector.shape_cast %get3A_12 : vector<1x256x1024xf32> to vector<256x1024xf32>
    %get3A_14 = arith.constant 0 : index
    %get3A_15 = arith.constant 0 : index
    %get3A_16 = arith.constant 0 : index
    %get3A_17 = vector.load %arg5[%get3A_14, %get3A_15, %get3A_16] : memref<1x256x1024xf32, #tpu.memory_space<vmem>>, vector<1x256x1024xf32>
    %get3A_18 = vector.shape_cast %get3A_17 : vector<1x256x1024xf32> to vector<256x1024xf32>
    %slice3A = vector.extract_strided_slice %get3A_3 {offsets = [0, 0], sizes = [256, 64], strides = [1, 1]} : vector<256x1024xf32> to vector<256x64xf32>
    %slice3A_19 = vector.extract_strided_slice %get3A_13 {offsets = [0, 0], sizes = [256, 64], strides = [1, 1]} : vector<256x1024xf32> to vector<256x64xf32>
    %slice3A_20 = vector.extract_strided_slice %slice3A {offsets = [1, 0], sizes = [255, 64], strides = [1, 1]} : vector<256x64xf32> to vector<255x64xf32>
    %slice3A_21 = vector.extract_strided_slice %get3A_8 {offsets = [0, 0], sizes = [1, 64], strides = [1, 1]} : vector<256x1024xf32> to vector<1x64xf32>
    %concatenate3A = tpu.concatenate %slice3A_20, %slice3A_21 in 0 : vector<255x64xf32>, vector<1x64xf32> -> vector<256x64xf32>
    %slice3A_22 = vector.extract_strided_slice %slice3A_19 {offsets = [1, 0], sizes = [255, 64], strides = [1, 1]} : vector<256x64xf32> to vector<255x64xf32>
    %slice3A_23 = vector.extract_strided_slice %get3A_18 {offsets = [0, 0], sizes = [1, 64], strides = [1, 1]} : vector<256x1024xf32> to vector<1x64xf32>
    %concatenate3A_24 = tpu.concatenate %slice3A_22, %slice3A_23 in 0 : vector<255x64xf32>, vector<1x64xf32> -> vector<256x64xf32>
    %concatenate3A_25 = tpu.concatenate %slice3A, %concatenate3A, %slice3A_19, %concatenate3A_24 in 1 : vector<256x64xf32>, vector<256x64xf32>, vector<256x64xf32>, vector<256x64xf32> -> vector<256x256xf32>
    %swap3A = arith.constant 0 : index
    %swap3A_26 = arith.constant 0 : index
    %swap3A_27 = arith.constant 0 : index
    %swap3A_28 = arith.constant 0 : index
    %swap3A_29 = vector.load %arg6[%swap3A, %swap3A_26, %swap3A_27, %swap3A_28] : memref<1x16x256x256xf32, #tpu.memory_space<vmem>>, vector<1x1x256x256xf32>
    %swap3A_30 = vector.shape_cast %swap3A_29 : vector<1x1x256x256xf32> to vector<256x256xf32>
    %swap3A_31 = vector.shape_cast %concatenate3A_25 : vector<256x256xf32> to vector<1x1x256x256xf32>
    tpu.vector_store %arg6[%swap3A, %swap3A_26, %swap3A_27, %swap3A_28], %swap3A_31 {strides = array<i32>} : memref<1x16x256x256xf32, #tpu.memory_space<vmem>>, vector<1x1x256x256xf32>,
    %slice3A_32 = vector.extract_strided_slice %get3A_3 {offsets = [0, 64], sizes = [256, 64], strides = [1, 1]} : vector<256x1024xf32> to vector<256x64xf32>
    %slice3A_33 = vector.extract_strided_slice %get3A_13 {offsets = [0, 64], sizes = [256, 64], strides = [1, 1]} : vector<256x1024xf32> to vector<256x64xf32>
    %slice3A_34 = vector.extract_strided_slice %slice3A_32 {offsets = [1, 0], sizes = [255, 64], strides = [1, 1]} : vector<256x64xf32> to vector<255x64xf32>
    %slice3A_35 = vector.extract_strided_slice %get3A_8 {offsets = [0, 64], sizes = [1, 64], strides = [1, 1]} : vector<256x1024xf32> to vector<1x64xf32>
    %concatenate3A_36 = tpu.concatenate %slice3A_34, %slice3A_35 in 0 : vector<255x64xf32>, vector<1x64xf32> -> vector<256x64xf32>
    %slice3A_37 = vector.extract_strided_slice %slice3A_33 {offsets = [1, 0], sizes = [255, 64], strides = [1, 1]} : vector<256x64xf32> to vector<255x64xf32>
    %slice3A_38 = vector.extract_strided_slice %get3A_18 {offsets = [0, 64], sizes = [1, 64], strides = [1, 1]} : vector<256x1024xf32> to vector<1x64xf32>
    %concatenate3A_39 = tpu.concatenate %slice3A_37, %slice3A_38 in 0 : vector<255x64xf32>, vector<1x64xf32> -> vector<256x64xf32>
    %concatenate3A_40 = tpu.concatenate %slice3A_32, %concatenate3A_36, %slice3A_33, %concatenate3A_39 in 1 : vector<256x64xf32>, vector<256x64xf32>, vector<256x64xf32>, vector<256x64xf32> -> vector<256x256xf32>
    %swap3A_41 = arith.constant 0 : index
    %swap3A_42 = arith.constant 1 : index
    %swap3A_43 = arith.constant 0 : index
    %swap3A_44 = arith.constant 0 : index
    %swap3A_45 = vector.load %arg6[%swap3A_41, %swap3A_42, %swap3A_43, %swap3A_44] : memref<1x16x256x256xf32, #tpu.memory_space<vmem>>, vector<1x1x256x256xf32>
    %swap3A_46 = vector.shape_cast %swap3A_45 : vector<1x1x256x256xf32> to vector<256x256xf32>
    %swap3A_47 = vector.shape_cast %concatenate3A_40 : vector<256x256xf32> to vector<1x1x256x256xf32>
    tpu.vector_store %arg6[%swap3A_41, %swap3A_42, %swap3A_43, %swap3A_44], %swap3A_47 {strides = array<i32>} : memref<1x16x256x256xf32, #tpu.memory_space<vmem>>, vector<1x1x256x256xf32>,
    %slice3A_48 = vector.extract_strided_slice %get3A_3 {offsets = [0, 128], sizes = [256, 64], strides = [1, 1]} : vector<256x1024xf32> to vector<256x64xf32>
    %slice3A_49 = vector.extract_strided_slice %get3A_13 {offsets = [0, 128], sizes = [256, 64], strides = [1, 1]} : vector<256x1024xf32> to vector<256x64xf32>
    %slice3A_50 = vector.extract_strided_slice %slice3A_48 {offsets = [1, 0], sizes = [255, 64], strides = [1, 1]} : vector<256x64xf32> to vector<255x64xf32>
    %slice3A_51 = vector.extract_strided_slice %get3A_8 {offsets = [0, 128], sizes = [1, 64], strides = [1, 1]} : vector<256x1024xf32> to vector<1x64xf32>
    %concatenate3A_52 = tpu.concatenate %slice3A_50, %slice3A_51 in 0 : vector<255x64xf32>, vector<1x64xf32> -> vector<256x64xf32>
    %slice3A_53 = vector.extract_strided_slice %slice3A_49 {offsets = [1, 0], sizes = [255, 64], strides = [1, 1]} : vector<256x64xf32> to vector<255x64xf32>
    %slice3A_54 = vector.extract_strided_slice %get3A_18 {offsets = [0, 128], sizes = [1, 64], strides = [1, 1]} : vector<256x1024xf32> to vector<1x64xf32>
    %concatenate3A_55 = tpu.concatenate %slice3A_53, %slice3A_54 in 0 : vector<255x64xf32>, vector<1x64xf32> -> vector<256x64xf32>
    %concatenate3A_56 = tpu.concatenate %slice3A_48, %concatenate3A_52, %slice3A_49, %concatenate3A_55 in 1 : vector<256x64xf32>, vector<256x64xf32>, vector<256x64xf32>, vector<256x64xf32> -> vector<256x256xf32>
    %swap3A_57 = arith.constant 0 : index
    %swap3A_58 = arith.constant 2 : index
    %swap3A_59 = arith.constant 0 : index
    %swap3A_60 = arith.constant 0 : index
    %swap3A_61 = vector.load %arg6[%swap3A_57, %swap3A_58, %swap3A_59, %swap3A_60] : memref<1x16x256x256xf32, #tpu.memory_space<vmem>>, vector<1x1x256x256xf32>
    %swap3A_62 = vector.shape_cast %swap3A_61 : vector<1x1x256x256xf32> to vector<256x256xf32>
    %swap3A_63 = vector.shape_cast %concatenate3A_56 : vector<256x256xf32> to vector<1x1x256x256xf32>
    tpu.vector_store %arg6[%swap3A_57, %swap3A_58, %swap3A_59, %swap3A_60], %swap3A_63 {strides = array<i32>} : memref<1x16x256x256xf32, #tpu.memory_space<vmem>>, vector<1x1x256x256xf32>,
    %slice3A_64 = vector.extract_strided_slice %get3A_3 {offsets = [0, 192], sizes = [256, 64], strides = [1, 1]} : vector<256x1024xf32> to vector<256x64xf32>
    %slice3A_65 = vector.extract_strided_slice %get3A_13 {offsets = [0, 192], sizes = [256, 64], strides = [1, 1]} : vector<256x1024xf32> to vector<256x64xf32>
    %slice3A_66 = vector.extract_strided_slice %slice3A_64 {offsets = [1, 0], sizes = [255, 64], strides = [1, 1]} : vector<256x64xf32> to vector<255x64xf32>
    %slice3A_67 = vector.extract_strided_slice %get3A_8 {offsets = [0, 192], sizes = [1, 64], strides = [1, 1]} : vector<256x1024xf32> to vector<1x64xf32>
    %concatenate3A_68 = tpu.concatenate %slice3A_66, %slice3A_67 in 0 : vector<255x64xf32>, vector<1x64xf32> -> vector<256x64xf32>
    %slice3A_69 = vector.extract_strided_slice %slice3A_65 {offsets = [1, 0], sizes = [255, 64], strides = [1, 1]} : vector<256x64xf32> to vector<255x64xf32>
    %slice3A_70 = vector.extract_strided_slice %get3A_18 {offsets = [0, 192], sizes = [1, 64], strides = [1, 1]} : vector<256x1024xf32> to vector<1x64xf32>
    %concatenate3A_71 = tpu.concatenate %slice3A_69, %slice3A_70 in 0 : vector<255x64xf32>, vector<1x64xf32> -> vector<256x64xf32>
    %concatenate3A_72 = tpu.concatenate %slice3A_64, %concatenate3A_68, %slice3A_65, %concatenate3A_71 in 1 : vector<256x64xf32>, vector<256x64xf32>, vector<256x64xf32>, vector<256x64xf32> -> vector<256x256xf32>
    %swap3A_73 = arith.constant 0 : index
    %swap3A_74 = arith.constant 3 : index
    %swap3A_75 = arith.constant 0 : index
    %swap3A_76 = arith.constant 0 : index
    %swap3A_77 = vector.load %arg6[%swap3A_73, %swap3A_74, %swap3A_75, %swap3A_76] : memref<1x16x256x256xf32, #tpu.memory_space<vmem>>, vector<1x1x256x256xf32>
    %swap3A_78 = vector.shape_cast %swap3A_77 : vector<1x1x256x256xf32> to vector<256x256xf32>
    %swap3A_79 = vector.shape_cast %concatenate3A_72 : vector<256x256xf32> to vector<1x1x256x256xf32>
    tpu.vector_store %arg6[%swap3A_73, %swap3A_74, %swap3A_75, %swap3A_76], %swap3A_79 {strides = array<i32>} : memref<1x16x256x256xf32, #tpu.memory_space<vmem>>, vector<1x1x256x256xf32>,
    %slice3A_80 = vector.extract_strided_slice %get3A_3 {offsets = [0, 256], sizes = [256, 64], strides = [1, 1]} : vector<256x1024xf32> to vector<256x64xf32>
    %slice3A_81 = vector.extract_strided_slice %get3A_13 {offsets = [0, 256], sizes = [256, 64], strides = [1, 1]} : vector<256x1024xf32> to vector<256x64xf32>
    %slice3A_82 = vector.extract_strided_slice %slice3A_80 {offsets = [1, 0], sizes = [255, 64], strides = [1, 1]} : vector<256x64xf32> to vector<255x64xf32>
    %slice3A_83 = vector.extract_strided_slice %get3A_8 {offsets = [0, 256], sizes = [1, 64], strides = [1, 1]} : vector<256x1024xf32> to vector<1x64xf32>
    %concatenate3A_84 = tpu.concatenate %slice3A_82, %slice3A_83 in 0 : vector<255x64xf32>, vector<1x64xf32> -> vector<256x64xf32>
    %slice3A_85 = vector.extract_strided_slice %slice3A_81 {offsets = [1, 0], sizes = [255, 64], strides = [1, 1]} : vector<256x64xf32> to vector<255x64xf32>
    %slice3A_86 = vector.extract_strided_slice %get3A_18 {offsets = [0, 256], sizes = [1, 64], strides = [1, 1]} : vector<256x1024xf32> to vector<1x64xf32>
    %concatenate3A_87 = tpu.concatenate %slice3A_85, %slice3A_86 in 0 : vector<255x64xf32>, vector<1x64xf32> -> vector<256x64xf32>
    %concatenate3A_88 = tpu.concatenate %slice3A_80, %concatenate3A_84, %slice3A_81, %concatenate3A_87 in 1 : vector<256x64xf32>, vector<256x64xf32>, vector<256x64xf32>, vector<256x64xf32> -> vector<256x256xf32>
    %swap3A_89 = arith.constant 0 : index
    %swap3A_90 = arith.constant 4 : index
    %swap3A_91 = arith.constant 0 : index
    %swap3A_92 = arith.constant 0 : index
    %swap3A_93 = vector.load %arg6[%swap3A_89, %swap3A_90, %swap3A_91, %swap3A_92] : memref<1x16x256x256xf32, #tpu.memory_space<vmem>>, vector<1x1x256x256xf32>
    %swap3A_94 = vector.shape_cast %swap3A_93 : vector<1x1x256x256xf32> to vector<256x256xf32>
    %swap3A_95 = vector.shape_cast %concatenate3A_88 : vector<256x256xf32> to vector<1x1x256x256xf32>
    tpu.vector_store %arg6[%swap3A_89, %swap3A_90, %swap3A_91, %swap3A_92], %swap3A_95 {strides = array<i32>} : memref<1x16x256x256xf32, #tpu.memory_space<vmem>>, vector<1x1x256x256xf32>,
    %slice3A_96 = vector.extract_strided_slice %get3A_3 {offsets = [0, 320], sizes = [256, 64], strides = [1, 1]} : vector<256x1024xf32> to vector<256x64xf32>
    %slice3A_97 = vector.extract_strided_slice %get3A_13 {offsets = [0, 320], sizes = [256, 64], strides = [1, 1]} : vector<256x1024xf32> to vector<256x64xf32>
    %slice3A_98 = vector.extract_strided_slice %slice3A_96 {offsets = [1, 0], sizes = [255, 64], strides = [1, 1]} : vector<256x64xf32> to vector<255x64xf32>
    %slice3A_99 = vector.extract_strided_slice %get3A_8 {offsets = [0, 320], sizes = [1, 64], strides = [1, 1]} : vector<256x1024xf32> to vector<1x64xf32>
    %concatenate3A_100 = tpu.concatenate %slice3A_98, %slice3A_99 in 0 : vector<255x64xf32>, vector<1x64xf32> -> vector<256x64xf32>
    %slice3A_101 = vector.extract_strided_slice %slice3A_97 {offsets = [1, 0], sizes = [255, 64], strides = [1, 1]} : vector<256x64xf32> to vector<255x64xf32>
    %slice3A_102 = vector.extract_strided_slice %get3A_18 {offsets = [0, 320], sizes = [1, 64], strides = [1, 1]} : vector<256x1024xf32> to vector<1x64xf32>
    %concatenate3A_103 = tpu.concatenate %slice3A_101, %slice3A_102 in 0 : vector<255x64xf32>, vector<1x64xf32> -> vector<256x64xf32>
    %concatenate3A_104 = tpu.concatenate %slice3A_96, %concatenate3A_100, %slice3A_97, %concatenate3A_103 in 1 : vector<256x64xf32>, vector<256x64xf32>, vector<256x64xf32>, vector<256x64xf32> -> vector<256x256xf32>
    %swap3A_105 = arith.constant 0 : index
    %swap3A_106 = arith.constant 5 : index
    %swap3A_107 = arith.constant 0 : index
    %swap3A_108 = arith.constant 0 : index
    %swap3A_109 = vector.load %arg6[%swap3A_105, %swap3A_106, %swap3A_107, %swap3A_108] : memref<1x16x256x256xf32, #tpu.memory_space<vmem>>, vector<1x1x256x256xf32>
    %swap3A_110 = vector.shape_cast %swap3A_109 : vector<1x1x256x256xf32> to vector<256x256xf32>
    %swap3A_111 = vector.shape_cast %concatenate3A_104 : vector<256x256xf32> to vector<1x1x256x256xf32>
    tpu.vector_store %arg6[%swap3A_105, %swap3A_106, %swap3A_107, %swap3A_108], %swap3A_111 {strides = array<i32>} : memref<1x16x256x256xf32, #tpu.memory_space<vmem>>, vector<1x1x256x256xf32>,
    %slice3A_112 = vector.extract_strided_slice %get3A_3 {offsets = [0, 384], sizes = [256, 64], strides = [1, 1]} : vector<256x1024xf32> to vector<256x64xf32>
    %slice3A_113 = vector.extract_strided_slice %get3A_13 {offsets = [0, 384], sizes = [256, 64], strides = [1, 1]} : vector<256x1024xf32> to vector<256x64xf32>
    %slice3A_114 = vector.extract_strided_slice %slice3A_112 {offsets = [1, 0], sizes = [255, 64], strides = [1, 1]} : vector<256x64xf32> to vector<255x64xf32>
    %slice3A_115 = vector.extract_strided_slice %get3A_8 {offsets = [0, 384], sizes = [1, 64], strides = [1, 1]} : vector<256x1024xf32> to vector<1x64xf32>
    %concatenate3A_116 = tpu.concatenate %slice3A_114, %slice3A_115 in 0 : vector<255x64xf32>, vector<1x64xf32> -> vector<256x64xf32>
    %slice3A_117 = vector.extract_strided_slice %slice3A_113 {offsets = [1, 0], sizes = [255, 64], strides = [1, 1]} : vector<256x64xf32> to vector<255x64xf32>
    %slice3A_118 = vector.extract_strided_slice %get3A_18 {offsets = [0, 384], sizes = [1, 64], strides = [1, 1]} : vector<256x1024xf32> to vector<1x64xf32>
    %concatenate3A_119 = tpu.concatenate %slice3A_117, %slice3A_118 in 0 : vector<255x64xf32>, vector<1x64xf32> -> vector<256x64xf32>
    %concatenate3A_120 = tpu.concatenate %slice3A_112, %concatenate3A_116, %slice3A_113, %concatenate3A_119 in 1 : vector<256x64xf32>, vector<256x64xf32>, vector<256x64xf32>, vector<256x64xf32> -> vector<256x256xf32>
    %swap3A_121 = arith.constant 0 : index
    %swap3A_122 = arith.constant 6 : index
    %swap3A_123 = arith.constant 0 : index
    %swap3A_124 = arith.constant 0 : index
    %swap3A_125 = vector.load %arg6[%swap3A_121, %swap3A_122, %swap3A_123, %swap3A_124] : memref<1x16x256x256xf32, #tpu.memory_space<vmem>>, vector<1x1x256x256xf32>
    %swap3A_126 = vector.shape_cast %swap3A_125 : vector<1x1x256x256xf32> to vector<256x256xf32>
    %swap3A_127 = vector.shape_cast %concatenate3A_120 : vector<256x256xf32> to vector<1x1x256x256xf32>
    tpu.vector_store %arg6[%swap3A_121, %swap3A_122, %swap3A_123, %swap3A_124], %swap3A_127 {strides = array<i32>} : memref<1x16x256x256xf32, #tpu.memory_space<vmem>>, vector<1x1x256x256xf32>,
    %slice3A_128 = vector.extract_strided_slice %get3A_3 {offsets = [0, 448], sizes = [256, 64], strides = [1, 1]} : vector<256x1024xf32> to vector<256x64xf32>
    %slice3A_129 = vector.extract_strided_slice %get3A_13 {offsets = [0, 448], sizes = [256, 64], strides = [1, 1]} : vector<256x1024xf32> to vector<256x64xf32>
    %slice3A_130 = vector.extract_strided_slice %slice3A_128 {offsets = [1, 0], sizes = [255, 64], strides = [1, 1]} : vector<256x64xf32> to vector<255x64xf32>
    %slice3A_131 = vector.extract_strided_slice %get3A_8 {offsets = [0, 448], sizes = [1, 64], strides = [1, 1]} : vector<256x1024xf32> to vector<1x64xf32>
    %concatenate3A_132 = tpu.concatenate %slice3A_130, %slice3A_131 in 0 : vector<255x64xf32>, vector<1x64xf32> -> vector<256x64xf32>
    %slice3A_133 = vector.extract_strided_slice %slice3A_129 {offsets = [1, 0], sizes = [255, 64], strides = [1, 1]} : vector<256x64xf32> to vector<255x64xf32>
    %slice3A_134 = vector.extract_strided_slice %get3A_18 {offsets = [0, 448], sizes = [1, 64], strides = [1, 1]} : vector<256x1024xf32> to vector<1x64xf32>
    %concatenate3A_135 = tpu.concatenate %slice3A_133, %slice3A_134 in 0 : vector<255x64xf32>, vector<1x64xf32> -> vector<256x64xf32>
    %concatenate3A_136 = tpu.concatenate %slice3A_128, %concatenate3A_132, %slice3A_129, %concatenate3A_135 in 1 : vector<256x64xf32>, vector<256x64xf32>, vector<256x64xf32>, vector<256x64xf32> -> vector<256x256xf32>
    %swap3A_137 = arith.constant 0 : index
    %swap3A_138 = arith.constant 7 : index
    %swap3A_139 = arith.constant 0 : index
    %swap3A_140 = arith.constant 0 : index
    %swap3A_141 = vector.load %arg6[%swap3A_137, %swap3A_138, %swap3A_139, %swap3A_140] : memref<1x16x256x256xf32, #tpu.memory_space<vmem>>, vector<1x1x256x256xf32>
    %swap3A_142 = vector.shape_cast %swap3A_141 : vector<1x1x256x256xf32> to vector<256x256xf32>
    %swap3A_143 = vector.shape_cast %concatenate3A_136 : vector<256x256xf32> to vector<1x1x256x256xf32>
    tpu.vector_store %arg6[%swap3A_137, %swap3A_138, %swap3A_139, %swap3A_140], %swap3A_143 {strides = array<i32>} : memref<1x16x256x256xf32, #tpu.memory_space<vmem>>, vector<1x1x256x256xf32>,
    %slice3A_144 = vector.extract_strided_slice %get3A_3 {offsets = [0, 512], sizes = [256, 64], strides = [1, 1]} : vector<256x1024xf32> to vector<256x64xf32>
    %slice3A_145 = vector.extract_strided_slice %get3A_13 {offsets = [0, 512], sizes = [256, 64], strides = [1, 1]} : vector<256x1024xf32> to vector<256x64xf32>
    %slice3A_146 = vector.extract_strided_slice %slice3A_144 {offsets = [1, 0], sizes = [255, 64], strides = [1, 1]} : vector<256x64xf32> to vector<255x64xf32>
    %slice3A_147 = vector.extract_strided_slice %get3A_8 {offsets = [0, 512], sizes = [1, 64], strides = [1, 1]} : vector<256x1024xf32> to vector<1x64xf32>
    %concatenate3A_148 = tpu.concatenate %slice3A_146, %slice3A_147 in 0 : vector<255x64xf32>, vector<1x64xf32> -> vector<256x64xf32>
    %slice3A_149 = vector.extract_strided_slice %slice3A_145 {offsets = [1, 0], sizes = [255, 64], strides = [1, 1]} : vector<256x64xf32> to vector<255x64xf32>
    %slice3A_150 = vector.extract_strided_slice %get3A_18 {offsets = [0, 512], sizes = [1, 64], strides = [1, 1]} : vector<256x1024xf32> to vector<1x64xf32>
    %concatenate3A_151 = tpu.concatenate %slice3A_149, %slice3A_150 in 0 : vector<255x64xf32>, vector<1x64xf32> -> vector<256x64xf32>
    %concatenate3A_152 = tpu.concatenate %slice3A_144, %concatenate3A_148, %slice3A_145, %concatenate3A_151 in 1 : vector<256x64xf32>, vector<256x64xf32>, vector<256x64xf32>, vector<256x64xf32> -> vector<256x256xf32>
    %swap3A_153 = arith.constant 0 : index
    %swap3A_154 = arith.constant 8 : index
    %swap3A_155 = arith.constant 0 : index
    %swap3A_156 = arith.constant 0 : index
    %swap3A_157 = vector.load %arg6[%swap3A_153, %swap3A_154, %swap3A_155, %swap3A_156] : memref<1x16x256x256xf32, #tpu.memory_space<vmem>>, vector<1x1x256x256xf32>
    %swap3A_158 = vector.shape_cast %swap3A_157 : vector<1x1x256x256xf32> to vector<256x256xf32>
    %swap3A_159 = vector.shape_cast %concatenate3A_152 : vector<256x256xf32> to vector<1x1x256x256xf32>
    tpu.vector_store %arg6[%swap3A_153, %swap3A_154, %swap3A_155, %swap3A_156], %swap3A_159 {strides = array<i32>} : memref<1x16x256x256xf32, #tpu.memory_space<vmem>>, vector<1x1x256x256xf32>,
    %slice3A_160 = vector.extract_strided_slice %get3A_3 {offsets = [0, 576], sizes = [256, 64], strides = [1, 1]} : vector<256x1024xf32> to vector<256x64xf32>
    %slice3A_161 = vector.extract_strided_slice %get3A_13 {offsets = [0, 576], sizes = [256, 64], strides = [1, 1]} : vector<256x1024xf32> to vector<256x64xf32>
    %slice3A_162 = vector.extract_strided_slice %slice3A_160 {offsets = [1, 0], sizes = [255, 64], strides = [1, 1]} : vector<256x64xf32> to vector<255x64xf32>
    %slice3A_163 = vector.extract_strided_slice %get3A_8 {offsets = [0, 576], sizes = [1, 64], strides = [1, 1]} : vector<256x1024xf32> to vector<1x64xf32>
    %concatenate3A_164 = tpu.concatenate %slice3A_162, %slice3A_163 in 0 : vector<255x64xf32>, vector<1x64xf32> -> vector<256x64xf32>
    %slice3A_165 = vector.extract_strided_slice %slice3A_161 {offsets = [1, 0], sizes = [255, 64], strides = [1, 1]} : vector<256x64xf32> to vector<255x64xf32>
    %slice3A_166 = vector.extract_strided_slice %get3A_18 {offsets = [0, 576], sizes = [1, 64], strides = [1, 1]} : vector<256x1024xf32> to vector<1x64xf32>
    %concatenate3A_167 = tpu.concatenate %slice3A_165, %slice3A_166 in 0 : vector<255x64xf32>, vector<1x64xf32> -> vector<256x64xf32>
    %concatenate3A_168 = tpu.concatenate %slice3A_160, %concatenate3A_164, %slice3A_161, %concatenate3A_167 in 1 : vector<256x64xf32>, vector<256x64xf32>, vector<256x64xf32>, vector<256x64xf32> -> vector<256x256xf32>
    %swap3A_169 = arith.constant 0 : index
    %swap3A_170 = arith.constant 9 : index
    %swap3A_171 = arith.constant 0 : index
    %swap3A_172 = arith.constant 0 : index
    %swap3A_173 = vector.load %arg6[%swap3A_169, %swap3A_170, %swap3A_171, %swap3A_172] : memref<1x16x256x256xf32, #tpu.memory_space<vmem>>, vector<1x1x256x256xf32>
    %swap3A_174 = vector.shape_cast %swap3A_173 : vector<1x1x256x256xf32> to vector<256x256xf32>
    %swap3A_175 = vector.shape_cast %concatenate3A_168 : vector<256x256xf32> to vector<1x1x256x256xf32>
    tpu.vector_store %arg6[%swap3A_169, %swap3A_170, %swap3A_171, %swap3A_172], %swap3A_175 {strides = array<i32>} : memref<1x16x256x256xf32, #tpu.memory_space<vmem>>, vector<1x1x256x256xf32>,
    %slice3A_176 = vector.extract_strided_slice %get3A_3 {offsets = [0, 640], sizes = [256, 64], strides = [1, 1]} : vector<256x1024xf32> to vector<256x64xf32>
    %slice3A_177 = vector.extract_strided_slice %get3A_13 {offsets = [0, 640], sizes = [256, 64], strides = [1, 1]} : vector<256x1024xf32> to vector<256x64xf32>
    %slice3A_178 = vector.extract_strided_slice %slice3A_176 {offsets = [1, 0], sizes = [255, 64], strides = [1, 1]} : vector<256x64xf32> to vector<255x64xf32>
    %slice3A_179 = vector.extract_strided_slice %get3A_8 {offsets = [0, 640], sizes = [1, 64], strides = [1, 1]} : vector<256x1024xf32> to vector<1x64xf32>
    %concatenate3A_180 = tpu.concatenate %slice3A_178, %slice3A_179 in 0 : vector<255x64xf32>, vector<1x64xf32> -> vector<256x64xf32>
    %slice3A_181 = vector.extract_strided_slice %slice3A_177 {offsets = [1, 0], sizes = [255, 64], strides = [1, 1]} : vector<256x64xf32> to vector<255x64xf32>
    %slice3A_182 = vector.extract_strided_slice %get3A_18 {offsets = [0, 640], sizes = [1, 64], strides = [1, 1]} : vector<256x1024xf32> to vector<1x64xf32>
    %concatenate3A_183 = tpu.concatenate %slice3A_181, %slice3A_182 in 0 : vector<255x64xf32>, vector<1x64xf32> -> vector<256x64xf32>
    %concatenate3A_184 = tpu.concatenate %slice3A_176, %concatenate3A_180, %slice3A_177, %concatenate3A_183 in 1 : vector<256x64xf32>, vector<256x64xf32>, vector<256x64xf32>, vector<256x64xf32> -> vector<256x256xf32>
    %swap3A_185 = arith.constant 0 : index
    %swap3A_186 = arith.constant 10 : index
    %swap3A_187 = arith.constant 0 : index
    %swap3A_188 = arith.constant 0 : index
    %swap3A_189 = vector.load %arg6[%swap3A_185, %swap3A_186, %swap3A_187, %swap3A_188] : memref<1x16x256x256xf32, #tpu.memory_space<vmem>>, vector<1x1x256x256xf32>
    %swap3A_190 = vector.shape_cast %swap3A_189 : vector<1x1x256x256xf32> to vector<256x256xf32>
    %swap3A_191 = vector.shape_cast %concatenate3A_184 : vector<256x256xf32> to vector<1x1x256x256xf32>
    tpu.vector_store %arg6[%swap3A_185, %swap3A_186, %swap3A_187, %swap3A_188], %swap3A_191 {strides = array<i32>} : memref<1x16x256x256xf32, #tpu.memory_space<vmem>>, vector<1x1x256x256xf32>,
    %slice3A_192 = vector.extract_strided_slice %get3A_3 {offsets = [0, 704], sizes = [256, 64], strides = [1, 1]} : vector<256x1024xf32> to vector<256x64xf32>
    %slice3A_193 = vector.extract_strided_slice %get3A_13 {offsets = [0, 704], sizes = [256, 64], strides = [1, 1]} : vector<256x1024xf32> to vector<256x64xf32>
    %slice3A_194 = vector.extract_strided_slice %slice3A_192 {offsets = [1, 0], sizes = [255, 64], strides = [1, 1]} : vector<256x64xf32> to vector<255x64xf32>
    %slice3A_195 = vector.extract_strided_slice %get3A_8 {offsets = [0, 704], sizes = [1, 64], strides = [1, 1]} : vector<256x1024xf32> to vector<1x64xf32>
    %concatenate3A_196 = tpu.concatenate %slice3A_194, %slice3A_195 in 0 : vector<255x64xf32>, vector<1x64xf32> -> vector<256x64xf32>
    %slice3A_197 = vector.extract_strided_slice %slice3A_193 {offsets = [1, 0], sizes = [255, 64], strides = [1, 1]} : vector<256x64xf32> to vector<255x64xf32>
    %slice3A_198 = vector.extract_strided_slice %get3A_18 {offsets = [0, 704], sizes = [1, 64], strides = [1, 1]} : vector<256x1024xf32> to vector<1x64xf32>
    %concatenate3A_199 = tpu.concatenate %slice3A_197, %slice3A_198 in 0 : vector<255x64xf32>, vector<1x64xf32> -> vector<256x64xf32>
    %concatenate3A_200 = tpu.concatenate %slice3A_192, %concatenate3A_196, %slice3A_193, %concatenate3A_199 in 1 : vector<256x64xf32>, vector<256x64xf32>, vector<256x64xf32>, vector<256x64xf32> -> vector<256x256xf32>
    %swap3A_201 = arith.constant 0 : index
    %swap3A_202 = arith.constant 11 : index
    %swap3A_203 = arith.constant 0 : index
    %swap3A_204 = arith.constant 0 : index
    %swap3A_205 = vector.load %arg6[%swap3A_201, %swap3A_202, %swap3A_203, %swap3A_204] : memref<1x16x256x256xf32, #tpu.memory_space<vmem>>, vector<1x1x256x256xf32>
    %swap3A_206 = vector.shape_cast %swap3A_205 : vector<1x1x256x256xf32> to vector<256x256xf32>
    %swap3A_207 = vector.shape_cast %concatenate3A_200 : vector<256x256xf32> to vector<1x1x256x256xf32>
    tpu.vector_store %arg6[%swap3A_201, %swap3A_202, %swap3A_203, %swap3A_204], %swap3A_207 {strides = array<i32>} : memref<1x16x256x256xf32, #tpu.memory_space<vmem>>, vector<1x1x256x256xf32>,
    %slice3A_208 = vector.extract_strided_slice %get3A_3 {offsets = [0, 768], sizes = [256, 64], strides = [1, 1]} : vector<256x1024xf32> to vector<256x64xf32>
    %slice3A_209 = vector.extract_strided_slice %get3A_13 {offsets = [0, 768], sizes = [256, 64], strides = [1, 1]} : vector<256x1024xf32> to vector<256x64xf32>
    %slice3A_210 = vector.extract_strided_slice %slice3A_208 {offsets = [1, 0], sizes = [255, 64], strides = [1, 1]} : vector<256x64xf32> to vector<255x64xf32>
    %slice3A_211 = vector.extract_strided_slice %get3A_8 {offsets = [0, 768], sizes = [1, 64], strides = [1, 1]} : vector<256x1024xf32> to vector<1x64xf32>
    %concatenate3A_212 = tpu.concatenate %slice3A_210, %slice3A_211 in 0 : vector<255x64xf32>, vector<1x64xf32> -> vector<256x64xf32>
    %slice3A_213 = vector.extract_strided_slice %slice3A_209 {offsets = [1, 0], sizes = [255, 64], strides = [1, 1]} : vector<256x64xf32> to vector<255x64xf32>
    %slice3A_214 = vector.extract_strided_slice %get3A_18 {offsets = [0, 768], sizes = [1, 64], strides = [1, 1]} : vector<256x1024xf32> to vector<1x64xf32>
    %concatenate3A_215 = tpu.concatenate %slice3A_213, %slice3A_214 in 0 : vector<255x64xf32>, vector<1x64xf32> -> vector<256x64xf32>
    %concatenate3A_216 = tpu.concatenate %slice3A_208, %concatenate3A_212, %slice3A_209, %concatenate3A_215 in 1 : vector<256x64xf32>, vector<256x64xf32>, vector<256x64xf32>, vector<256x64xf32> -> vector<256x256xf32>
    %swap3A_217 = arith.constant 0 : index
    %swap3A_218 = arith.constant 12 : index
    %swap3A_219 = arith.constant 0 : index
    %swap3A_220 = arith.constant 0 : index
    %swap3A_221 = vector.load %arg6[%swap3A_217, %swap3A_218, %swap3A_219, %swap3A_220] : memref<1x16x256x256xf32, #tpu.memory_space<vmem>>, vector<1x1x256x256xf32>
    %swap3A_222 = vector.shape_cast %swap3A_221 : vector<1x1x256x256xf32> to vector<256x256xf32>
    %swap3A_223 = vector.shape_cast %concatenate3A_216 : vector<256x256xf32> to vector<1x1x256x256xf32>
    tpu.vector_store %arg6[%swap3A_217, %swap3A_218, %swap3A_219, %swap3A_220], %swap3A_223 {strides = array<i32>} : memref<1x16x256x256xf32, #tpu.memory_space<vmem>>, vector<1x1x256x256xf32>,
    %slice3A_224 = vector.extract_strided_slice %get3A_3 {offsets = [0, 832], sizes = [256, 64], strides = [1, 1]} : vector<256x1024xf32> to vector<256x64xf32>
    %slice3A_225 = vector.extract_strided_slice %get3A_13 {offsets = [0, 832], sizes = [256, 64], strides = [1, 1]} : vector<256x1024xf32> to vector<256x64xf32>
    %slice3A_226 = vector.extract_strided_slice %slice3A_224 {offsets = [1, 0], sizes = [255, 64], strides = [1, 1]} : vector<256x64xf32> to vector<255x64xf32>
    %slice3A_227 = vector.extract_strided_slice %get3A_8 {offsets = [0, 832], sizes = [1, 64], strides = [1, 1]} : vector<256x1024xf32> to vector<1x64xf32>
    %concatenate3A_228 = tpu.concatenate %slice3A_226, %slice3A_227 in 0 : vector<255x64xf32>, vector<1x64xf32> -> vector<256x64xf32>
    %slice3A_229 = vector.extract_strided_slice %slice3A_225 {offsets = [1, 0], sizes = [255, 64], strides = [1, 1]} : vector<256x64xf32> to vector<255x64xf32>
    %slice3A_230 = vector.extract_strided_slice %get3A_18 {offsets = [0, 832], sizes = [1, 64], strides = [1, 1]} : vector<256x1024xf32> to vector<1x64xf32>
    %concatenate3A_231 = tpu.concatenate %slice3A_229, %slice3A_230 in 0 : vector<255x64xf32>, vector<1x64xf32> -> vector<256x64xf32>
    %concatenate3A_232 = tpu.concatenate %slice3A_224, %concatenate3A_228, %slice3A_225, %concatenate3A_231 in 1 : vector<256x64xf32>, vector<256x64xf32>, vector<256x64xf32>, vector<256x64xf32> -> vector<256x256xf32>
    %swap3A_233 = arith.constant 0 : index
    %swap3A_234 = arith.constant 13 : index
    %swap3A_235 = arith.constant 0 : index
    %swap3A_236 = arith.constant 0 : index
    %swap3A_237 = vector.load %arg6[%swap3A_233, %swap3A_234, %swap3A_235, %swap3A_236] : memref<1x16x256x256xf32, #tpu.memory_space<vmem>>, vector<1x1x256x256xf32>
    %swap3A_238 = vector.shape_cast %swap3A_237 : vector<1x1x256x256xf32> to vector<256x256xf32>
    %swap3A_239 = vector.shape_cast %concatenate3A_232 : vector<256x256xf32> to vector<1x1x256x256xf32>
    tpu.vector_store %arg6[%swap3A_233, %swap3A_234, %swap3A_235, %swap3A_236], %swap3A_239 {strides = array<i32>} : memref<1x16x256x256xf32, #tpu.memory_space<vmem>>, vector<1x1x256x256xf32>,
    %slice3A_240 = vector.extract_strided_slice %get3A_3 {offsets = [0, 896], sizes = [256, 64], strides = [1, 1]} : vector<256x1024xf32> to vector<256x64xf32>
    %slice3A_241 = vector.extract_strided_slice %get3A_13 {offsets = [0, 896], sizes = [256, 64], strides = [1, 1]} : vector<256x1024xf32> to vector<256x64xf32>
    %slice3A_242 = vector.extract_strided_slice %slice3A_240 {offsets = [1, 0], sizes = [255, 64], strides = [1, 1]} : vector<256x64xf32> to vector<255x64xf32>
    %slice3A_243 = vector.extract_strided_slice %get3A_8 {offsets = [0, 896], sizes = [1, 64], strides = [1, 1]} : vector<256x1024xf32> to vector<1x64xf32>
    %concatenate3A_244 = tpu.concatenate %slice3A_242, %slice3A_243 in 0 : vector<255x64xf32>, vector<1x64xf32> -> vector<256x64xf32>
    %slice3A_245 = vector.extract_strided_slice %slice3A_241 {offsets = [1, 0], sizes = [255, 64], strides = [1, 1]} : vector<256x64xf32> to vector<255x64xf32>
    %slice3A_246 = vector.extract_strided_slice %get3A_18 {offsets = [0, 896], sizes = [1, 64], strides = [1, 1]} : vector<256x1024xf32> to vector<1x64xf32>
    %concatenate3A_247 = tpu.concatenate %slice3A_245, %slice3A_246 in 0 : vector<255x64xf32>, vector<1x64xf32> -> vector<256x64xf32>
    %concatenate3A_248 = tpu.concatenate %slice3A_240, %concatenate3A_244, %slice3A_241, %concatenate3A_247 in 1 : vector<256x64xf32>, vector<256x64xf32>, vector<256x64xf32>, vector<256x64xf32> -> vector<256x256xf32>
    %swap3A_249 = arith.constant 0 : index
    %swap3A_250 = arith.constant 14 : index
    %swap3A_251 = arith.constant 0 : index
    %swap3A_252 = arith.constant 0 : index
    %swap3A_253 = vector.load %arg6[%swap3A_249, %swap3A_250, %swap3A_251, %swap3A_252] : memref<1x16x256x256xf32, #tpu.memory_space<vmem>>, vector<1x1x256x256xf32>
    %swap3A_254 = vector.shape_cast %swap3A_253 : vector<1x1x256x256xf32> to vector<256x256xf32>
    %swap3A_255 = vector.shape_cast %concatenate3A_248 : vector<256x256xf32> to vector<1x1x256x256xf32>
    tpu.vector_store %arg6[%swap3A_249, %swap3A_250, %swap3A_251, %swap3A_252], %swap3A_255 {strides = array<i32>} : memref<1x16x256x256xf32, #tpu.memory_space<vmem>>, vector<1x1x256x256xf32>,
    %slice3A_256 = vector.extract_strided_slice %get3A_3 {offsets = [0, 960], sizes = [256, 64], strides = [1, 1]} : vector<256x1024xf32> to vector<256x64xf32>
    %slice3A_257 = vector.extract_strided_slice %get3A_13 {offsets = [0, 960], sizes = [256, 64], strides = [1, 1]} : vector<256x1024xf32> to vector<256x64xf32>
    %slice3A_258 = vector.extract_strided_slice %slice3A_256 {offsets = [1, 0], sizes = [255, 64], strides = [1, 1]} : vector<256x64xf32> to vector<255x64xf32>
    %slice3A_259 = vector.extract_strided_slice %get3A_8 {offsets = [0, 960], sizes = [1, 64], strides = [1, 1]} : vector<256x1024xf32> to vector<1x64xf32>
    %concatenate3A_260 = tpu.concatenate %slice3A_258, %slice3A_259 in 0 : vector<255x64xf32>, vector<1x64xf32> -> vector<256x64xf32>
    %slice3A_261 = vector.extract_strided_slice %slice3A_257 {offsets = [1, 0], sizes = [255, 64], strides = [1, 1]} : vector<256x64xf32> to vector<255x64xf32>
    %slice3A_262 = vector.extract_strided_slice %get3A_18 {offsets = [0, 960], sizes = [1, 64], strides = [1, 1]} : vector<256x1024xf32> to vector<1x64xf32>
    %concatenate3A_263 = tpu.concatenate %slice3A_261, %slice3A_262 in 0 : vector<255x64xf32>, vector<1x64xf32> -> vector<256x64xf32>
    %concatenate3A_264 = tpu.concatenate %slice3A_256, %concatenate3A_260, %slice3A_257, %concatenate3A_263 in 1 : vector<256x64xf32>, vector<256x64xf32>, vector<256x64xf32>, vector<256x64xf32> -> vector<256x256xf32>
    %swap3A_265 = arith.constant 0 : index
    %swap3A_266 = arith.constant 15 : index
    %swap3A_267 = arith.constant 0 : index
    %swap3A_268 = arith.constant 0 : index
    %swap3A_269 = vector.load %arg6[%swap3A_265, %swap3A_266, %swap3A_267, %swap3A_268] : memref<1x16x256x256xf32, #tpu.memory_space<vmem>>, vector<1x1x256x256xf32>
    %swap3A_270 = vector.shape_cast %swap3A_269 : vector<1x1x256x256xf32> to vector<256x256xf32>
    %swap3A_271 = vector.shape_cast %concatenate3A_264 : vector<256x256xf32> to vector<1x1x256x256xf32>
    tpu.vector_store %arg6[%swap3A_265, %swap3A_266, %swap3A_267, %swap3A_268], %swap3A_271 {strides = array<i32>} : memref<1x16x256x256xf32, #tpu.memory_space<vmem>>, vector<1x1x256x256xf32>,
    return
  }
  func.func @transform_0(%arg0: i32, %arg1: i32) -> (i32, i32, i32) {
    %c0_i32 = arith.constant 0 : i32
    %c0_i32_0 = arith.constant 0 : i32
    return %arg0, %arg1, %c0_i32 : i32, i32, i32
  }
  func.func @transform_1(%arg0: i32, %arg1: i32) -> (i32, i32, i32) {
    %add3A = arith.constant 1 : i32
    %add3A_0 = arith.addi %arg1, %add3A : i32
    %min3A = arith.constant 7 : i32
    %min3A_1 = arith.minsi %add3A_0, %min3A : i32
    %c0_i32 = arith.constant 0 : i32
    %c0_i32_2 = arith.constant 0 : i32
    return %arg0, %min3A_1, %c0_i32 : i32, i32, i32
  }
  func.func @transform_2(%arg0: i32, %arg1: i32) -> (i32, i32, i32) {
    %c0_i32 = arith.constant 0 : i32
    %c0_i32_0 = arith.constant 0 : i32
    return %arg0, %arg1, %c0_i32 : i32, i32, i32
  }
  func.func @transform_3(%arg0: i32, %arg1: i32) -> (i32, i32, i32) {
    %add3A = arith.constant 1 : i32
    %add3A_0 = arith.addi %arg1, %add3A : i32
    %min3A = arith.constant 7 : i32
    %min3A_1 = arith.minsi %add3A_0, %min3A : i32
    %c0_i32 = arith.constant 0 : i32
    %c0_i32_2 = arith.constant 0 : i32
    return %arg0, %min3A_1, %c0_i32 : i32, i32, i32
  }
  func.func @transform_4(%arg0: i32, %arg1: i32) -> (i32, i32, i32, i32) {
    %c0_i32 = arith.constant 0 : i32
    %c0_i32_0 = arith.constant 0 : i32
    %c0_i32_1 = arith.constant 0 : i32
    return %arg0, %c0_i32, %arg1, %c0_i32_0 : i32, i32, i32, i32
  }
}

module attributes {stable_mosaic.version = 14 : i64} {
  func.func @_attn_body(%arg0: i32, %arg1: i32, %arg2: i32, %arg3: memref<1x1x1024x64xf32, #tpu.memory_space<vmem>>, %arg4: memref<4x1x1x1024x256xf32, #tpu.memory_space<vmem>>, %arg5: memref<1x1x1024x64xf32, #tpu.memory_space<vmem>>, %arg6: memref<1x1x1024x64xf32, #tpu.memory_space<vmem>>) attributes {dimension_semantics = [#tpu.dimension_semantics<arbitrary>, #tpu.dimension_semantics<arbitrary>, #tpu.dimension_semantics<arbitrary>], iteration_bounds = array<i64: 2, 8, 2>, scalar_prefetch = 0 : i64, scratch_operands = 0 : i64, tpu.core_type = #tpu.core_type<tc>, window_params = [{transform_indices = @transform_0, window_bounds = array<i64: 1, 1, 1024, 64>}, {transform_indices = @transform_1, window_bounds = array<i64: 4, 1, 1, 1024, 256>}, {transform_indices = @transform_2, window_bounds = array<i64: 1, 1, 1024, 64>}, {transform_indices = @transform_3, window_bounds = array<i64: 1, 1, 1024, 64>}]} {
    %get3A = arith.constant 0 : index
    %get3A_0 = arith.constant 0 : index
    %get3A_1 = arith.constant 0 : index
    %get3A_2 = arith.constant 0 : index
    %get3A_3 = vector.load %arg3[%get3A, %get3A_0, %get3A_1, %get3A_2] : memref<1x1x1024x64xf32, #tpu.memory_space<vmem>>, vector<1x1x1024x64xf32>
    %get3A_4 = vector.shape_cast %get3A_3 : vector<1x1x1024x64xf32> to vector<1024x64xf32>
    %get3A_5 = arith.constant 0 : index
    %get3A_6 = arith.constant 0 : index
    %get3A_7 = arith.constant 0 : index
    %get3A_8 = arith.constant 0 : index
    %get3A_9 = vector.load %arg5[%get3A_5, %get3A_6, %get3A_7, %get3A_8] : memref<1x1x1024x64xf32, #tpu.memory_space<vmem>>, vector<1x1x1024x64xf32>
    %get3A_10 = vector.shape_cast %get3A_9 : vector<1x1x1024x64xf32> to vector<1024x64xf32>
    %iota3A = tpu.iota {dimensions = array<i32: 1>} : vector<8x512xi32>
    %iota3A_11 = tpu.iota {dimensions = array<i32: 0>} : vector<8x512xi32>
    %jit3A = arith.constant 64 : i32
    %div3A = vector.broadcast %jit3A : i32 to vector<8x512xi32>
    %div3A_12 = arith.divsi %iota3A, %div3A : vector<8x512xi32>
    %sign3A = arith.constant 0 : i32
    %sign3A_13 = vector.broadcast %sign3A : i32 to vector<8x512xi32>
    %sign3A_14 = arith.cmpi sgt, %iota3A, %sign3A_13 : vector<8x512xi32>
    %sign3A_15 = arith.extui %sign3A_14 : vector<8x512xi1> to vector<8x512xi32>
    %sign3A_16 = arith.constant 0 : i32
    %sign3A_17 = vector.broadcast %sign3A_16 : i32 to vector<8x512xi32>
    %sign3A_18 = arith.cmpi slt, %iota3A, %sign3A_17 : vector<8x512xi32>
    %sign3A_19 = arith.extui %sign3A_18 : vector<8x512xi1> to vector<8x512xi32>
    %sign3A_20 = arith.subi %sign3A_15, %sign3A_19 : vector<8x512xi32>
    %sign3A_21 = arith.constant 0 : i32
    %sign3A_22 = arith.cmpi sgt, %jit3A, %sign3A_21 : i32
    %sign3A_23 = arith.extui %sign3A_22 : i1 to i32
    %sign3A_24 = arith.constant 0 : i32
    %sign3A_25 = arith.cmpi slt, %jit3A, %sign3A_24 : i32
    %sign3A_26 = arith.extui %sign3A_25 : i1 to i32
    %sign3A_27 = arith.subi %sign3A_23, %sign3A_26 : i32
    %ne3A = vector.broadcast %sign3A_27 : i32 to vector<8x512xi32>
    %ne3A_28 = arith.cmpi ne, %sign3A_20, %ne3A : vector<8x512xi32>
    %rem3A = vector.broadcast %jit3A : i32 to vector<8x512xi32>
    %rem3A_29 = arith.remsi %iota3A, %rem3A : vector<8x512xi32>
    %ne3A_30 = arith.constant 0 : i32
    %ne3A_31 = vector.broadcast %ne3A_30 : i32 to vector<8x512xi32>
    %ne3A_32 = arith.cmpi ne, %rem3A_29, %ne3A_31 : vector<8x512xi32>
    %and3A = arith.andi %ne3A_28, %ne3A_32 : vector<8x512xi1>
    %sub3A = arith.constant 1 : i32
    %sub3A_33 = vector.broadcast %sub3A : i32 to vector<8x512xi32>
    %sub3A_34 = arith.subi %div3A_12, %sub3A_33 : vector<8x512xi32>
    %select_n3A = arith.select %and3A, %sub3A_34, %div3A_12 : vector<8x512xi1>, vector<8x512xi32>
    %jit3A_35 = arith.constant 2 : i32
    %eq3A = arith.constant 0 : i32
    %eq3A_36 = arith.cmpi eq, %jit3A_35, %eq3A : i32
    %jit3A_37 = arith.constant 1 : i32
    %select_n3A_38 = arith.select %eq3A_36, %jit3A_37, %jit3A_35 : i32
    %rem3A_39 = vector.broadcast %select_n3A_38 : i32 to vector<8x512xi32>
    %rem3A_40 = arith.remsi %select_n3A, %rem3A_39 : vector<8x512xi32>
    %ne3A_41 = arith.constant 0 : i32
    %ne3A_42 = vector.broadcast %ne3A_41 : i32 to vector<8x512xi32>
    %ne3A_43 = arith.cmpi ne, %rem3A_40, %ne3A_42 : vector<8x512xi32>
    %lt3A = arith.constant 0 : i32
    %lt3A_44 = vector.broadcast %lt3A : i32 to vector<8x512xi32>
    %lt3A_45 = arith.cmpi slt, %rem3A_40, %lt3A_44 : vector<8x512xi32>
    %lt3A_46 = arith.constant 0 : i32
    %lt3A_47 = arith.cmpi slt, %select_n3A_38, %lt3A_46 : i32
    %ne3A_48 = vector.broadcast %lt3A_47 : i1 to vector<8x512xi1>
    %ne3A_49 = vector.broadcast %ne3A_48 : vector<8x512xi1> to vector<8x512xi1>
    %ne3A_50 = arith.xori %lt3A_45, %ne3A_49 : vector<8x512xi1>
    %and3A_51 = arith.andi %ne3A_50, %ne3A_43 : vector<8x512xi1>
    %add3A = vector.broadcast %select_n3A_38 : i32 to vector<8x512xi32>
    %add3A_52 = arith.addi %rem3A_40, %add3A : vector<8x512xi32>
    %select_n3A_53 = arith.select %and3A_51, %add3A_52, %rem3A_40 : vector<8x512xi1>, vector<8x512xi32>
    %mul3A = arith.constant 4 : i32
    %mul3A_54 = vector.broadcast %mul3A : i32 to vector<8x512xi32>
    %mul3A_55 = arith.muli %select_n3A_53, %mul3A_54 : vector<8x512xi32>
    %jit3A_56 = arith.constant 128 : i32
    %div3A_57 = vector.broadcast %jit3A_56 : i32 to vector<8x512xi32>
    %div3A_58 = arith.divsi %iota3A, %div3A_57 : vector<8x512xi32>
    %sign3A_59 = arith.constant 0 : i32
    %sign3A_60 = vector.broadcast %sign3A_59 : i32 to vector<8x512xi32>
    %sign3A_61 = arith.cmpi sgt, %iota3A, %sign3A_60 : vector<8x512xi32>
    %sign3A_62 = arith.extui %sign3A_61 : vector<8x512xi1> to vector<8x512xi32>
    %sign3A_63 = arith.constant 0 : i32
    %sign3A_64 = vector.broadcast %sign3A_63 : i32 to vector<8x512xi32>
    %sign3A_65 = arith.cmpi slt, %iota3A, %sign3A_64 : vector<8x512xi32>
    %sign3A_66 = arith.extui %sign3A_65 : vector<8x512xi1> to vector<8x512xi32>
    %sign3A_67 = arith.subi %sign3A_62, %sign3A_66 : vector<8x512xi32>
    %sign3A_68 = arith.constant 0 : i32
    %sign3A_69 = arith.cmpi sgt, %jit3A_56, %sign3A_68 : i32
    %sign3A_70 = arith.extui %sign3A_69 : i1 to i32
    %sign3A_71 = arith.constant 0 : i32
    %sign3A_72 = arith.cmpi slt, %jit3A_56, %sign3A_71 : i32
    %sign3A_73 = arith.extui %sign3A_72 : i1 to i32
    %sign3A_74 = arith.subi %sign3A_70, %sign3A_73 : i32
    %ne3A_75 = vector.broadcast %sign3A_74 : i32 to vector<8x512xi32>
    %ne3A_76 = arith.cmpi ne, %sign3A_67, %ne3A_75 : vector<8x512xi32>
    %rem3A_77 = vector.broadcast %jit3A_56 : i32 to vector<8x512xi32>
    %rem3A_78 = arith.remsi %iota3A, %rem3A_77 : vector<8x512xi32>
    %ne3A_79 = arith.constant 0 : i32
    %ne3A_80 = vector.broadcast %ne3A_79 : i32 to vector<8x512xi32>
    %ne3A_81 = arith.cmpi ne, %rem3A_78, %ne3A_80 : vector<8x512xi32>
    %and3A_82 = arith.andi %ne3A_76, %ne3A_81 : vector<8x512xi1>
    %sub3A_83 = arith.constant 1 : i32
    %sub3A_84 = vector.broadcast %sub3A_83 : i32 to vector<8x512xi32>
    %sub3A_85 = arith.subi %div3A_58, %sub3A_84 : vector<8x512xi32>
    %select_n3A_86 = arith.select %and3A_82, %sub3A_85, %div3A_58 : vector<8x512xi1>, vector<8x512xi32>
    %add3A_87 = arith.addi %mul3A_55, %select_n3A_86 : vector<8x512xi32>
    %eq3A_88 = arith.cmpi eq, %iota3A_11, %add3A_87 : vector<8x512xi32>
    %convert_element_type3A = arith.extui %eq3A_88 : vector<8x512xi1> to vector<8x512xi32>
    %convert_element_type3A_89 = arith.sitofp %convert_element_type3A : vector<8x512xi32> to vector<8x512xf32>
    %iota3A_90 = tpu.iota {dimensions = array<i32: 0>} : vector<512x4xi32>
    %iota3A_91 = tpu.iota {dimensions = array<i32: 1>} : vector<512x4xi32>
    %jit3A_92 = arith.constant 128 : i32
    %div3A_93 = vector.broadcast %jit3A_92 : i32 to vector<512x4xi32>
    %div3A_94 = arith.divsi %iota3A_90, %div3A_93 : vector<512x4xi32>
    %sign3A_95 = arith.constant 0 : i32
    %sign3A_96 = vector.broadcast %sign3A_95 : i32 to vector<512x4xi32>
    %sign3A_97 = arith.cmpi sgt, %iota3A_90, %sign3A_96 : vector<512x4xi32>
    %sign3A_98 = arith.extui %sign3A_97 : vector<512x4xi1> to vector<512x4xi32>
    %sign3A_99 = arith.constant 0 : i32
    %sign3A_100 = vector.broadcast %sign3A_99 : i32 to vector<512x4xi32>
    %sign3A_101 = arith.cmpi slt, %iota3A_90, %sign3A_100 : vector<512x4xi32>
    %sign3A_102 = arith.extui %sign3A_101 : vector<512x4xi1> to vector<512x4xi32>
    %sign3A_103 = arith.subi %sign3A_98, %sign3A_102 : vector<512x4xi32>
    %sign3A_104 = arith.constant 0 : i32
    %sign3A_105 = arith.cmpi sgt, %jit3A_92, %sign3A_104 : i32
    %sign3A_106 = arith.extui %sign3A_105 : i1 to i32
    %sign3A_107 = arith.constant 0 : i32
    %sign3A_108 = arith.cmpi slt, %jit3A_92, %sign3A_107 : i32
    %sign3A_109 = arith.extui %sign3A_108 : i1 to i32
    %sign3A_110 = arith.subi %sign3A_106, %sign3A_109 : i32
    %ne3A_111 = vector.broadcast %sign3A_110 : i32 to vector<512x4xi32>
    %ne3A_112 = arith.cmpi ne, %sign3A_103, %ne3A_111 : vector<512x4xi32>
    %rem3A_113 = vector.broadcast %jit3A_92 : i32 to vector<512x4xi32>
    %rem3A_114 = arith.remsi %iota3A_90, %rem3A_113 : vector<512x4xi32>
    %ne3A_115 = arith.constant 0 : i32
    %ne3A_116 = vector.broadcast %ne3A_115 : i32 to vector<512x4xi32>
    %ne3A_117 = arith.cmpi ne, %rem3A_114, %ne3A_116 : vector<512x4xi32>
    %and3A_118 = arith.andi %ne3A_112, %ne3A_117 : vector<512x4xi1>
    %sub3A_119 = arith.constant 1 : i32
    %sub3A_120 = vector.broadcast %sub3A_119 : i32 to vector<512x4xi32>
    %sub3A_121 = arith.subi %div3A_94, %sub3A_120 : vector<512x4xi32>
    %select_n3A_122 = arith.select %and3A_118, %sub3A_121, %div3A_94 : vector<512x4xi1>, vector<512x4xi32>
    %eq3A_123 = arith.cmpi eq, %select_n3A_122, %iota3A_91 : vector<512x4xi32>
    %convert_element_type3A_124 = arith.extui %eq3A_123 : vector<512x4xi1> to vector<512x4xi32>
    %convert_element_type3A_125 = arith.sitofp %convert_element_type3A_124 : vector<512x4xi32> to vector<512x4xf32>
    %get3A_126 = arith.constant 0 : index
    %get3A_127 = arith.constant 0 : index
    %get3A_128 = arith.constant 0 : index
    %get3A_129 = arith.constant 0 : index
    %get3A_130 = arith.constant 0 : index
    %get3A_131 = vector.load %arg4[%get3A_126, %get3A_127, %get3A_128, %get3A_129, %get3A_130] : memref<4x1x1x1024x256xf32, #tpu.memory_space<vmem>>, vector<1x1x1x1024x256xf32>
    %get3A_132 = vector.shape_cast %get3A_131 : vector<1x1x1x1024x256xf32> to vector<1024x256xf32>
    %slice3A = vector.extract_strided_slice %get3A_132 {offsets = [0, 0], sizes = [1024, 128], strides = [1, 1]} : vector<1024x256xf32> to vector<1024x128xf32>
    %get3A_133 = arith.constant 1 : index
    %get3A_134 = arith.constant 0 : index
    %get3A_135 = arith.constant 0 : index
    %get3A_136 = arith.constant 0 : index
    %get3A_137 = arith.constant 0 : index
    %get3A_138 = vector.load %arg4[%get3A_133, %get3A_134, %get3A_135, %get3A_136, %get3A_137] : memref<4x1x1x1024x256xf32, #tpu.memory_space<vmem>>, vector<1x1x1x1024x256xf32>
    %get3A_139 = vector.shape_cast %get3A_138 : vector<1x1x1x1024x256xf32> to vector<1024x256xf32>
    %slice3A_140 = vector.extract_strided_slice %get3A_139 {offsets = [0, 0], sizes = [1024, 128], strides = [1, 1]} : vector<1024x256xf32> to vector<1024x128xf32>
    %get3A_141 = arith.constant 2 : index
    %get3A_142 = arith.constant 0 : index
    %get3A_143 = arith.constant 0 : index
    %get3A_144 = arith.constant 0 : index
    %get3A_145 = arith.constant 0 : index
    %get3A_146 = vector.load %arg4[%get3A_141, %get3A_142, %get3A_143, %get3A_144, %get3A_145] : memref<4x1x1x1024x256xf32, #tpu.memory_space<vmem>>, vector<1x1x1x1024x256xf32>
    %get3A_147 = vector.shape_cast %get3A_146 : vector<1x1x1x1024x256xf32> to vector<1024x256xf32>
    %slice3A_148 = vector.extract_strided_slice %get3A_147 {offsets = [0, 0], sizes = [1024, 128], strides = [1, 1]} : vector<1024x256xf32> to vector<1024x128xf32>
    %get3A_149 = arith.constant 3 : index
    %get3A_150 = arith.constant 0 : index
    %get3A_151 = arith.constant 0 : index
    %get3A_152 = arith.constant 0 : index
    %get3A_153 = arith.constant 0 : index
    %get3A_154 = vector.load %arg4[%get3A_149, %get3A_150, %get3A_151, %get3A_152, %get3A_153] : memref<4x1x1x1024x256xf32, #tpu.memory_space<vmem>>, vector<1x1x1x1024x256xf32>
    %get3A_155 = vector.shape_cast %get3A_154 : vector<1x1x1x1024x256xf32> to vector<1024x256xf32>
    %slice3A_156 = vector.extract_strided_slice %get3A_155 {offsets = [0, 0], sizes = [1024, 128], strides = [1, 1]} : vector<1024x256xf32> to vector<1024x128xf32>
    %concatenate3A = tpu.concatenate %slice3A, %slice3A_140, %slice3A_148, %slice3A_156 in 1 : vector<1024x128xf32>, vector<1024x128xf32>, vector<1024x128xf32>, vector<1024x128xf32> -> vector<1024x512xf32>
    %iota3A_157 = tpu.iota {dimensions = array<i32: 0>} : vector<64x512xi32>
    %iota3A_158 = tpu.iota {dimensions = array<i32: 1>} : vector<64x512xi32>
    %jit3A_159 = arith.constant 64 : i32
    %eq3A_160 = arith.constant 0 : i32
    %eq3A_161 = arith.cmpi eq, %jit3A_159, %eq3A_160 : i32
    %jit3A_162 = arith.constant 1 : i32
    %select_n3A_163 = arith.select %eq3A_161, %jit3A_162, %jit3A_159 : i32
    %rem3A_164 = vector.broadcast %select_n3A_163 : i32 to vector<64x512xi32>
    %rem3A_165 = arith.remsi %iota3A_158, %rem3A_164 : vector<64x512xi32>
    %ne3A_166 = arith.constant 0 : i32
    %ne3A_167 = vector.broadcast %ne3A_166 : i32 to vector<64x512xi32>
    %ne3A_168 = arith.cmpi ne, %rem3A_165, %ne3A_167 : vector<64x512xi32>
    %lt3A_169 = arith.constant 0 : i32
    %lt3A_170 = vector.broadcast %lt3A_169 : i32 to vector<64x512xi32>
    %lt3A_171 = arith.cmpi slt, %rem3A_165, %lt3A_170 : vector<64x512xi32>
    %lt3A_172 = arith.constant 0 : i32
    %lt3A_173 = arith.cmpi slt, %select_n3A_163, %lt3A_172 : i32
    %ne3A_174 = vector.broadcast %lt3A_173 : i1 to vector<64x512xi1>
    %ne3A_175 = vector.broadcast %ne3A_174 : vector<64x512xi1> to vector<64x512xi1>
    %ne3A_176 = arith.xori %lt3A_171, %ne3A_175 : vector<64x512xi1>
    %and3A_177 = arith.andi %ne3A_176, %ne3A_168 : vector<64x512xi1>
    %add3A_178 = vector.broadcast %select_n3A_163 : i32 to vector<64x512xi32>
    %add3A_179 = arith.addi %rem3A_165, %add3A_178 : vector<64x512xi32>
    %select_n3A_180 = arith.select %and3A_177, %add3A_179, %rem3A_165 : vector<64x512xi1>, vector<64x512xi32>
    %eq3A_181 = arith.cmpi eq, %iota3A_157, %select_n3A_180 : vector<64x512xi32>
    %convert_element_type3A_182 = arith.extui %eq3A_181 : vector<64x512xi1> to vector<64x512xi32>
    %convert_element_type3A_183 = arith.sitofp %convert_element_type3A_182 : vector<64x512xi32> to vector<64x512xf32>
    %slice3A_184 = vector.extract_strided_slice %get3A_10 {offsets = [0, 0], sizes = [1024, 8], strides = [1, 1]} : vector<1024x64xf32> to vector<1024x8xf32>
    %dot_general3A = arith.constant dense<0.000000e+00> : vector<1024x512xf32>
    %dot_general3A_185 = tpu.matmul %slice3A_184, %convert_element_type3A_89, %dot_general3A {dimension_numbers = #tpu.dot_dimension_numbers<[1], [0], [0], [1], [0, 0, 1, 1], [], []>, transpose_lhs_hint = false} : vector<1024x8xf32>, vector<8x512xf32>, vector<1024x512xf32> -> vector<1024x512xf32>
    %dot_general3A_186 = arith.constant dense<0.000000e+00> : vector<1024x512xf32>
    %dot_general3A_187 = tpu.matmul %get3A_4, %convert_element_type3A_183, %dot_general3A_186 {dimension_numbers = #tpu.dot_dimension_numbers<[1], [0], [0], [1], [0, 0, 1, 1], [], []>, transpose_lhs_hint = false} : vector<1024x64xf32>, vector<64x512xf32>, vector<1024x512xf32> -> vector<1024x512xf32>
    %mul3A_188 = arith.mulf %concatenate3A, %dot_general3A_185 : vector<1024x512xf32>
    %mul3A_189 = arith.mulf %mul3A_188, %dot_general3A_187 : vector<1024x512xf32>
    %convert_element_type3A_190 = arith.truncf %mul3A_189 : vector<1024x512xf32> to vector<1024x512xbf16>
    %convert_element_type3A_191 = arith.truncf %convert_element_type3A_125 : vector<512x4xf32> to vector<512x4xbf16>
    %dot_general3A_192 = arith.constant dense<0.000000e+00> : vector<1024x4xf32>
    %dot_general3A_193 = tpu.matmul %convert_element_type3A_190, %convert_element_type3A_191, %dot_general3A_192 {dimension_numbers = #tpu.dot_dimension_numbers<[1], [0], [0], [1], [0, 0, 1, 1], [], []>, transpose_lhs_hint = false} : vector<1024x512xbf16>, vector<512x4xbf16>, vector<1024x4xf32> -> vector<1024x4xf32>
    %slice3A_194 = vector.extract_strided_slice %get3A_10 {offsets = [0, 8], sizes = [1024, 4], strides = [1, 1]} : vector<1024x64xf32> to vector<1024x4xf32>
    %add3A_195 = arith.addf %dot_general3A_193, %slice3A_194 : vector<1024x4xf32>
    %reduce_max3A = arith.constant dense<0xFF800000> : vector<1024xf32>
    %reduce_max3A_196 = vector.multi_reduction <maximumf>, %add3A_195, %reduce_max3A [1] : vector<1024x4xf32> to vector<1024xf32>
    %broadcast_in_dim3A = vector.shape_cast %reduce_max3A_196 : vector<1024xf32> to vector<1024x1xf32>
    %sub3A_197 = vector.broadcast %broadcast_in_dim3A : vector<1024x1xf32> to vector<1024x4xf32>
    %sub3A_198 = arith.subf %add3A_195, %sub3A_197 : vector<1024x4xf32>
    %exp3A = math.exp %sub3A_198 : vector<1024x4xf32>
    %reduce_sum3A = arith.constant dense<0.000000e+00> : vector<1024xf32>
    %reduce_sum3A_199 = vector.multi_reduction <add>, %exp3A, %reduce_sum3A [1] : vector<1024x4xf32> to vector<1024xf32>
    %broadcast_in_dim3A_200 = vector.shape_cast %reduce_sum3A_199 : vector<1024xf32> to vector<1024x1xf32>
    %div3A_201 = vector.broadcast %broadcast_in_dim3A_200 : vector<1024x1xf32> to vector<1024x4xf32>
    %div3A_202 = arith.divf %exp3A, %div3A_201 : vector<1024x4xf32>
    %get3A_203 = arith.constant 0 : index
    %get3A_204 = arith.constant 0 : index
    %get3A_205 = arith.constant 0 : index
    %get3A_206 = arith.constant 0 : index
    %get3A_207 = arith.constant 0 : index
    %get3A_208 = vector.load %arg4[%get3A_203, %get3A_204, %get3A_205, %get3A_206, %get3A_207] : memref<4x1x1x1024x256xf32, #tpu.memory_space<vmem>>, vector<1x1x1x1024x256xf32>
    %get3A_209 = vector.shape_cast %get3A_208 : vector<1x1x1x1024x256xf32> to vector<1024x256xf32>
    %slice3A_210 = vector.extract_strided_slice %get3A_209 {offsets = [0, 128], sizes = [1024, 128], strides = [1, 1]} : vector<1024x256xf32> to vector<1024x128xf32>
    %get3A_211 = arith.constant 1 : index
    %get3A_212 = arith.constant 0 : index
    %get3A_213 = arith.constant 0 : index
    %get3A_214 = arith.constant 0 : index
    %get3A_215 = arith.constant 0 : index
    %get3A_216 = vector.load %arg4[%get3A_211, %get3A_212, %get3A_213, %get3A_214, %get3A_215] : memref<4x1x1x1024x256xf32, #tpu.memory_space<vmem>>, vector<1x1x1x1024x256xf32>
    %get3A_217 = vector.shape_cast %get3A_216 : vector<1x1x1x1024x256xf32> to vector<1024x256xf32>
    %slice3A_218 = vector.extract_strided_slice %get3A_217 {offsets = [0, 128], sizes = [1024, 128], strides = [1, 1]} : vector<1024x256xf32> to vector<1024x128xf32>
    %get3A_219 = arith.constant 2 : index
    %get3A_220 = arith.constant 0 : index
    %get3A_221 = arith.constant 0 : index
    %get3A_222 = arith.constant 0 : index
    %get3A_223 = arith.constant 0 : index
    %get3A_224 = vector.load %arg4[%get3A_219, %get3A_220, %get3A_221, %get3A_222, %get3A_223] : memref<4x1x1x1024x256xf32, #tpu.memory_space<vmem>>, vector<1x1x1x1024x256xf32>
    %get3A_225 = vector.shape_cast %get3A_224 : vector<1x1x1x1024x256xf32> to vector<1024x256xf32>
    %slice3A_226 = vector.extract_strided_slice %get3A_225 {offsets = [0, 128], sizes = [1024, 128], strides = [1, 1]} : vector<1024x256xf32> to vector<1024x128xf32>
    %get3A_227 = arith.constant 3 : index
    %get3A_228 = arith.constant 0 : index
    %get3A_229 = arith.constant 0 : index
    %get3A_230 = arith.constant 0 : index
    %get3A_231 = arith.constant 0 : index
    %get3A_232 = vector.load %arg4[%get3A_227, %get3A_228, %get3A_229, %get3A_230, %get3A_231] : memref<4x1x1x1024x256xf32, #tpu.memory_space<vmem>>, vector<1x1x1x1024x256xf32>
    %get3A_233 = vector.shape_cast %get3A_232 : vector<1x1x1x1024x256xf32> to vector<1024x256xf32>
    %slice3A_234 = vector.extract_strided_slice %get3A_233 {offsets = [0, 128], sizes = [1024, 128], strides = [1, 1]} : vector<1024x256xf32> to vector<1024x128xf32>
    %concatenate3A_235 = tpu.concatenate %slice3A_210, %slice3A_218, %slice3A_226, %slice3A_234 in 1 : vector<1024x128xf32>, vector<1024x128xf32>, vector<1024x128xf32>, vector<1024x128xf32> -> vector<1024x512xf32>
    %slice3A_236 = vector.extract_strided_slice %get3A_10 {offsets = [0, 0], sizes = [1024, 4], strides = [1, 1]} : vector<1024x64xf32> to vector<1024x4xf32>
    %mul3A_237 = arith.mulf %div3A_202, %slice3A_236 : vector<1024x4xf32>
    %slice3A_238 = vector.extract_strided_slice %get3A_10 {offsets = [0, 4], sizes = [1024, 4], strides = [1, 1]} : vector<1024x64xf32> to vector<1024x4xf32>
    %mul3A_239 = arith.mulf %div3A_202, %slice3A_238 : vector<1024x4xf32>
    %concatenate3A_240 = tpu.concatenate %mul3A_237, %mul3A_239 in 1 : vector<1024x4xf32>, vector<1024x4xf32> -> vector<1024x8xf32>
    %dot_general3A_241 = arith.constant dense<0.000000e+00> : vector<1024x512xf32>
    %dot_general3A_242 = tpu.matmul %concatenate3A_240, %convert_element_type3A_89, %dot_general3A_241 {dimension_numbers = #tpu.dot_dimension_numbers<[1], [0], [0], [1], [0, 0, 1, 1], [], []>, transpose_lhs_hint = false} : vector<1024x8xf32>, vector<8x512xf32>, vector<1024x512xf32> -> vector<1024x512xf32>
    %mul3A_243 = arith.mulf %concatenate3A_235, %dot_general3A_242 : vector<1024x512xf32>
    %slice3A_244 = vector.extract_strided_slice %mul3A_243 {offsets = [0, 0], sizes = [1024, 64], strides = [1, 1]} : vector<1024x512xf32> to vector<1024x64xf32>
    %slice3A_245 = vector.extract_strided_slice %mul3A_243 {offsets = [0, 64], sizes = [1024, 64], strides = [1, 1]} : vector<1024x512xf32> to vector<1024x64xf32>
    %add3A_246 = arith.addf %slice3A_244, %slice3A_245 : vector<1024x64xf32>
    %slice3A_247 = vector.extract_strided_slice %mul3A_243 {offsets = [0, 128], sizes = [1024, 64], strides = [1, 1]} : vector<1024x512xf32> to vector<1024x64xf32>
    %add3A_248 = arith.addf %add3A_246, %slice3A_247 : vector<1024x64xf32>
    %slice3A_249 = vector.extract_strided_slice %mul3A_243 {offsets = [0, 192], sizes = [1024, 64], strides = [1, 1]} : vector<1024x512xf32> to vector<1024x64xf32>
    %add3A_250 = arith.addf %add3A_248, %slice3A_249 : vector<1024x64xf32>
    %slice3A_251 = vector.extract_strided_slice %mul3A_243 {offsets = [0, 256], sizes = [1024, 64], strides = [1, 1]} : vector<1024x512xf32> to vector<1024x64xf32>
    %add3A_252 = arith.addf %add3A_250, %slice3A_251 : vector<1024x64xf32>
    %slice3A_253 = vector.extract_strided_slice %mul3A_243 {offsets = [0, 320], sizes = [1024, 64], strides = [1, 1]} : vector<1024x512xf32> to vector<1024x64xf32>
    %add3A_254 = arith.addf %add3A_252, %slice3A_253 : vector<1024x64xf32>
    %slice3A_255 = vector.extract_strided_slice %mul3A_243 {offsets = [0, 384], sizes = [1024, 64], strides = [1, 1]} : vector<1024x512xf32> to vector<1024x64xf32>
    %add3A_256 = arith.addf %add3A_254, %slice3A_255 : vector<1024x64xf32>
    %slice3A_257 = vector.extract_strided_slice %mul3A_243 {offsets = [0, 448], sizes = [1024, 64], strides = [1, 1]} : vector<1024x512xf32> to vector<1024x64xf32>
    %add3A_258 = arith.addf %add3A_256, %slice3A_257 : vector<1024x64xf32>
    %swap3A = arith.constant 0 : index
    %swap3A_259 = arith.constant 0 : index
    %swap3A_260 = arith.constant 0 : index
    %swap3A_261 = arith.constant 0 : index
    %swap3A_262 = vector.load %arg6[%swap3A, %swap3A_259, %swap3A_260, %swap3A_261] : memref<1x1x1024x64xf32, #tpu.memory_space<vmem>>, vector<1x1x1024x64xf32>
    %swap3A_263 = vector.shape_cast %swap3A_262 : vector<1x1x1024x64xf32> to vector<1024x64xf32>
    %swap3A_264 = vector.shape_cast %add3A_258 : vector<1024x64xf32> to vector<1x1x1024x64xf32>
    tpu.vector_store %arg6[%swap3A, %swap3A_259, %swap3A_260, %swap3A_261], %swap3A_264 {strides = array<i32>} : memref<1x1x1024x64xf32, #tpu.memory_space<vmem>>, vector<1x1x1024x64xf32>,
    return
  }
  func.func @transform_0(%arg0: i32, %arg1: i32, %arg2: i32) -> (i32, i32, i32, i32) {
    %add3A = arith.constant 8 : i32
    %add3A_0 = arith.addi %add3A, %arg1 : i32
    %c0_i32 = arith.constant 0 : i32
    %c0_i32_1 = arith.constant 0 : i32
    return %arg0, %add3A_0, %arg2, %c0_i32 : i32, i32, i32, i32
  }
  func.func @transform_1(%arg0: i32, %arg1: i32, %arg2: i32) -> (i32, i32, i32, i32, i32) {
    %c0_i32 = arith.constant 0 : i32
    %c0_i32_0 = arith.constant 0 : i32
    %c0_i32_1 = arith.constant 0 : i32
    return %c0_i32, %arg0, %arg1, %arg2, %c0_i32_0 : i32, i32, i32, i32, i32
  }
  func.func @transform_2(%arg0: i32, %arg1: i32, %arg2: i32) -> (i32, i32, i32, i32) {
    %add3A = arith.constant 8 : i32
    %add3A_0 = arith.addi %add3A, %arg1 : i32
    %c0_i32 = arith.constant 0 : i32
    %c0_i32_1 = arith.constant 0 : i32
    return %arg0, %add3A_0, %arg2, %c0_i32 : i32, i32, i32, i32
  }
  func.func @transform_3(%arg0: i32, %arg1: i32, %arg2: i32) -> (i32, i32, i32, i32) {
    %c0_i32 = arith.constant 0 : i32
    %c0_i32_0 = arith.constant 0 : i32
    return %arg0, %arg1, %arg2, %c0_i32 : i32, i32, i32, i32
  }
}

module attributes {stable_mosaic.version = 14 : i64} {
  func.func @_attn_body(%arg0: i32, %arg1: i32, %arg2: i32, %arg3: memref<1x1x1024x64xf32, #tpu.memory_space<vmem>>, %arg4: memref<4x1x1x1024x256xf32, #tpu.memory_space<vmem>>, %arg5: memref<1x1x1024x64xf32, #tpu.memory_space<vmem>>, %arg6: memref<1x1x1024x64xf32, #tpu.memory_space<vmem>>) attributes {dimension_semantics = [#tpu.dimension_semantics<arbitrary>, #tpu.dimension_semantics<arbitrary>, #tpu.dimension_semantics<arbitrary>], iteration_bounds = array<i64: 2, 8, 2>, scalar_prefetch = 0 : i64, scratch_operands = 0 : i64, tpu.core_type = #tpu.core_type<tc>, window_params = [{transform_indices = @transform_0, window_bounds = array<i64: 1, 1, 1024, 64>}, {transform_indices = @transform_1, window_bounds = array<i64: 4, 1, 1, 1024, 256>}, {transform_indices = @transform_2, window_bounds = array<i64: 1, 1, 1024, 64>}, {transform_indices = @transform_3, window_bounds = array<i64: 1, 1, 1024, 64>}]} {
    %get3A = arith.constant 0 : index
    %get3A_0 = arith.constant 0 : index
    %get3A_1 = arith.constant 0 : index
    %get3A_2 = arith.constant 0 : index
    %get3A_3 = vector.load %arg3[%get3A, %get3A_0, %get3A_1, %get3A_2] : memref<1x1x1024x64xf32, #tpu.memory_space<vmem>>, vector<1x1x1024x64xf32>
    %get3A_4 = vector.shape_cast %get3A_3 : vector<1x1x1024x64xf32> to vector<1024x64xf32>
    %get3A_5 = arith.constant 0 : index
    %get3A_6 = arith.constant 0 : index
    %get3A_7 = arith.constant 0 : index
    %get3A_8 = arith.constant 0 : index
    %get3A_9 = vector.load %arg5[%get3A_5, %get3A_6, %get3A_7, %get3A_8] : memref<1x1x1024x64xf32, #tpu.memory_space<vmem>>, vector<1x1x1024x64xf32>
    %get3A_10 = vector.shape_cast %get3A_9 : vector<1x1x1024x64xf32> to vector<1024x64xf32>
    %iota3A = tpu.iota {dimensions = array<i32: 1>} : vector<8x512xi32>
    %iota3A_11 = tpu.iota {dimensions = array<i32: 0>} : vector<8x512xi32>
    %jit3A = arith.constant 64 : i32
    %div3A = vector.broadcast %jit3A : i32 to vector<8x512xi32>
    %div3A_12 = arith.divsi %iota3A, %div3A : vector<8x512xi32>
    %sign3A = arith.constant 0 : i32
    %sign3A_13 = vector.broadcast %sign3A : i32 to vector<8x512xi32>
    %sign3A_14 = arith.cmpi sgt, %iota3A, %sign3A_13 : vector<8x512xi32>
    %sign3A_15 = arith.extui %sign3A_14 : vector<8x512xi1> to vector<8x512xi32>
    %sign3A_16 = arith.constant 0 : i32
    %sign3A_17 = vector.broadcast %sign3A_16 : i32 to vector<8x512xi32>
    %sign3A_18 = arith.cmpi slt, %iota3A, %sign3A_17 : vector<8x512xi32>
    %sign3A_19 = arith.extui %sign3A_18 : vector<8x512xi1> to vector<8x512xi32>
    %sign3A_20 = arith.subi %sign3A_15, %sign3A_19 : vector<8x512xi32>
    %sign3A_21 = arith.constant 0 : i32
    %sign3A_22 = arith.cmpi sgt, %jit3A, %sign3A_21 : i32
    %sign3A_23 = arith.extui %sign3A_22 : i1 to i32
    %sign3A_24 = arith.constant 0 : i32
    %sign3A_25 = arith.cmpi slt, %jit3A, %sign3A_24 : i32
    %sign3A_26 = arith.extui %sign3A_25 : i1 to i32
    %sign3A_27 = arith.subi %sign3A_23, %sign3A_26 : i32
    %ne3A = vector.broadcast %sign3A_27 : i32 to vector<8x512xi32>
    %ne3A_28 = arith.cmpi ne, %sign3A_20, %ne3A : vector<8x512xi32>
    %rem3A = vector.broadcast %jit3A : i32 to vector<8x512xi32>
    %rem3A_29 = arith.remsi %iota3A, %rem3A : vector<8x512xi32>
    %ne3A_30 = arith.constant 0 : i32
    %ne3A_31 = vector.broadcast %ne3A_30 : i32 to vector<8x512xi32>
    %ne3A_32 = arith.cmpi ne, %rem3A_29, %ne3A_31 : vector<8x512xi32>
    %and3A = arith.andi %ne3A_28, %ne3A_32 : vector<8x512xi1>
    %sub3A = arith.constant 1 : i32
    %sub3A_33 = vector.broadcast %sub3A : i32 to vector<8x512xi32>
    %sub3A_34 = arith.subi %div3A_12, %sub3A_33 : vector<8x512xi32>
    %select_n3A = arith.select %and3A, %sub3A_34, %div3A_12 : vector<8x512xi1>, vector<8x512xi32>
    %jit3A_35 = arith.constant 2 : i32
    %eq3A = arith.constant 0 : i32
    %eq3A_36 = arith.cmpi eq, %jit3A_35, %eq3A : i32
    %jit3A_37 = arith.constant 1 : i32
    %select_n3A_38 = arith.select %eq3A_36, %jit3A_37, %jit3A_35 : i32
    %rem3A_39 = vector.broadcast %select_n3A_38 : i32 to vector<8x512xi32>
    %rem3A_40 = arith.remsi %select_n3A, %rem3A_39 : vector<8x512xi32>
    %ne3A_41 = arith.constant 0 : i32
    %ne3A_42 = vector.broadcast %ne3A_41 : i32 to vector<8x512xi32>
    %ne3A_43 = arith.cmpi ne, %rem3A_40, %ne3A_42 : vector<8x512xi32>
    %lt3A = arith.constant 0 : i32
    %lt3A_44 = vector.broadcast %lt3A : i32 to vector<8x512xi32>
    %lt3A_45 = arith.cmpi slt, %rem3A_40, %lt3A_44 : vector<8x512xi32>
    %lt3A_46 = arith.constant 0 : i32
    %lt3A_47 = arith.cmpi slt, %select_n3A_38, %lt3A_46 : i32
    %ne3A_48 = vector.broadcast %lt3A_47 : i1 to vector<8x512xi1>
    %ne3A_49 = vector.broadcast %ne3A_48 : vector<8x512xi1> to vector<8x512xi1>
    %ne3A_50 = arith.xori %lt3A_45, %ne3A_49 : vector<8x512xi1>
    %and3A_51 = arith.andi %ne3A_50, %ne3A_43 : vector<8x512xi1>
    %add3A = vector.broadcast %select_n3A_38 : i32 to vector<8x512xi32>
    %add3A_52 = arith.addi %rem3A_40, %add3A : vector<8x512xi32>
    %select_n3A_53 = arith.select %and3A_51, %add3A_52, %rem3A_40 : vector<8x512xi1>, vector<8x512xi32>
    %mul3A = arith.constant 4 : i32
    %mul3A_54 = vector.broadcast %mul3A : i32 to vector<8x512xi32>
    %mul3A_55 = arith.muli %select_n3A_53, %mul3A_54 : vector<8x512xi32>
    %jit3A_56 = arith.constant 128 : i32
    %div3A_57 = vector.broadcast %jit3A_56 : i32 to vector<8x512xi32>
    %div3A_58 = arith.divsi %iota3A, %div3A_57 : vector<8x512xi32>
    %sign3A_59 = arith.constant 0 : i32
    %sign3A_60 = vector.broadcast %sign3A_59 : i32 to vector<8x512xi32>
    %sign3A_61 = arith.cmpi sgt, %iota3A, %sign3A_60 : vector<8x512xi32>
    %sign3A_62 = arith.extui %sign3A_61 : vector<8x512xi1> to vector<8x512xi32>
    %sign3A_63 = arith.constant 0 : i32
    %sign3A_64 = vector.broadcast %sign3A_63 : i32 to vector<8x512xi32>
    %sign3A_65 = arith.cmpi slt, %iota3A, %sign3A_64 : vector<8x512xi32>
    %sign3A_66 = arith.extui %sign3A_65 : vector<8x512xi1> to vector<8x512xi32>
    %sign3A_67 = arith.subi %sign3A_62, %sign3A_66 : vector<8x512xi32>
    %sign3A_68 = arith.constant 0 : i32
    %sign3A_69 = arith.cmpi sgt, %jit3A_56, %sign3A_68 : i32
    %sign3A_70 = arith.extui %sign3A_69 : i1 to i32
    %sign3A_71 = arith.constant 0 : i32
    %sign3A_72 = arith.cmpi slt, %jit3A_56, %sign3A_71 : i32
    %sign3A_73 = arith.extui %sign3A_72 : i1 to i32
    %sign3A_74 = arith.subi %sign3A_70, %sign3A_73 : i32
    %ne3A_75 = vector.broadcast %sign3A_74 : i32 to vector<8x512xi32>
    %ne3A_76 = arith.cmpi ne, %sign3A_67, %ne3A_75 : vector<8x512xi32>
    %rem3A_77 = vector.broadcast %jit3A_56 : i32 to vector<8x512xi32>
    %rem3A_78 = arith.remsi %iota3A, %rem3A_77 : vector<8x512xi32>
    %ne3A_79 = arith.constant 0 : i32
    %ne3A_80 = vector.broadcast %ne3A_79 : i32 to vector<8x512xi32>
    %ne3A_81 = arith.cmpi ne, %rem3A_78, %ne3A_80 : vector<8x512xi32>
    %and3A_82 = arith.andi %ne3A_76, %ne3A_81 : vector<8x512xi1>
    %sub3A_83 = arith.constant 1 : i32
    %sub3A_84 = vector.broadcast %sub3A_83 : i32 to vector<8x512xi32>
    %sub3A_85 = arith.subi %div3A_58, %sub3A_84 : vector<8x512xi32>
    %select_n3A_86 = arith.select %and3A_82, %sub3A_85, %div3A_58 : vector<8x512xi1>, vector<8x512xi32>
    %add3A_87 = arith.addi %mul3A_55, %select_n3A_86 : vector<8x512xi32>
    %eq3A_88 = arith.cmpi eq, %iota3A_11, %add3A_87 : vector<8x512xi32>
    %convert_element_type3A = arith.extui %eq3A_88 : vector<8x512xi1> to vector<8x512xi32>
    %convert_element_type3A_89 = arith.sitofp %convert_element_type3A : vector<8x512xi32> to vector<8x512xf32>
    %iota3A_90 = tpu.iota {dimensions = array<i32: 0>} : vector<512x4xi32>
    %iota3A_91 = tpu.iota {dimensions = array<i32: 1>} : vector<512x4xi32>
    %jit3A_92 = arith.constant 128 : i32
    %div3A_93 = vector.broadcast %jit3A_92 : i32 to vector<512x4xi32>
    %div3A_94 = arith.divsi %iota3A_90, %div3A_93 : vector<512x4xi32>
    %sign3A_95 = arith.constant 0 : i32
    %sign3A_96 = vector.broadcast %sign3A_95 : i32 to vector<512x4xi32>
    %sign3A_97 = arith.cmpi sgt, %iota3A_90, %sign3A_96 : vector<512x4xi32>
    %sign3A_98 = arith.extui %sign3A_97 : vector<512x4xi1> to vector<512x4xi32>
    %sign3A_99 = arith.constant 0 : i32
    %sign3A_100 = vector.broadcast %sign3A_99 : i32 to vector<512x4xi32>
    %sign3A_101 = arith.cmpi slt, %iota3A_90, %sign3A_100 : vector<512x4xi32>
    %sign3A_102 = arith.extui %sign3A_101 : vector<512x4xi1> to vector<512x4xi32>
    %sign3A_103 = arith.subi %sign3A_98, %sign3A_102 : vector<512x4xi32>
    %sign3A_104 = arith.constant 0 : i32
    %sign3A_105 = arith.cmpi sgt, %jit3A_92, %sign3A_104 : i32
    %sign3A_106 = arith.extui %sign3A_105 : i1 to i32
    %sign3A_107 = arith.constant 0 : i32
    %sign3A_108 = arith.cmpi slt, %jit3A_92, %sign3A_107 : i32
    %sign3A_109 = arith.extui %sign3A_108 : i1 to i32
    %sign3A_110 = arith.subi %sign3A_106, %sign3A_109 : i32
    %ne3A_111 = vector.broadcast %sign3A_110 : i32 to vector<512x4xi32>
    %ne3A_112 = arith.cmpi ne, %sign3A_103, %ne3A_111 : vector<512x4xi32>
    %rem3A_113 = vector.broadcast %jit3A_92 : i32 to vector<512x4xi32>
    %rem3A_114 = arith.remsi %iota3A_90, %rem3A_113 : vector<512x4xi32>
    %ne3A_115 = arith.constant 0 : i32
    %ne3A_116 = vector.broadcast %ne3A_115 : i32 to vector<512x4xi32>
    %ne3A_117 = arith.cmpi ne, %rem3A_114, %ne3A_116 : vector<512x4xi32>
    %and3A_118 = arith.andi %ne3A_112, %ne3A_117 : vector<512x4xi1>
    %sub3A_119 = arith.constant 1 : i32
    %sub3A_120 = vector.broadcast %sub3A_119 : i32 to vector<512x4xi32>
    %sub3A_121 = arith.subi %div3A_94, %sub3A_120 : vector<512x4xi32>
    %select_n3A_122 = arith.select %and3A_118, %sub3A_121, %div3A_94 : vector<512x4xi1>, vector<512x4xi32>
    %eq3A_123 = arith.cmpi eq, %select_n3A_122, %iota3A_91 : vector<512x4xi32>
    %convert_element_type3A_124 = arith.extui %eq3A_123 : vector<512x4xi1> to vector<512x4xi32>
    %convert_element_type3A_125 = arith.sitofp %convert_element_type3A_124 : vector<512x4xi32> to vector<512x4xf32>
    %get3A_126 = arith.constant 0 : index
    %get3A_127 = arith.constant 0 : index
    %get3A_128 = arith.constant 0 : index
    %get3A_129 = arith.constant 0 : index
    %get3A_130 = arith.constant 0 : index
    %get3A_131 = vector.load %arg4[%get3A_126, %get3A_127, %get3A_128, %get3A_129, %get3A_130] : memref<4x1x1x1024x256xf32, #tpu.memory_space<vmem>>, vector<1x1x1x1024x256xf32>
    %get3A_132 = vector.shape_cast %get3A_131 : vector<1x1x1x1024x256xf32> to vector<1024x256xf32>
    %slice3A = vector.extract_strided_slice %get3A_132 {offsets = [0, 0], sizes = [1024, 128], strides = [1, 1]} : vector<1024x256xf32> to vector<1024x128xf32>
    %get3A_133 = arith.constant 1 : index
    %get3A_134 = arith.constant 0 : index
    %get3A_135 = arith.constant 0 : index
    %get3A_136 = arith.constant 0 : index
    %get3A_137 = arith.constant 0 : index
    %get3A_138 = vector.load %arg4[%get3A_133, %get3A_134, %get3A_135, %get3A_136, %get3A_137] : memref<4x1x1x1024x256xf32, #tpu.memory_space<vmem>>, vector<1x1x1x1024x256xf32>
    %get3A_139 = vector.shape_cast %get3A_138 : vector<1x1x1x1024x256xf32> to vector<1024x256xf32>
    %slice3A_140 = vector.extract_strided_slice %get3A_139 {offsets = [0, 0], sizes = [1024, 128], strides = [1, 1]} : vector<1024x256xf32> to vector<1024x128xf32>
    %get3A_141 = arith.constant 2 : index
    %get3A_142 = arith.constant 0 : index
    %get3A_143 = arith.constant 0 : index
    %get3A_144 = arith.constant 0 : index
    %get3A_145 = arith.constant 0 : index
    %get3A_146 = vector.load %arg4[%get3A_141, %get3A_142, %get3A_143, %get3A_144, %get3A_145] : memref<4x1x1x1024x256xf32, #tpu.memory_space<vmem>>, vector<1x1x1x1024x256xf32>
    %get3A_147 = vector.shape_cast %get3A_146 : vector<1x1x1x1024x256xf32> to vector<1024x256xf32>
    %slice3A_148 = vector.extract_strided_slice %get3A_147 {offsets = [0, 0], sizes = [1024, 128], strides = [1, 1]} : vector<1024x256xf32> to vector<1024x128xf32>
    %get3A_149 = arith.constant 3 : index
    %get3A_150 = arith.constant 0 : index
    %get3A_151 = arith.constant 0 : index
    %get3A_152 = arith.constant 0 : index
    %get3A_153 = arith.constant 0 : index
    %get3A_154 = vector.load %arg4[%get3A_149, %get3A_150, %get3A_151, %get3A_152, %get3A_153] : memref<4x1x1x1024x256xf32, #tpu.memory_space<vmem>>, vector<1x1x1x1024x256xf32>
    %get3A_155 = vector.shape_cast %get3A_154 : vector<1x1x1x1024x256xf32> to vector<1024x256xf32>
    %slice3A_156 = vector.extract_strided_slice %get3A_155 {offsets = [0, 0], sizes = [1024, 128], strides = [1, 1]} : vector<1024x256xf32> to vector<1024x128xf32>
    %concatenate3A = tpu.concatenate %slice3A, %slice3A_140, %slice3A_148, %slice3A_156 in 1 : vector<1024x128xf32>, vector<1024x128xf32>, vector<1024x128xf32>, vector<1024x128xf32> -> vector<1024x512xf32>
    %iota3A_157 = tpu.iota {dimensions = array<i32: 0>} : vector<64x512xi32>
    %iota3A_158 = tpu.iota {dimensions = array<i32: 1>} : vector<64x512xi32>
    %jit3A_159 = arith.constant 64 : i32
    %eq3A_160 = arith.constant 0 : i32
    %eq3A_161 = arith.cmpi eq, %jit3A_159, %eq3A_160 : i32
    %jit3A_162 = arith.constant 1 : i32
    %select_n3A_163 = arith.select %eq3A_161, %jit3A_162, %jit3A_159 : i32
    %rem3A_164 = vector.broadcast %select_n3A_163 : i32 to vector<64x512xi32>
    %rem3A_165 = arith.remsi %iota3A_158, %rem3A_164 : vector<64x512xi32>
    %ne3A_166 = arith.constant 0 : i32
    %ne3A_167 = vector.broadcast %ne3A_166 : i32 to vector<64x512xi32>
    %ne3A_168 = arith.cmpi ne, %rem3A_165, %ne3A_167 : vector<64x512xi32>
    %lt3A_169 = arith.constant 0 : i32
    %lt3A_170 = vector.broadcast %lt3A_169 : i32 to vector<64x512xi32>
    %lt3A_171 = arith.cmpi slt, %rem3A_165, %lt3A_170 : vector<64x512xi32>
    %lt3A_172 = arith.constant 0 : i32
    %lt3A_173 = arith.cmpi slt, %select_n3A_163, %lt3A_172 : i32
    %ne3A_174 = vector.broadcast %lt3A_173 : i1 to vector<64x512xi1>
    %ne3A_175 = vector.broadcast %ne3A_174 : vector<64x512xi1> to vector<64x512xi1>
    %ne3A_176 = arith.xori %lt3A_171, %ne3A_175 : vector<64x512xi1>
    %and3A_177 = arith.andi %ne3A_176, %ne3A_168 : vector<64x512xi1>
    %add3A_178 = vector.broadcast %select_n3A_163 : i32 to vector<64x512xi32>
    %add3A_179 = arith.addi %rem3A_165, %add3A_178 : vector<64x512xi32>
    %select_n3A_180 = arith.select %and3A_177, %add3A_179, %rem3A_165 : vector<64x512xi1>, vector<64x512xi32>
    %eq3A_181 = arith.cmpi eq, %iota3A_157, %select_n3A_180 : vector<64x512xi32>
    %convert_element_type3A_182 = arith.extui %eq3A_181 : vector<64x512xi1> to vector<64x512xi32>
    %convert_element_type3A_183 = arith.sitofp %convert_element_type3A_182 : vector<64x512xi32> to vector<64x512xf32>
    %slice3A_184 = vector.extract_strided_slice %get3A_10 {offsets = [0, 0], sizes = [1024, 8], strides = [1, 1]} : vector<1024x64xf32> to vector<1024x8xf32>
    %dot_general3A = arith.constant dense<0.000000e+00> : vector<1024x512xf32>
    %dot_general3A_185 = tpu.matmul %slice3A_184, %convert_element_type3A_89, %dot_general3A {dimension_numbers = #tpu.dot_dimension_numbers<[1], [0], [0], [1], [0, 0, 1, 1], [], []>, transpose_lhs_hint = false} : vector<1024x8xf32>, vector<8x512xf32>, vector<1024x512xf32> -> vector<1024x512xf32>
    %dot_general3A_186 = arith.constant dense<0.000000e+00> : vector<1024x512xf32>
    %dot_general3A_187 = tpu.matmul %get3A_4, %convert_element_type3A_183, %dot_general3A_186 {dimension_numbers = #tpu.dot_dimension_numbers<[1], [0], [0], [1], [0, 0, 1, 1], [], []>, transpose_lhs_hint = false} : vector<1024x64xf32>, vector<64x512xf32>, vector<1024x512xf32> -> vector<1024x512xf32>
    %mul3A_188 = arith.mulf %concatenate3A, %dot_general3A_185 : vector<1024x512xf32>
    %mul3A_189 = arith.mulf %mul3A_188, %dot_general3A_187 : vector<1024x512xf32>
    %convert_element_type3A_190 = arith.truncf %mul3A_189 : vector<1024x512xf32> to vector<1024x512xbf16>
    %convert_element_type3A_191 = arith.truncf %convert_element_type3A_125 : vector<512x4xf32> to vector<512x4xbf16>
    %dot_general3A_192 = arith.constant dense<0.000000e+00> : vector<1024x4xf32>
    %dot_general3A_193 = tpu.matmul %convert_element_type3A_190, %convert_element_type3A_191, %dot_general3A_192 {dimension_numbers = #tpu.dot_dimension_numbers<[1], [0], [0], [1], [0, 0, 1, 1], [], []>, transpose_lhs_hint = false} : vector<1024x512xbf16>, vector<512x4xbf16>, vector<1024x4xf32> -> vector<1024x4xf32>
    %slice3A_194 = vector.extract_strided_slice %get3A_10 {offsets = [0, 8], sizes = [1024, 4], strides = [1, 1]} : vector<1024x64xf32> to vector<1024x4xf32>
    %add3A_195 = arith.addf %dot_general3A_193, %slice3A_194 : vector<1024x4xf32>
    %reduce_max3A = arith.constant dense<0xFF800000> : vector<1024xf32>
    %reduce_max3A_196 = vector.multi_reduction <maximumf>, %add3A_195, %reduce_max3A [1] : vector<1024x4xf32> to vector<1024xf32>
    %broadcast_in_dim3A = vector.shape_cast %reduce_max3A_196 : vector<1024xf32> to vector<1024x1xf32>
    %sub3A_197 = vector.broadcast %broadcast_in_dim3A : vector<1024x1xf32> to vector<1024x4xf32>
    %sub3A_198 = arith.subf %add3A_195, %sub3A_197 : vector<1024x4xf32>
    %exp3A = math.exp %sub3A_198 : vector<1024x4xf32>
    %reduce_sum3A = arith.constant dense<0.000000e+00> : vector<1024xf32>
    %reduce_sum3A_199 = vector.multi_reduction <add>, %exp3A, %reduce_sum3A [1] : vector<1024x4xf32> to vector<1024xf32>
    %broadcast_in_dim3A_200 = vector.shape_cast %reduce_sum3A_199 : vector<1024xf32> to vector<1024x1xf32>
    %div3A_201 = vector.broadcast %broadcast_in_dim3A_200 : vector<1024x1xf32> to vector<1024x4xf32>
    %div3A_202 = arith.divf %exp3A, %div3A_201 : vector<1024x4xf32>
    %get3A_203 = arith.constant 0 : index
    %get3A_204 = arith.constant 0 : index
    %get3A_205 = arith.constant 0 : index
    %get3A_206 = arith.constant 0 : index
    %get3A_207 = arith.constant 0 : index
    %get3A_208 = vector.load %arg4[%get3A_203, %get3A_204, %get3A_205, %get3A_206, %get3A_207] : memref<4x1x1x1024x256xf32, #tpu.memory_space<vmem>>, vector<1x1x1x1024x256xf32>
    %get3A_209 = vector.shape_cast %get3A_208 : vector<1x1x1x1024x256xf32> to vector<1024x256xf32>
    %slice3A_210 = vector.extract_strided_slice %get3A_209 {offsets = [0, 128], sizes = [1024, 128], strides = [1, 1]} : vector<1024x256xf32> to vector<1024x128xf32>
    %get3A_211 = arith.constant 1 : index
    %get3A_212 = arith.constant 0 : index
    %get3A_213 = arith.constant 0 : index
    %get3A_214 = arith.constant 0 : index
    %get3A_215 = arith.constant 0 : index
    %get3A_216 = vector.load %arg4[%get3A_211, %get3A_212, %get3A_213, %get3A_214, %get3A_215] : memref<4x1x1x1024x256xf32, #tpu.memory_space<vmem>>, vector<1x1x1x1024x256xf32>
    %get3A_217 = vector.shape_cast %get3A_216 : vector<1x1x1x1024x256xf32> to vector<1024x256xf32>
    %slice3A_218 = vector.extract_strided_slice %get3A_217 {offsets = [0, 128], sizes = [1024, 128], strides = [1, 1]} : vector<1024x256xf32> to vector<1024x128xf32>
    %get3A_219 = arith.constant 2 : index
    %get3A_220 = arith.constant 0 : index
    %get3A_221 = arith.constant 0 : index
    %get3A_222 = arith.constant 0 : index
    %get3A_223 = arith.constant 0 : index
    %get3A_224 = vector.load %arg4[%get3A_219, %get3A_220, %get3A_221, %get3A_222, %get3A_223] : memref<4x1x1x1024x256xf32, #tpu.memory_space<vmem>>, vector<1x1x1x1024x256xf32>
    %get3A_225 = vector.shape_cast %get3A_224 : vector<1x1x1x1024x256xf32> to vector<1024x256xf32>
    %slice3A_226 = vector.extract_strided_slice %get3A_225 {offsets = [0, 128], sizes = [1024, 128], strides = [1, 1]} : vector<1024x256xf32> to vector<1024x128xf32>
    %get3A_227 = arith.constant 3 : index
    %get3A_228 = arith.constant 0 : index
    %get3A_229 = arith.constant 0 : index
    %get3A_230 = arith.constant 0 : index
    %get3A_231 = arith.constant 0 : index
    %get3A_232 = vector.load %arg4[%get3A_227, %get3A_228, %get3A_229, %get3A_230, %get3A_231] : memref<4x1x1x1024x256xf32, #tpu.memory_space<vmem>>, vector<1x1x1x1024x256xf32>
    %get3A_233 = vector.shape_cast %get3A_232 : vector<1x1x1x1024x256xf32> to vector<1024x256xf32>
    %slice3A_234 = vector.extract_strided_slice %get3A_233 {offsets = [0, 128], sizes = [1024, 128], strides = [1, 1]} : vector<1024x256xf32> to vector<1024x128xf32>
    %concatenate3A_235 = tpu.concatenate %slice3A_210, %slice3A_218, %slice3A_226, %slice3A_234 in 1 : vector<1024x128xf32>, vector<1024x128xf32>, vector<1024x128xf32>, vector<1024x128xf32> -> vector<1024x512xf32>
    %slice3A_236 = vector.extract_strided_slice %get3A_10 {offsets = [0, 0], sizes = [1024, 4], strides = [1, 1]} : vector<1024x64xf32> to vector<1024x4xf32>
    %mul3A_237 = arith.mulf %div3A_202, %slice3A_236 : vector<1024x4xf32>
    %slice3A_238 = vector.extract_strided_slice %get3A_10 {offsets = [0, 4], sizes = [1024, 4], strides = [1, 1]} : vector<1024x64xf32> to vector<1024x4xf32>
    %mul3A_239 = arith.mulf %div3A_202, %slice3A_238 : vector<1024x4xf32>
    %concatenate3A_240 = tpu.concatenate %mul3A_237, %mul3A_239 in 1 : vector<1024x4xf32>, vector<1024x4xf32> -> vector<1024x8xf32>
    %dot_general3A_241 = arith.constant dense<0.000000e+00> : vector<1024x512xf32>
    %dot_general3A_242 = tpu.matmul %concatenate3A_240, %convert_element_type3A_89, %dot_general3A_241 {dimension_numbers = #tpu.dot_dimension_numbers<[1], [0], [0], [1], [0, 0, 1, 1], [], []>, transpose_lhs_hint = false} : vector<1024x8xf32>, vector<8x512xf32>, vector<1024x512xf32> -> vector<1024x512xf32>
    %mul3A_243 = arith.mulf %concatenate3A_235, %dot_general3A_242 : vector<1024x512xf32>
    %slice3A_244 = vector.extract_strided_slice %mul3A_243 {offsets = [0, 0], sizes = [1024, 64], strides = [1, 1]} : vector<1024x512xf32> to vector<1024x64xf32>
    %slice3A_245 = vector.extract_strided_slice %mul3A_243 {offsets = [0, 64], sizes = [1024, 64], strides = [1, 1]} : vector<1024x512xf32> to vector<1024x64xf32>
    %add3A_246 = arith.addf %slice3A_244, %slice3A_245 : vector<1024x64xf32>
    %slice3A_247 = vector.extract_strided_slice %mul3A_243 {offsets = [0, 128], sizes = [1024, 64], strides = [1, 1]} : vector<1024x512xf32> to vector<1024x64xf32>
    %add3A_248 = arith.addf %add3A_246, %slice3A_247 : vector<1024x64xf32>
    %slice3A_249 = vector.extract_strided_slice %mul3A_243 {offsets = [0, 192], sizes = [1024, 64], strides = [1, 1]} : vector<1024x512xf32> to vector<1024x64xf32>
    %add3A_250 = arith.addf %add3A_248, %slice3A_249 : vector<1024x64xf32>
    %slice3A_251 = vector.extract_strided_slice %mul3A_243 {offsets = [0, 256], sizes = [1024, 64], strides = [1, 1]} : vector<1024x512xf32> to vector<1024x64xf32>
    %add3A_252 = arith.addf %add3A_250, %slice3A_251 : vector<1024x64xf32>
    %slice3A_253 = vector.extract_strided_slice %mul3A_243 {offsets = [0, 320], sizes = [1024, 64], strides = [1, 1]} : vector<1024x512xf32> to vector<1024x64xf32>
    %add3A_254 = arith.addf %add3A_252, %slice3A_253 : vector<1024x64xf32>
    %slice3A_255 = vector.extract_strided_slice %mul3A_243 {offsets = [0, 384], sizes = [1024, 64], strides = [1, 1]} : vector<1024x512xf32> to vector<1024x64xf32>
    %add3A_256 = arith.addf %add3A_254, %slice3A_255 : vector<1024x64xf32>
    %slice3A_257 = vector.extract_strided_slice %mul3A_243 {offsets = [0, 448], sizes = [1024, 64], strides = [1, 1]} : vector<1024x512xf32> to vector<1024x64xf32>
    %add3A_258 = arith.addf %add3A_256, %slice3A_257 : vector<1024x64xf32>
    %swap3A = arith.constant 0 : index
    %swap3A_259 = arith.constant 0 : index
    %swap3A_260 = arith.constant 0 : index
    %swap3A_261 = arith.constant 0 : index
    %swap3A_262 = vector.load %arg6[%swap3A, %swap3A_259, %swap3A_260, %swap3A_261] : memref<1x1x1024x64xf32, #tpu.memory_space<vmem>>, vector<1x1x1024x64xf32>
    %swap3A_263 = vector.shape_cast %swap3A_262 : vector<1x1x1024x64xf32> to vector<1024x64xf32>
    %swap3A_264 = vector.shape_cast %add3A_258 : vector<1024x64xf32> to vector<1x1x1024x64xf32>
    tpu.vector_store %arg6[%swap3A, %swap3A_259, %swap3A_260, %swap3A_261], %swap3A_264 {strides = array<i32>} : memref<1x1x1024x64xf32, #tpu.memory_space<vmem>>, vector<1x1x1024x64xf32>,
    return
  }
  func.func @transform_0(%arg0: i32, %arg1: i32, %arg2: i32) -> (i32, i32, i32, i32) {
    %add3A = arith.constant 0 : i32
    %add3A_0 = arith.addi %add3A, %arg1 : i32
    %c0_i32 = arith.constant 0 : i32
    %c0_i32_1 = arith.constant 0 : i32
    return %arg0, %add3A_0, %arg2, %c0_i32 : i32, i32, i32, i32
  }
  func.func @transform_1(%arg0: i32, %arg1: i32, %arg2: i32) -> (i32, i32, i32, i32, i32) {
    %c0_i32 = arith.constant 0 : i32
    %c0_i32_0 = arith.constant 0 : i32
    %c0_i32_1 = arith.constant 0 : i32
    return %c0_i32, %arg0, %arg1, %arg2, %c0_i32_0 : i32, i32, i32, i32, i32
  }
  func.func @transform_2(%arg0: i32, %arg1: i32, %arg2: i32) -> (i32, i32, i32, i32) {
    %add3A = arith.constant 0 : i32
    %add3A_0 = arith.addi %add3A, %arg1 : i32
    %c0_i32 = arith.constant 0 : i32
    %c0_i32_1 = arith.constant 0 : i32
    return %arg0, %add3A_0, %arg2, %c0_i32 : i32, i32, i32, i32
  }
  func.func @transform_3(%arg0: i32, %arg1: i32, %arg2: i32) -> (i32, i32, i32, i32) {
    %c0_i32 = arith.constant 0 : i32
    %c0_i32_0 = arith.constant 0 : i32
    return %arg0, %arg1, %arg2, %c0_i32 : i32, i32, i32, i32
  }
}

module attributes {stable_mosaic.version = 14 : i64} {
  func.func @_outproj_body(%arg0: i32, %arg1: i32, %arg2: memref<1x8x256x64xf32, #tpu.memory_space<vmem>>, %arg3: memref<1x8x256x64xf32, #tpu.memory_space<vmem>>, %arg4: memref<1024x1024xf32, #tpu.memory_space<vmem>>, %arg5: memref<1024xf32, #tpu.memory_space<vmem>>, %arg6: memref<1x256x1024xf32, #tpu.memory_space<vmem>>) attributes {dimension_semantics = [#tpu.dimension_semantics<arbitrary>, #tpu.dimension_semantics<arbitrary>], iteration_bounds = array<i64: 2, 8>, scalar_prefetch = 0 : i64, scratch_operands = 0 : i64, tpu.core_type = #tpu.core_type<tc>, window_params = [{transform_indices = @transform_0, window_bounds = array<i64: 1, 8, 256, 64>}, {transform_indices = @transform_1, window_bounds = array<i64: 1, 8, 256, 64>}, {pipeline_mode = #tpu.pipeline_mode<synchronous>, transform_indices = @transform_2, window_bounds = array<i64: 1024, 1024>}, {pipeline_mode = #tpu.pipeline_mode<synchronous>, transform_indices = @transform_3, window_bounds = array<i64: 1024>}, {transform_indices = @transform_4, window_bounds = array<i64: 1, 256, 1024>}]} {
    %get3A = arith.constant 0 : index
    %get3A_0 = arith.constant 0 : index
    %get3A_1 = arith.constant 0 : index
    %get3A_2 = arith.constant 0 : index
    %get3A_3 = vector.load %arg2[%get3A, %get3A_0, %get3A_1, %get3A_2] : memref<1x8x256x64xf32, #tpu.memory_space<vmem>>, vector<1x1x256x64xf32>
    %get3A_4 = vector.shape_cast %get3A_3 : vector<1x1x256x64xf32> to vector<256x64xf32>
    %get3A_5 = arith.constant 0 : index
    %get3A_6 = arith.constant 1 : index
    %get3A_7 = arith.constant 0 : index
    %get3A_8 = arith.constant 0 : index
    %get3A_9 = vector.load %arg2[%get3A_5, %get3A_6, %get3A_7, %get3A_8] : memref<1x8x256x64xf32, #tpu.memory_space<vmem>>, vector<1x1x256x64xf32>
    %get3A_10 = vector.shape_cast %get3A_9 : vector<1x1x256x64xf32> to vector<256x64xf32>
    %get3A_11 = arith.constant 0 : index
    %get3A_12 = arith.constant 2 : index
    %get3A_13 = arith.constant 0 : index
    %get3A_14 = arith.constant 0 : index
    %get3A_15 = vector.load %arg2[%get3A_11, %get3A_12, %get3A_13, %get3A_14] : memref<1x8x256x64xf32, #tpu.memory_space<vmem>>, vector<1x1x256x64xf32>
    %get3A_16 = vector.shape_cast %get3A_15 : vector<1x1x256x64xf32> to vector<256x64xf32>
    %get3A_17 = arith.constant 0 : index
    %get3A_18 = arith.constant 3 : index
    %get3A_19 = arith.constant 0 : index
    %get3A_20 = arith.constant 0 : index
    %get3A_21 = vector.load %arg2[%get3A_17, %get3A_18, %get3A_19, %get3A_20] : memref<1x8x256x64xf32, #tpu.memory_space<vmem>>, vector<1x1x256x64xf32>
    %get3A_22 = vector.shape_cast %get3A_21 : vector<1x1x256x64xf32> to vector<256x64xf32>
    %get3A_23 = arith.constant 0 : index
    %get3A_24 = arith.constant 4 : index
    %get3A_25 = arith.constant 0 : index
    %get3A_26 = arith.constant 0 : index
    %get3A_27 = vector.load %arg2[%get3A_23, %get3A_24, %get3A_25, %get3A_26] : memref<1x8x256x64xf32, #tpu.memory_space<vmem>>, vector<1x1x256x64xf32>
    %get3A_28 = vector.shape_cast %get3A_27 : vector<1x1x256x64xf32> to vector<256x64xf32>
    %get3A_29 = arith.constant 0 : index
    %get3A_30 = arith.constant 5 : index
    %get3A_31 = arith.constant 0 : index
    %get3A_32 = arith.constant 0 : index
    %get3A_33 = vector.load %arg2[%get3A_29, %get3A_30, %get3A_31, %get3A_32] : memref<1x8x256x64xf32, #tpu.memory_space<vmem>>, vector<1x1x256x64xf32>
    %get3A_34 = vector.shape_cast %get3A_33 : vector<1x1x256x64xf32> to vector<256x64xf32>
    %get3A_35 = arith.constant 0 : index
    %get3A_36 = arith.constant 6 : index
    %get3A_37 = arith.constant 0 : index
    %get3A_38 = arith.constant 0 : index
    %get3A_39 = vector.load %arg2[%get3A_35, %get3A_36, %get3A_37, %get3A_38] : memref<1x8x256x64xf32, #tpu.memory_space<vmem>>, vector<1x1x256x64xf32>
    %get3A_40 = vector.shape_cast %get3A_39 : vector<1x1x256x64xf32> to vector<256x64xf32>
    %get3A_41 = arith.constant 0 : index
    %get3A_42 = arith.constant 7 : index
    %get3A_43 = arith.constant 0 : index
    %get3A_44 = arith.constant 0 : index
    %get3A_45 = vector.load %arg2[%get3A_41, %get3A_42, %get3A_43, %get3A_44] : memref<1x8x256x64xf32, #tpu.memory_space<vmem>>, vector<1x1x256x64xf32>
    %get3A_46 = vector.shape_cast %get3A_45 : vector<1x1x256x64xf32> to vector<256x64xf32>
    %get3A_47 = arith.constant 0 : index
    %get3A_48 = arith.constant 0 : index
    %get3A_49 = arith.constant 0 : index
    %get3A_50 = arith.constant 0 : index
    %get3A_51 = vector.load %arg3[%get3A_47, %get3A_48, %get3A_49, %get3A_50] : memref<1x8x256x64xf32, #tpu.memory_space<vmem>>, vector<1x1x256x64xf32>
    %get3A_52 = vector.shape_cast %get3A_51 : vector<1x1x256x64xf32> to vector<256x64xf32>
    %get3A_53 = arith.constant 0 : index
    %get3A_54 = arith.constant 1 : index
    %get3A_55 = arith.constant 0 : index
    %get3A_56 = arith.constant 0 : index
    %get3A_57 = vector.load %arg3[%get3A_53, %get3A_54, %get3A_55, %get3A_56] : memref<1x8x256x64xf32, #tpu.memory_space<vmem>>, vector<1x1x256x64xf32>
    %get3A_58 = vector.shape_cast %get3A_57 : vector<1x1x256x64xf32> to vector<256x64xf32>
    %get3A_59 = arith.constant 0 : index
    %get3A_60 = arith.constant 2 : index
    %get3A_61 = arith.constant 0 : index
    %get3A_62 = arith.constant 0 : index
    %get3A_63 = vector.load %arg3[%get3A_59, %get3A_60, %get3A_61, %get3A_62] : memref<1x8x256x64xf32, #tpu.memory_space<vmem>>, vector<1x1x256x64xf32>
    %get3A_64 = vector.shape_cast %get3A_63 : vector<1x1x256x64xf32> to vector<256x64xf32>
    %get3A_65 = arith.constant 0 : index
    %get3A_66 = arith.constant 3 : index
    %get3A_67 = arith.constant 0 : index
    %get3A_68 = arith.constant 0 : index
    %get3A_69 = vector.load %arg3[%get3A_65, %get3A_66, %get3A_67, %get3A_68] : memref<1x8x256x64xf32, #tpu.memory_space<vmem>>, vector<1x1x256x64xf32>
    %get3A_70 = vector.shape_cast %get3A_69 : vector<1x1x256x64xf32> to vector<256x64xf32>
    %get3A_71 = arith.constant 0 : index
    %get3A_72 = arith.constant 4 : index
    %get3A_73 = arith.constant 0 : index
    %get3A_74 = arith.constant 0 : index
    %get3A_75 = vector.load %arg3[%get3A_71, %get3A_72, %get3A_73, %get3A_74] : memref<1x8x256x64xf32, #tpu.memory_space<vmem>>, vector<1x1x256x64xf32>
    %get3A_76 = vector.shape_cast %get3A_75 : vector<1x1x256x64xf32> to vector<256x64xf32>
    %get3A_77 = arith.constant 0 : index
    %get3A_78 = arith.constant 5 : index
    %get3A_79 = arith.constant 0 : index
    %get3A_80 = arith.constant 0 : index
    %get3A_81 = vector.load %arg3[%get3A_77, %get3A_78, %get3A_79, %get3A_80] : memref<1x8x256x64xf32, #tpu.memory_space<vmem>>, vector<1x1x256x64xf32>
    %get3A_82 = vector.shape_cast %get3A_81 : vector<1x1x256x64xf32> to vector<256x64xf32>
    %get3A_83 = arith.constant 0 : index
    %get3A_84 = arith.constant 6 : index
    %get3A_85 = arith.constant 0 : index
    %get3A_86 = arith.constant 0 : index
    %get3A_87 = vector.load %arg3[%get3A_83, %get3A_84, %get3A_85, %get3A_86] : memref<1x8x256x64xf32, #tpu.memory_space<vmem>>, vector<1x1x256x64xf32>
    %get3A_88 = vector.shape_cast %get3A_87 : vector<1x1x256x64xf32> to vector<256x64xf32>
    %get3A_89 = arith.constant 0 : index
    %get3A_90 = arith.constant 7 : index
    %get3A_91 = arith.constant 0 : index
    %get3A_92 = arith.constant 0 : index
    %get3A_93 = vector.load %arg3[%get3A_89, %get3A_90, %get3A_91, %get3A_92] : memref<1x8x256x64xf32, #tpu.memory_space<vmem>>, vector<1x1x256x64xf32>
    %get3A_94 = vector.shape_cast %get3A_93 : vector<1x1x256x64xf32> to vector<256x64xf32>
    %concatenate3A = tpu.concatenate %get3A_4, %get3A_10, %get3A_16, %get3A_22, %get3A_28, %get3A_34, %get3A_40, %get3A_46, %get3A_52, %get3A_58, %get3A_64, %get3A_70, %get3A_76, %get3A_82, %get3A_88, %get3A_94 in 1 : vector<256x64xf32>, vector<256x64xf32>, vector<256x64xf32>, vector<256x64xf32>, vector<256x64xf32>, vector<256x64xf32>, vector<256x64xf32>, vector<256x64xf32>, vector<256x64xf32>, vector<256x64xf32>, vector<256x64xf32>, vector<256x64xf32>, vector<256x64xf32>, vector<256x64xf32>, vector<256x64xf32>, vector<256x64xf32> -> vector<256x1024xf32>
    %get3A_95 = arith.constant 0 : index
    %get3A_96 = arith.constant 0 : index
    %get3A_97 = vector.load %arg4[%get3A_95, %get3A_96] : memref<1024x1024xf32, #tpu.memory_space<vmem>>, vector<1024x1024xf32>
    %dot_general3A = arith.constant dense<0.000000e+00> : vector<256x1024xf32>
    %dot_general3A_98 = tpu.matmul %concatenate3A, %get3A_97, %dot_general3A {dimension_numbers = #tpu.dot_dimension_numbers<[1], [0], [0], [1], [0, 0, 1, 1], [], []>, transpose_lhs_hint = false} : vector<256x1024xf32>, vector<1024x1024xf32>, vector<256x1024xf32> -> vector<256x1024xf32>
    %get3A_99 = arith.constant 0 : index
    %get3A_100 = vector.load %arg5[%get3A_99] : memref<1024xf32, #tpu.memory_space<vmem>>, vector<1024xf32>
    %broadcast_in_dim3A = vector.shape_cast %get3A_100 : vector<1024xf32> to vector<1x1024xf32>
    %add3A = vector.broadcast %broadcast_in_dim3A : vector<1x1024xf32> to vector<256x1024xf32>
    %add3A_101 = arith.addf %dot_general3A_98, %add3A : vector<256x1024xf32>
    %swap3A = arith.constant 0 : index
    %swap3A_102 = arith.constant 0 : index
    %swap3A_103 = arith.constant 0 : index
    %swap3A_104 = vector.load %arg6[%swap3A, %swap3A_102, %swap3A_103] : memref<1x256x1024xf32, #tpu.memory_space<vmem>>, vector<1x256x1024xf32>
    %swap3A_105 = vector.shape_cast %swap3A_104 : vector<1x256x1024xf32> to vector<256x1024xf32>
    %swap3A_106 = vector.shape_cast %add3A_101 : vector<256x1024xf32> to vector<1x256x1024xf32>
    tpu.vector_store %arg6[%swap3A, %swap3A_102, %swap3A_103], %swap3A_106 {strides = array<i32>} : memref<1x256x1024xf32, #tpu.memory_space<vmem>>, vector<1x256x1024xf32>,
    return
  }
  func.func @transform_0(%arg0: i32, %arg1: i32) -> (i32, i32, i32, i32) {
    %c0_i32 = arith.constant 0 : i32
    %c0_i32_0 = arith.constant 0 : i32
    %c0_i32_1 = arith.constant 0 : i32
    return %arg0, %c0_i32, %arg1, %c0_i32_0 : i32, i32, i32, i32
  }
  func.func @transform_1(%arg0: i32, %arg1: i32) -> (i32, i32, i32, i32) {
    %c0_i32 = arith.constant 0 : i32
    %c0_i32_0 = arith.constant 0 : i32
    %c0_i32_1 = arith.constant 0 : i32
    return %arg0, %c0_i32, %arg1, %c0_i32_0 : i32, i32, i32, i32
  }
  func.func @transform_2(%arg0: i32, %arg1: i32) -> (i32, i32) {
    %c0_i32 = arith.constant 0 : i32
    %c0_i32_0 = arith.constant 0 : i32
    %c0_i32_1 = arith.constant 0 : i32
    return %c0_i32, %c0_i32_0 : i32, i32
  }
  func.func @transform_3(%arg0: i32, %arg1: i32) -> i32 {
    %c0_i32 = arith.constant 0 : i32
    %c0_i32_0 = arith.constant 0 : i32
    return %c0_i32 : i32
  }
  func.func @transform_4(%arg0: i32, %arg1: i32) -> (i32, i32, i32) {
    %c0_i32 = arith.constant 0 : i32
    %c0_i32_0 = arith.constant 0 : i32
    return %arg0, %arg1, %c0_i32 : i32, i32, i32
  }
}

</mosaic_0001>

<sc_bundles>
// kernel: kernel.12.cloned.1.call-start
scs
__scs_entry_jumppad:
0x0: {  	(pc) =	sbr.rel $0x88, $3  }
0x1: {  	(tag) =	ssettag $0x0;
	lr =	simm.s32 $0x1  }
0x2: {  	[smem:$0x3F93] =	sst lr;
	_ =	strace $0xD0000000  }
0x3: {  	_ = 	snop  }
0x4: {  	_ = 	snop  }
0x5: {  	_ = 	snop  }
0x6: {  	_ = 	snop  }
0x7: {  	_ = 	snop  }
__scs_overlays_trampoline_lowered:
0x8: {  	[smem:$0x3FA2] =	sst s0  }
0x9: {  	[smem:$0x3FA3] =	sst s1  }
0xa: {  	[smem:$0x3FA4] =	sst s2  }
0xb: {  	[smem:$0x3FA5] =	sst s3  }
0xc: {  	[smem:$0x3FA6] =	sst s4  }
0xd: {  	[smem:$0x3FA7] =	sst s5  }
0xe: {  	[smem:$0x3FA8] =	sst s6  }
0xf: {  	[smem:$0x3FA9] =	sst s7  }
0x10: {  	[smem:$0x3FAA] =	sst s8  }
0x11: {  	[smem:$0x3FAB] =	sst s9;
	s0 =	simm.s32 @!p0 $0x0  }
0x12: {  	s1 =	sld [smem:$0x3F91];
	s0 =	simm.s32 @p0 $0x1  }
0x13: {  	[smem:$0x3FAC] =	sst s0;
	s0 =	simm.s32 @!p1 $0x0  }
0x14: {  	s2 =	sld [smem:$0x3F90];
	s0 =	simm.s32 @p1 $0x1  }
0x15: {  	[smem:$0x3FAD] =	sst s0;
	s0 =	simm.s32 @!p2 $0x0  }
0x16: {  	s3 =	sld [smem:$0x3FDB];
	s0 =	simm.s32 @p2 $0x1  }
0x17: {  	s4 =	simm.s32 $0x1BF5;
	[smem:$0x3FAF] =	sst s0  }
0x18: {  	s0 =	sld [smem:$0x3F92];
	_ =	swait.ge [sflag:s4], $0x0  }
0x19: {  	s7 =	sld [smem:$0x3F93]  }
0x1a: {  	s8 =	sadd.s32 $0xFFFFE003, lr  }
0x1b: {  	s9 =	sadd.s32 $0xFFFFFEF7, lr;
	s5 =	simm.s32 $0xFFFFFFFF;
	p2 =	slt.u32 s8, $0xFFFFF086  }
0x1c: {  	p1 =	slt.u32 s9, $0xF7A;
	s5 =	simm.s32 @!p2 $0x0  }
0x1d: {  	s5 =	simm.s32 @p1 $0x1;
	p0 =	seq.s32 s7, s2  }
0x1e: {  	s7 =	smul.u32 @!p0 $0xF7A, s2;
	p2 =	seq.s32 @!p0 s5, $0x0  }
0x1f: {  	s9 =	smul.u32 $0xF7A, s1;
	s8 =	simm.s32 @!p0 $0x1BF5;
	p2 =	por !p2, p0  }
0x20: {  	[sflag:s8] =	ssyncset.s32 @!p0 $0xFFFFF086;
	s6 =	sadd.s32 @!p0 s3, s7;
	s7 =	simm.s32 @!p0 $0x108  }
0x21: {  	s3 =	sadd.s32 s3, s9;
	s6 =	sadd.s32 @!p0 $0x88, s6;
	s7 =	simm.s32 @p2 $0x1082  }
0x22: {  	[simem:s7], [sflag:s8] =	dma.local @!p0 [hbm:s6], $0xF7A  }
0x23: {  	s9 =	sor.u32 $0xD0000000, s2;
	s6 =	simm.s32 $0x108;
	_ =	swait.ge @!p0 [sflag:s8], $0x0  }
0x24: {  	s3 =	sadd.s32 $0x88, s3;
	s6 =	simm.s32 @!p1 $0x1082;
	[sflag:s4] =	ssyncset.s32 $0xFFFFF086  }
0x25: {  	[simem:s6], [sflag:s4] =	dma.local [hbm:s3], $0xF7A  }
0x26: {  	[smem:$0x3F93] =	sst s1;
	(tag) =	ssettag s2;
	_ =	strace s9  }
0x27: {  	s1 =	sld [smem:$0x3FA3]  }
0x28: {  	s2 =	sld [smem:$0x3FA4]  }
0x29: {  	s4 =	sld [smem:$0x3FA6]  }
0x2a: {  	p0 =	seq.s32 s5, $0x0;
	s5 =	sld [smem:$0x3FA7]  }
0x2b: {  	s6 =	sld [smem:$0x3FA8]  }
0x2c: {  	s7 =	sld [smem:$0x3FA9]  }
0x2d: {  	s3 =	simm.s32 $0x108;
	s8 =	sld [smem:$0x3FAA]  }
0x2e: {  	s3 =	simm.s32 @!p0 $0x1082;
	s9 =	sld [smem:$0x3FAB]  }
0x2f: {  	lr =	sadd.s32 s0, s3;
	s0 =	sld [smem:$0x3FA2]  }
0x30: {  	s3 =	sld [smem:$0x3FA5]  }
0x31: {  	[smem:$0x3FAE] =	sst s10  }
0x32: {  	s10 =	sld [smem:$0x3FAC];
	_ =	sdelay $0x3  }
0x33: {  	p0 =	seq.s32 s10, $0x1;
	s10 =	sld [smem:$0x3FAE];
	_ =	sdelay $0x3  }
0x34: {  	[smem:$0x3FAE] =	sst s10  }
0x35: {  	s10 =	sld [smem:$0x3FAD];
	_ =	sdelay $0x3  }
0x36: {  	p1 =	seq.s32 s10, $0x1;
	s10 =	sld [smem:$0x3FAE];
	_ =	sdelay $0x3  }
0x37: {  	[smem:$0x3FAE] =	sst s10  }
0x38: {  	s10 =	sld [smem:$0x3FAF]  }
0x39: {  	_ = 	snop;
	(pc) =	sbr.ind lr, $3  }
0x3a: {  	_ = 	snop  }
0x3b: {  	_ = 	snop  }
0x3c: {  	p2 =	seq.s32 s10, $0x1;
	s10 =	sld [smem:$0x3FAE]  }
0x3d: {  	_ =	shalt  }
0x3e: {  	_ =	shalt  }
0x3f: {  	_ =	shalt  }
0x40: {  	_ =	shalt  }
0x41: {  	_ =	shalt  }
0x42: {  	_ =	shalt  }
0x43: {  	_ =	shalt  }
0x44: {  	_ =	shalt  }
0x45: {  	_ =	shalt  }
0x46: {  	_ =	shalt  }
0x47: {  	_ =	shalt  }
0x48: {  	_ =	shalt  }
0x49: {  	_ =	shalt  }
0x4a: {  	_ =	shalt  }
0x4b: {  	_ =	shalt  }
0x4c: {  	_ =	shalt  }
0x4d: {  	_ =	shalt  }
0x4e: {  	_ =	shalt  }
0x4f: {  	_ =	shalt  }
0x50: {  	_ =	shalt  }
0x51: {  	_ =	shalt  }
0x52: {  	_ =	shalt  }
0x53: {  	_ =	shalt  }
0x54: {  	_ =	shalt  }
0x55: {  	_ =	shalt  }
0x56: {  	_ =	shalt  }
0x57: {  	_ =	shalt  }
0x58: {  	_ =	shalt  }
0x59: {  	_ =	shalt  }
0x5a: {  	_ =	shalt  }
0x5b: {  	_ =	shalt  }
0x5c: {  	_ =	shalt  }
0x5d: {  	_ =	shalt  }
0x5e: {  	_ =	shalt  }
0x5f: {  	_ =	shalt  }
0x60: {  	_ =	shalt  }
0x61: {  	_ =	shalt  }
0x62: {  	_ =	shalt  }
0x63: {  	_ =	shalt  }
0x64: {  	_ =	shalt  }
0x65: {  	_ =	shalt  }
0x66: {  	_ =	shalt  }
0x67: {  	_ =	shalt  }
0x68: {  	_ =	shalt  }
0x69: {  	_ =	shalt  }
0x6a: {  	_ =	shalt  }
0x6b: {  	_ =	shalt  }
0x6c: {  	_ =	shalt  }
0x6d: {  	_ =	shalt  }
0x6e: {  	_ =	shalt  }
0x6f: {  	_ =	shalt  }
0x70: {  	_ =	shalt  }
0x71: {  	_ =	shalt  }
0x72: {  	_ =	shalt  }
0x73: {  	_ =	shalt  }
0x74: {  	_ =	shalt  }
0x75: {  	_ =	shalt  }
0x76: {  	_ =	shalt  }
0x77: {  	_ =	shalt  }
0x78: {  	_ =	shalt  }
0x79: {  	_ =	shalt  }
0x7a: {  	_ =	shalt  }
0x7b: {  	_ =	shalt  }
0x7c: {  	_ =	shalt  }
0x7d: {  	_ =	shalt  }
0x7e: {  	_ =	shalt  }
0x7f: {  	_ =	shalt  }
0x80: {  	_ =	shalt  }
0x81: {  	_ =	shalt  }
0x82: {  	_ =	shalt  }
0x83: {  	_ =	shalt  }
0x84: {  	_ =	shalt  }
0x85: {  	_ =	shalt  }
0x86: {  	_ =	shalt  }
0x87: {  	_ =	shalt  }
.Lfunc_end0:
.L_simem_size_0:
called_computation.1_lowered:
.L_overlay_start_0:
0x88: {  	s2 =	sld [smem:$0x3FD9]  }
0x89: {  	s3 =	sld [smem:$0x3FFE];
	_ =	sdelay $0x1  }
0x8a: {  	s1 =	srdreg.scid  }
0x8b: {  	s0 =	sand.u32 $0x1, s1  }
0x8c: {  	s16 =	sshll.u32 s0, $0xA;
	s2 =	sadd.s32 s3, s2  }
0x8d: {  	s2 =	sadd.s32 s2, s16  }
0x8e: {  	[smem:$0x3FBA] =	sst s2  }
0x8f: {  	_ = 	snop  }
0x90: {  	(tm) =	ssettm $0x1  }
0x91: {  	s17 =	sld [smem:$0x3FFB];
	_ =	sdelay $0x3  }
0x92: {  	_ =	strace s17  }
0x93: {  	s2 =	sld [smem:$0x3FFC];
	_ =	sdelay $0x3  }
0x94: {  	_ =	strace s2  }
0x95: {  	s2 =	sld [smem:$0x3FFD];
	_ =	sdelay $0x3  }
0x96: {  	_ =	strace s2  }
0x97: {  	_ =	strace $0x8FFFFFFF  }
0x98: {  	s18 =	sld [smem:$0x3FDB];
	_ =	sdelay $0x1  }
0x99: {  	s19 =	simm.s32 $_scs_section_size  }
0x9a: {  	s4 =	simm.s32 $_size__tile_overlayer_lowered;
	s5 =	simm.s32 $_tile_overlayer_lowered  }
0x9b: {  	s22 =	simm.s32 $0x1BFF;
	s21 =	sshll.u32 s5, $0x1;
	s2 =	sadd.s32 s19, s18  }
0x9c: {  	s6 =	simm.s32 $0x0;
	s20 =	sshll.u32 s4, $0x1;
	s4 =	sadd.s32 s21, s2  }
0x9d: {  	[timem:s6], [sflag:s22] =	dma.local [hbm:s4], s20  }
0x9e: {  	_ =	swait.ge [sflag:s22], s20  }
0x9f: {  	s3 =	ssub.s32 $0x0, s20;
	[sflag:s22] =	ssyncset.done $0x0  }
0xa0: {  	[sflag:s22] =	ssyncadd.s32 s3;
	_ =	sdelay $0x1  }
0xa1: {  	s23 =	simm.s32 $0x1B8B  }
0xa2: {  	_ =	swait.ge [sflag:s23], $0x1  }
0xa3: {  	[sflag:s23] =	ssyncset.done $0x0  }
0xa4: {  	s25 =	simm.s32 $0x1B8E;
	s24 =	sld [smem:$0x3FFE];
	[sflag:s23] =	ssyncadd.s32 $0xFFFFFFFF  }
0xa5: {  	s26 =	simm.s32 $execute0_lowered;
	[smem:$0x3FD2] =	sst s25  }
0xa6: {  	s4 =	sshll.u32 s26, $0x1;
	_ =	strace $0x80000046;
	[dreg:$0x1] =	wrdreg $0xFFFFFFFF  }
0xa7: {  	s28 =	simm.s32 $_size_execute0_lowered;
	s2 =	sadd.s32 s2, s4;
	[dreg:$0x0] =	wrdreg $0x0  }
0xa8: {  	s4 =	sshll.u32 s28, $0x1;
	[dreg:$0x2] =	wrdreg s2  }
0xa9: {  	[dreg:$0x3] =	wrdreg s4  }
0xaa: {  	[dreg:$0x4] =	wrdreg $0xC0  }
0xab: {  	_ =	task [dreg:s6], $0x5FFFF  }
0xac: {  	[dreg:$0x1] =	wrdreg $0xFFFFFFFF  }
0xad: {  	[dreg:$0x0] =	wrdreg $0x60  }
0xae: {  	[dreg:$0x2] =	wrdreg s24  }
0xaf: {  	[dreg:$0x3] =	wrdreg $0xA  }
0xb0: {  	_ =	task.clear_ibuf [dreg:s6], $0x4FFFF;
	_ =	strace $0x90000046  }
0xb1: {  	s29 =	simm.s32 $0xA;
	_ =	strace $0x80000048  }
0xb2: {  	_ =	swait.ge [sflag:s29], $0x1  }
0xb3: {  	[sflag:s29] =	ssyncadd.s32 $0xFFFFFFFF  }
0xb4: {  	_ =	strace $0x90000048  }
0xb5: {  	_ =	sfence  }
0xb6: {  	s30 =	sld [smem:$0x0];
	_ =	sdelay $0x2  }
0xb7: {  	s31 =	sshll.u32 s1, $0xD;
	s1 =	sshrl.u32 s1, $0x2  }
0xb8: {  	s3 =	sand.u32 $0x4000, s31;
	s1 =	sadd.s32 s1, s30  }
0xb9: {  	s0 =	sor.u32 s3, s0;
	s1 =	sshll.u32 s1, $0x11  }
0xba: {  	s0 =	sor.u32 s1, s0  }
0xbb: {  	s0 =	sadd.s32 $0x8F2B, s0  }
0xbc: {  	[sflag:s0] =	ssyncadd.remote.s32 $0x1  }
0xbd: {  	_ =	sfence.sel $0xFFFF  }
0xbe: {  	[dreg:$0x0] =	wrdreg $0xFFFFFFFF;
	(pc) =	sbr.abs _section_cstart, $3  }
0xbf: {  	[dreg:$0x1] =	wrdreg $0xFFFFFFFF  }
0xc0: {  	_ =	task.clear_ibuf [dreg:s6], $0x2FFFF;
	_ =	strace $0x9FFFFFFF  }
0xc1: {  	(tm) =	ssettm $0x7FFFFFFF  }
tec
execute0_lowered:
.L_overlay_start_1:
0x0: {  	(tag) =	ssettag $0x1  }
0x1: {  	s0 =	rddreg [dreg:$0x0];
	s1 =	srdreg.scid  }
0x2: {  	s8 =	stileid.u32;
	s2 =	simm.s32 $0x0;
	s19 =	simm.s32 $0x1800  }
0x3: {  	s18 =	simm.s32 $0x2000;
	s20 =	simm.s32 $0x2800;
	s31 =	simm.s32 $0x3000  }
0x4: {  	s22 =	simm.s32 $0x3800;
	s23 =	simm.s32 $0x4000;
	s28 =	simm.s32 $0x5800  }
0x5: {  	s29 =	simm.s32 $0x6000;
	s30 =	simm.s32 $0x6800;
	s21 =	simm.s32 $0x9000  }
0x6: {  	s10 =	simm.s32 $0xB000;
	s11 =	simm.s32 $0xB800;
	s12 =	simm.s32 $0xC000  }
0x7: {  	s9 =	simm.s32 $0xC800;
	s13 =	simm.s32 $0x1;
	s14 =	simm.s32 $0x2  }
0x8: {  	s15 =	simm.s32 $0x3;
	s16 =	simm.s32 $0x4;
	s17 =	simm.s32 $0x0  }
0x9: {  	s1 =	sand.u32 $0x1, s1;
	s3 =	sshll.u32 s8, $0xD;
	[smem:$0x7FF] =	sst s2  }
0xa: {  	s24 =	sshll.u32 s8, $0x12;
	s8 =	simm.s32 $0xA800;
	s4 =	sshll.u32 s1, $0xC  }
0xb: {  	_ =	strace $0x80000047;
	s6 =	ssub.s32 $0x2, s1;
	s1 =	sshll.u32 s1, $0x11  }
0xc: {  	[dreg:$0x7] =	wrdreg s17;
	s4 =	sor.u32 s4, s3;
	s7 =	sshrl.u32 s6, $0x1  }
0xd: {  	s3 =	sadd.s32 $0x1A3000, s0;
	s5 =	sshrl.u32 s4, $0x3;
	s6 =	ssub.s32 s6, s7  }
0xe: {  	s4 =	sshll.u32 s4, $0x5;
	s7 =	simm.s32 $0xA000;
	s5 =	sadd.s32 s5, s0  }
0xf: {  	s0 =	sadd.s32 $0x3A3000, s0;
	s26 =	smax.u32 s6, $0x1;
	s6 =	simm.s32 $0x9800  }
0x10: {  	s5 =	sadd.s32 $0x19F000, s5;
	s4 =	sadd.s32 s4, s0;
	[dreg:$0x6] =	wrdreg s26  }
0x11: {  	s0 =	sadd.s32 s24, s0;
	[dreg:$0x3] =	wrdreg s5;
	s25 =	sadd.s32 $0x1E000, s4  }
0x12: {  	s24 =	simm.s32 $0x4800;
	s4 =	sadd.s32 $0x1F000, s4;
	[dreg:$0x4] =	wrdreg s25  }
0x13: {  	v2 =	vlaneseq.u32;
	s26 =	simm.s32 $0x5000;
	s0 =	sadd.s32 s1, s0;
	[dreg:$0x5] =	wrdreg s4  }
0x14: {  	vm0 =	vmmov $0xffff;
	v1 =	vshrl.u32 v2, $0x3;
	s1 =	simm.s32 $0x7800;
	s5 =	simm.s32 $0x8800;
	[dreg:$0x2] =	wrdreg s0  }
0x15: {  	v0 =	vand.u32 $0x7, v2;
	v2 =	vor.u32 $0x8, v2;
	v1 =	vmul.u32 $0x8, v1;
	s25 =	simm.s32 $0x1000;
	s0 =	simm.s32 $0x7000;
	s4 =	simm.s32 $0x8000  }
.LBB2_1:
0x16: {  	s17 =	rddreg [dreg:$0x3]  }
0x17: {  	[tilespmem:s2], [sflag:$0x5] =	stream.linear.gather [hbm4b:s17+s2], $0x1000, $0x38;
	[tilespmem:$0x11000] =	vst v63  }
0x18: {  	s17 =	simm.s32 $0x5  }
0x19: {  	_ =	swait.ge [sflag:s17], $0x1000  }
0x1a: {  	[sflag:s17] =	ssyncset.done $0x0  }
0x1b: {  	[sflag:s17] =	ssyncadd.s32 $0xFFFFF000  }
0x1c: {  	v3 =	vld [tilespmem:$0x0];
	_ =	sdelay $0x4  }
0x1d: {  	v4 =	vshll.u32 v3, $0x1  }
0x1e: {  	v3 =	vand.u32 $0x7, v3;
	v4 =	vand.u32 $0xFFFFFFF0, v4  }
0x1f: {  	v3 =	vor.u32 v3, v4  }
0x20: {  	v4 =	vperm.xlane v3, v0;
	_ =	sdelay $0x1  }
0x21: {  	v3 =	vperm.xlane v3, v2;
	v4 =	vadd.s32 v1, v4;
	_ =	sdelay $0x1  }
0x22: {  	v3 =	vadd.s32 v1, v3;
	_ =	sdelay $0x2  }
0x23: {  	[tilespmem:s25], [sflag:$0x1] =	stream.indirect_vreg.gather [hbm4b:s3+s2], $0x80, v4, vm0, $0xb8;
	[tilespmem:$0x11000] =	vst v63  }
0x24: {  	_ = 	snop  }
0x25: {  	[tilespmem:s19], [sflag:$0x1] =	stream.indirect_vreg.gather [hbm4b:s3+s2], $0x80, v3, vm0, $0xb8;
	[tilespmem:$0x11000] =	vst v63  }
0x26: {  	v3 =	vld [tilespmem:$0x10];
	_ =	sdelay $0x4  }
0x27: {  	v49 =	vshll.u32 v3, $0x1  }
0x28: {  	v3 =	vand.u32 $0x7, v3;
	v4 =	vand.u32 $0xFFFFFFF0, v49  }
0x29: {  	v3 =	vor.u32 v3, v4  }
0x2a: {  	v4 =	vperm.xlane v3, v0;
	_ =	sdelay $0x1  }
0x2b: {  	v3 =	vperm.xlane v3, v2;
	v4 =	vadd.s32 v1, v4;
	_ =	sdelay $0x1  }
0x2c: {  	v3 =	vadd.s32 v1, v3;
	_ =	sdelay $0x2  }
0x2d: {  	[tilespmem:s18], [sflag:$0x1] =	stream.indirect_vreg.gather [hbm4b:s3+s2], $0x80, v4, vm0, $0xb8;
	[tilespmem:$0x11000] =	vst v63  }
0x2e: {  	_ = 	snop  }
0x2f: {  	[tilespmem:s20], [sflag:$0x1] =	stream.indirect_vreg.gather [hbm4b:s3+s2], $0x80, v3, vm0, $0xb8;
	[tilespmem:$0x11000] =	vst v63  }
0x30: {  	v3 =	vld [tilespmem:$0x20];
	_ =	sdelay $0x4  }
0x31: {  	v50 =	vshll.u32 v3, $0x1  }
0x32: {  	v3 =	vand.u32 $0x7, v3;
	v4 =	vand.u32 $0xFFFFFFF0, v50  }
0x33: {  	v3 =	vor.u32 v3, v4  }
0x34: {  	v4 =	vperm.xlane v3, v0;
	_ =	sdelay $0x1  }
0x35: {  	v3 =	vperm.xlane v3, v2;
	v4 =	vadd.s32 v1, v4;
	_ =	sdelay $0x1  }
0x36: {  	v3 =	vadd.s32 v1, v3;
	_ =	sdelay $0x2  }
0x37: {  	[tilespmem:s31], [sflag:$0x1] =	stream.indirect_vreg.gather [hbm4b:s3+s2], $0x80, v4, vm0, $0xb8;
	[tilespmem:$0x11000] =	vst v63  }
0x38: {  	_ = 	snop  }
0x39: {  	[tilespmem:s22], [sflag:$0x1] =	stream.indirect_vreg.gather [hbm4b:s3+s2], $0x80, v3, vm0, $0xb8;
	[tilespmem:$0x11000] =	vst v63  }
0x3a: {  	v3 =	vld [tilespmem:$0x30];
	_ =	sdelay $0x4  }
0x3b: {  	v51 =	vshll.u32 v3, $0x1  }
0x3c: {  	v3 =	vand.u32 $0x7, v3;
	v4 =	vand.u32 $0xFFFFFFF0, v51  }
0x3d: {  	v3 =	vor.u32 v3, v4  }
0x3e: {  	v4 =	vperm.xlane v3, v0;
	_ =	sdelay $0x1  }
0x3f: {  	v3 =	vperm.xlane v3, v2;
	v4 =	vadd.s32 v1, v4;
	_ =	sdelay $0x1  }
0x40: {  	v3 =	vadd.s32 v1, v3;
	_ =	sdelay $0x2  }
0x41: {  	[tilespmem:s23], [sflag:$0x1] =	stream.indirect_vreg.gather [hbm4b:s3+s2], $0x80, v4, vm0, $0xb8;
	[tilespmem:$0x11000] =	vst v63  }
0x42: {  	_ = 	snop  }
0x43: {  	[tilespmem:s24], [sflag:$0x1] =	stream.indirect_vreg.gather [hbm4b:s3+s2], $0x80, v3, vm0, $0xb8;
	[tilespmem:$0x11000] =	vst v63  }
0x44: {  	v3 =	vld [tilespmem:$0x40];
	_ =	sdelay $0x4  }
0x45: {  	v52 =	vshll.u32 v3, $0x1  }
0x46: {  	v3 =	vand.u32 $0x7, v3;
	v4 =	vand.u32 $0xFFFFFFF0, v52  }
0x47: {  	v3 =	vor.u32 v3, v4  }
0x48: {  	v4 =	vperm.xlane v3, v0;
	_ =	sdelay $0x1  }
0x49: {  	v3 =	vperm.xlane v3, v2;
	v4 =	vadd.s32 v1, v4;
	_ =	sdelay $0x1  }
0x4a: {  	v3 =	vadd.s32 v1, v3;
	_ =	sdelay $0x2  }
0x4b: {  	[tilespmem:s26], [sflag:$0x1] =	stream.indirect_vreg.gather [hbm4b:s3+s2], $0x80, v4, vm0, $0xb8;
	[tilespmem:$0x11000] =	vst v63  }
0x4c: {  	_ = 	snop  }
0x4d: {  	[tilespmem:s28], [sflag:$0x1] =	stream.indirect_vreg.gather [hbm4b:s3+s2], $0x80, v3, vm0, $0xb8;
	[tilespmem:$0x11000] =	vst v63  }
0x4e: {  	v3 =	vld [tilespmem:$0x50];
	_ =	sdelay $0x4  }
0x4f: {  	v53 =	vshll.u32 v3, $0x1  }
0x50: {  	v3 =	vand.u32 $0x7, v3;
	v4 =	vand.u32 $0xFFFFFFF0, v53  }
0x51: {  	v3 =	vor.u32 v3, v4  }
0x52: {  	v4 =	vperm.xlane v3, v0;
	_ =	sdelay $0x1  }
0x53: {  	v3 =	vperm.xlane v3, v2;
	v4 =	vadd.s32 v1, v4;
	_ =	sdelay $0x1  }
0x54: {  	v3 =	vadd.s32 v1, v3;
	_ =	sdelay $0x2  }
0x55: {  	[tilespmem:s29], [sflag:$0x1] =	stream.indirect_vreg.gather [hbm4b:s3+s2], $0x80, v4, vm0, $0xb8;
	[tilespmem:$0x11000] =	vst v63  }
0x56: {  	_ = 	snop  }
0x57: {  	[tilespmem:s30], [sflag:$0x1] =	stream.indirect_vreg.gather [hbm4b:s3+s2], $0x80, v3, vm0, $0xb8;
	[tilespmem:$0x11000] =	vst v63  }
0x58: {  	v3 =	vld [tilespmem:$0x60];
	_ =	sdelay $0x4  }
0x59: {  	v54 =	vshll.u32 v3, $0x1  }
0x5a: {  	v3 =	vand.u32 $0x7, v3;
	v4 =	vand.u32 $0xFFFFFFF0, v54  }
0x5b: {  	v3 =	vor.u32 v3, v4  }
0x5c: {  	v4 =	vperm.xlane v3, v0;
	_ =	sdelay $0x1  }
0x5d: {  	v3 =	vperm.xlane v3, v2;
	v4 =	vadd.s32 v1, v4;
	_ =	sdelay $0x1  }
0x5e: {  	v3 =	vadd.s32 v1, v3;
	_ =	sdelay $0x2  }
0x5f: {  	[tilespmem:s0], [sflag:$0x1] =	stream.indirect_vreg.gather [hbm4b:s3+s2], $0x80, v4, vm0, $0xb8;
	[tilespmem:$0x11000] =	vst v63  }
0x60: {  	_ = 	snop  }
0x61: {  	[tilespmem:s1], [sflag:$0x1] =	stream.indirect_vreg.gather [hbm4b:s3+s2], $0x80, v3, vm0, $0xb8;
	[tilespmem:$0x11000] =	vst v63  }
0x62: {  	v3 =	vld [tilespmem:$0x70];
	_ =	sdelay $0x4  }
0x63: {  	v55 =	vshll.u32 v3, $0x1  }
0x64: {  	v3 =	vand.u32 $0x7, v3;
	v4 =	vand.u32 $0xFFFFFFF0, v55  }
0x65: {  	v3 =	vor.u32 v3, v4  }
0x66: {  	v4 =	vperm.xlane v3, v0;
	_ =	sdelay $0x1  }
0x67: {  	v3 =	vperm.xlane v3, v2;
	v4 =	vadd.s32 v1, v4;
	_ =	sdelay $0x1  }
0x68: {  	v3 =	vadd.s32 v1, v3;
	_ =	sdelay $0x2  }
0x69: {  	[tilespmem:s4], [sflag:$0x1] =	stream.indirect_vreg.gather [hbm4b:s3+s2], $0x80, v4, vm0, $0xb8;
	[tilespmem:$0x11000] =	vst v63  }
0x6a: {  	_ = 	snop  }
0x6b: {  	[tilespmem:s5], [sflag:$0x1] =	stream.indirect_vreg.gather [hbm4b:s3+s2], $0x80, v3, vm0, $0xb8;
	[tilespmem:$0x11000] =	vst v63  }
0x6c: {  	v3 =	vld [tilespmem:$0x80];
	_ =	sdelay $0x4  }
0x6d: {  	v56 =	vshll.u32 v3, $0x1  }
0x6e: {  	v3 =	vand.u32 $0x7, v3;
	v4 =	vand.u32 $0xFFFFFFF0, v56  }
0x6f: {  	v3 =	vor.u32 v3, v4  }
0x70: {  	v4 =	vperm.xlane v3, v0;
	_ =	sdelay $0x1  }
0x71: {  	v3 =	vperm.xlane v3, v2;
	v4 =	vadd.s32 v1, v4;
	_ =	sdelay $0x1  }
0x72: {  	v3 =	vadd.s32 v1, v3;
	_ =	sdelay $0x2  }
0x73: {  	[tilespmem:s21], [sflag:$0x2] =	stream.indirect_vreg.gather [hbm4b:s3+s2], $0x80, v4, vm0, $0xb8;
	[tilespmem:$0x11000] =	vst v63  }
0x74: {  	_ = 	snop  }
0x75: {  	[tilespmem:s6], [sflag:$0x2] =	stream.indirect_vreg.gather [hbm4b:s3+s2], $0x80, v3, vm0, $0xb8;
	[tilespmem:$0x11000] =	vst v63  }
0x76: {  	v3 =	vld [tilespmem:$0x90];
	_ =	sdelay $0x4  }
0x77: {  	v57 =	vshll.u32 v3, $0x1  }
0x78: {  	v3 =	vand.u32 $0x7, v3;
	v4 =	vand.u32 $0xFFFFFFF0, v57  }
0x79: {  	v3 =	vor.u32 v3, v4  }
0x7a: {  	v4 =	vperm.xlane v3, v0;
	_ =	sdelay $0x1  }
0x7b: {  	v3 =	vperm.xlane v3, v2;
	v4 =	vadd.s32 v1, v4;
	_ =	sdelay $0x1  }
0x7c: {  	v3 =	vadd.s32 v1, v3;
	_ =	sdelay $0x2  }
0x7d: {  	[tilespmem:s7], [sflag:$0x2] =	stream.indirect_vreg.gather [hbm4b:s3+s2], $0x80, v4, vm0, $0xb8;
	[tilespmem:$0x11000] =	vst v63  }
0x7e: {  	_ = 	snop  }
0x7f: {  	[tilespmem:s8], [sflag:$0x2] =	stream.indirect_vreg.gather [hbm4b:s3+s2], $0x80, v3, vm0, $0xb8;
	[tilespmem:$0x11000] =	vst v63  }
0x80: {  	v3 =	vld [tilespmem:$0xA0];
	_ =	sdelay $0x4  }
0x81: {  	v58 =	vshll.u32 v3, $0x1  }
0x82: {  	v3 =	vand.u32 $0x7, v3;
	v4 =	vand.u32 $0xFFFFFFF0, v58  }
0x83: {  	v3 =	vor.u32 v3, v4  }
0x84: {  	v4 =	vperm.xlane v3, v0;
	_ =	sdelay $0x1  }
0x85: {  	v3 =	vperm.xlane v3, v2;
	v4 =	vadd.s32 v1, v4;
	_ =	sdelay $0x1  }
0x86: {  	v3 =	vadd.s32 v1, v3;
	_ =	sdelay $0x2  }
0x87: {  	[tilespmem:s10], [sflag:$0x2] =	stream.indirect_vreg.gather [hbm4b:s3+s2], $0x80, v4, vm0, $0xb8;
	[tilespmem:$0x11000] =	vst v63  }
0x88: {  	_ = 	snop  }
0x89: {  	[tilespmem:s11], [sflag:$0x2] =	stream.indirect_vreg.gather [hbm4b:s3+s2], $0x80, v3, vm0, $0xb8;
	[tilespmem:$0x11000] =	vst v63  }
0x8a: {  	v3 =	vld [tilespmem:$0xB0];
	_ =	sdelay $0x4  }
0x8b: {  	v59 =	vshll.u32 v3, $0x1  }
0x8c: {  	v3 =	vand.u32 $0x7, v3;
	v4 =	vand.u32 $0xFFFFFFF0, v59  }
0x8d: {  	v3 =	vor.u32 v3, v4  }
0x8e: {  	v4 =	vperm.xlane v3, v0;
	_ =	sdelay $0x1  }
0x8f: {  	v3 =	vperm.xlane v3, v2;
	v4 =	vadd.s32 v1, v4;
	_ =	sdelay $0x1  }
0x90: {  	v3 =	vadd.s32 v1, v3;
	_ =	sdelay $0x2  }
0x91: {  	[tilespmem:s12], [sflag:$0x2] =	stream.indirect_vreg.gather [hbm4b:s3+s2], $0x80, v4, vm0, $0xb8;
	[tilespmem:$0x11000] =	vst v63  }
0x92: {  	_ = 	snop  }
0x93: {  	[tilespmem:s9], [sflag:$0x2] =	stream.indirect_vreg.gather [hbm4b:s3+s2], $0x80, v3, vm0, $0xb8;
	[tilespmem:$0x11000] =	vst v63  }
0x94: {  	v3 =	vld [tilespmem:$0xC0];
	_ =	sdelay $0x4  }
0x95: {  	v60 =	vshll.u32 v3, $0x1  }
0x96: {  	v3 =	vand.u32 $0x7, v3;
	v4 =	vand.u32 $0xFFFFFFF0, v60  }
0x97: {  	v3 =	vor.u32 v3, v4  }
0x98: {  	v4 =	vperm.xlane v3, v0;
	_ =	sdelay $0x1  }
0x99: {  	v3 =	vperm.xlane v3, v2;
	v4 =	vadd.s32 v1, v4;
	_ =	sdelay $0x1  }
0x9a: {  	v3 =	vadd.s32 v1, v3;
	_ =	sdelay $0x1  }
0x9b: {  	s21 =	simm.s32 $0xD000  }
0x9c: {  	[tilespmem:s21], [sflag:$0x2] =	stream.indirect_vreg.gather [hbm4b:s3+s2], $0x80, v4, vm0, $0xb8;
	[tilespmem:$0x11000] =	vst v63  }
0x9d: {  	s22 =	simm.s32 $0xD800  }
0x9e: {  	[tilespmem:s22], [sflag:$0x2] =	stream.indirect_vreg.gather [hbm4b:s3+s2], $0x80, v3, vm0, $0xb8;
	[tilespmem:$0x11000] =	vst v63  }
0x9f: {  	v3 =	vld [tilespmem:$0xD0];
	_ =	sdelay $0x4  }
0xa0: {  	v61 =	vshll.u32 v3, $0x1  }
0xa1: {  	v3 =	vand.u32 $0x7, v3;
	v4 =	vand.u32 $0xFFFFFFF0, v61  }
0xa2: {  	v3 =	vor.u32 v3, v4  }
0xa3: {  	v4 =	vperm.xlane v3, v0;
	_ =	sdelay $0x1  }
0xa4: {  	v3 =	vperm.xlane v3, v2;
	v4 =	vadd.s32 v1, v4;
	_ =	sdelay $0x1  }
0xa5: {  	v3 =	vadd.s32 v1, v3;
	_ =	sdelay $0x1  }
0xa6: {  	s23 =	simm.s32 $0xE000  }
0xa7: {  	[tilespmem:s23], [sflag:$0x2] =	stream.indirect_vreg.gather [hbm4b:s3+s2], $0x80, v4, vm0, $0xb8;
	[tilespmem:$0x11000] =	vst v63  }
0xa8: {  	s24 =	simm.s32 $0xE800  }
0xa9: {  	[tilespmem:s24], [sflag:$0x2] =	stream.indirect_vreg.gather [hbm4b:s3+s2], $0x80, v3, vm0, $0xb8;
	[tilespmem:$0x11000] =	vst v63  }
0xaa: {  	v3 =	vld [tilespmem:$0xE0];
	_ =	sdelay $0x4  }
0xab: {  	v62 =	vshll.u32 v3, $0x1  }
0xac: {  	v3 =	vand.u32 $0x7, v3;
	v4 =	vand.u32 $0xFFFFFFF0, v62  }
0xad: {  	v3 =	vor.u32 v3, v4  }
0xae: {  	v4 =	vperm.xlane v3, v0;
	_ =	sdelay $0x1  }
0xaf: {  	v3 =	vperm.xlane v3, v2;
	v4 =	vadd.s32 v1, v4;
	_ =	sdelay $0x1  }
0xb0: {  	v3 =	vadd.s32 v1, v3;
	_ =	sdelay $0x1  }
0xb1: {  	s25 =	simm.s32 $0xF000  }
0xb2: {  	[tilespmem:s25], [sflag:$0x2] =	stream.indirect_vreg.gather [hbm4b:s3+s2], $0x80, v4, vm0, $0xb8;
	[tilespmem:$0x11000] =	vst v63  }
0xb3: {  	s26 =	simm.s32 $0xF800  }
0xb4: {  	[tilespmem:s26], [sflag:$0x2] =	stream.indirect_vreg.gather [hbm4b:s3+s2], $0x80, v3, vm0, $0xb8;
	[tilespmem:$0x11000] =	vst v63  }
0xb5: {  	v3 =	vld [tilespmem:$0xF0];
	_ =	sdelay $0x4  }
0xb6: {  	v63 =	vshll.u32 v3, $0x1  }
0xb7: {  	v3 =	vand.u32 $0x7, v3;
	v4 =	vand.u32 $0xFFFFFFF0, v63  }
0xb8: {  	v3 =	vor.u32 v3, v4  }
0xb9: {  	v4 =	vperm.xlane v3, v0  }
0xba: {  	s17 =	simm.s32 $0x1F0;
	s18 =	simm.s32 $0x0;
	s20 =	simm.s32 $0x2000  }
0xbb: {  	s31 =	simm.s32 $0x6800;
	s28 =	simm.s32 $0x5000;
	s29 =	simm.s32 $0x10800;
	v3 =	vperm.xlane v3, v2;
	v4 =	vadd.s32 v1, v4  }
0xbc: {  	s30 =	simm.s32 $0x6000;
	s0 =	simm.s32 $0x7000;
	s1 =	simm.s32 $0x7800  }
0xbd: {  	s4 =	simm.s32 $0x8000;
	s5 =	simm.s32 $0x8800;
	s6 =	simm.s32 $0x9800;
	v3 =	vadd.s32 v1, v3  }
0xbe: {  	s7 =	simm.s32 $0xA000;
	s8 =	simm.s32 $0xA800;
	s10 =	simm.s32 $0xB000  }
0xbf: {  	s11 =	simm.s32 $0xB800;
	s12 =	simm.s32 $0xC000;
	s26 =	simm.s32 $0x10000  }
0xc0: {  	[tilespmem:s26], [sflag:$0x2] =	stream.indirect_vreg.gather [hbm4b:s3+s2], $0x80, v4, vm0, $0xb8;
	[tilespmem:$0x11000] =	vst v63  }
0xc1: {  	s9 =	simm.s32 $0xC800;
	s22 =	simm.s32 $0x3000;
	s24 =	simm.s32 $0x4000  }
0xc2: {  	[tilespmem:s29], [sflag:$0x2] =	stream.indirect_vreg.gather [hbm4b:s3+s2], $0x80, v3, vm0, $0xb8;
	[tilespmem:$0x11000] =	vst v63  }
.LBB2_2:
0xc3: {  	_ =	swait.ge [sflag:s13], $0x8000  }
0xc4: {  	s19 =	rddreg [dreg:$0x2];
	[sflag:s13] =	ssyncset.done $0x0  }
0xc5: {  	s21 =	simm.s32 $0x1000;
	[sflag:s13] =	ssyncadd.s32 $0xFFFF8000;
	s19 =	sadd.s32 s18, s19  }
0xc6: {  	[hbm4b:s19+s2] =	stream.linear.scatter [tilespmem:s21], [sflag:$0x3], $0x8000, $0x38;
	[tilespmem:$0x11000] =	vst v63  }
0xc7: {  	_ =	swait.ge [sflag:s14], $0x8000  }
0xc8: {  	[sflag:s14] =	ssyncset.done $0x0  }
0xc9: {  	s23 =	simm.s32 $0x9000;
	s19 =	sadd.s32 $0x1000, s19;
	[sflag:s14] =	ssyncadd.s32 $0xFFFF8000  }
0xca: {  	[hbm4b:s19+s2] =	stream.linear.scatter [tilespmem:s23], [sflag:$0x4], $0x8000, $0x38;
	[tilespmem:$0x11000] =	vst v63  }
0xcb: {  	_ =	swait.ge [sflag:s15], $0x8000  }
0xcc: {  	[sflag:s15] =	ssyncset.done $0x0  }
0xcd: {  	[sflag:s15] =	ssyncadd.s32 $0xFFFF8000  }
0xce: {  	v3 =	vld [tilespmem:s17+$0xFFFFFF10];
	_ =	sdelay $0x4  }
0xcf: {  	v4 =	vshll.u32 v3, $0x1  }
0xd0: {  	v3 =	vand.u32 $0x7, v3;
	v4 =	vand.u32 $0xFFFFFFF0, v4  }
0xd1: {  	v3 =	vor.u32 v3, v4  }
0xd2: {  	v4 =	vperm.xlane v3, v0;
	_ =	sdelay $0x1  }
0xd3: {  	v3 =	vperm.xlane v3, v2;
	v4 =	vadd.s32 v1, v4;
	_ =	sdelay $0x1  }
0xd4: {  	v3 =	vadd.s32 v1, v3;
	_ =	sdelay $0x2  }
0xd5: {  	[tilespmem:s21], [sflag:$0x1] =	stream.indirect_vreg.gather [hbm4b:s3+s2], $0x80, v4, vm0, $0xb8;
	[tilespmem:$0x11000] =	vst v63  }
0xd6: {  	s19 =	simm.s32 $0x1800  }
0xd7: {  	[tilespmem:s19], [sflag:$0x1] =	stream.indirect_vreg.gather [hbm4b:s3+s2], $0x80, v3, vm0, $0xb8;
	[tilespmem:$0x11000] =	vst v63  }
0xd8: {  	v3 =	vld [tilespmem:s17+$0xFFFFFF20];
	_ =	sdelay $0x4  }
0xd9: {  	v49 =	vshll.u32 v3, $0x1  }
0xda: {  	v3 =	vand.u32 $0x7, v3;
	v4 =	vand.u32 $0xFFFFFFF0, v49  }
0xdb: {  	v3 =	vor.u32 v3, v4  }
0xdc: {  	v4 =	vperm.xlane v3, v0;
	_ =	sdelay $0x1  }
0xdd: {  	v3 =	vperm.xlane v3, v2;
	v4 =	vadd.s32 v1, v4;
	_ =	sdelay $0x1  }
0xde: {  	v3 =	vadd.s32 v1, v3;
	_ =	sdelay $0x2  }
0xdf: {  	[tilespmem:s20], [sflag:$0x1] =	stream.indirect_vreg.gather [hbm4b:s3+s2], $0x80, v4, vm0, $0xb8;
	[tilespmem:$0x11000] =	vst v63  }
0xe0: {  	s21 =	simm.s32 $0x2800  }
0xe1: {  	[tilespmem:s21], [sflag:$0x1] =	stream.indirect_vreg.gather [hbm4b:s3+s2], $0x80, v3, vm0, $0xb8;
	[tilespmem:$0x11000] =	vst v63  }
0xe2: {  	v3 =	vld [tilespmem:s17+$0xFFFFFF30];
	_ =	sdelay $0x4  }
0xe3: {  	v50 =	vshll.u32 v3, $0x1  }
0xe4: {  	v3 =	vand.u32 $0x7, v3;
	v4 =	vand.u32 $0xFFFFFFF0, v50  }
0xe5: {  	v3 =	vor.u32 v3, v4  }
0xe6: {  	v4 =	vperm.xlane v3, v0;
	_ =	sdelay $0x1  }
0xe7: {  	v3 =	vperm.xlane v3, v2;
	v4 =	vadd.s32 v1, v4;
	_ =	sdelay $0x1  }
0xe8: {  	v3 =	vadd.s32 v1, v3;
	_ =	sdelay $0x2  }
0xe9: {  	[tilespmem:s22], [sflag:$0x1] =	stream.indirect_vreg.gather [hbm4b:s3+s2], $0x80, v4, vm0, $0xb8;
	[tilespmem:$0x11000] =	vst v63  }
0xea: {  	s21 =	simm.s32 $0x3800  }
0xeb: {  	[tilespmem:s21], [sflag:$0x1] =	stream.indirect_vreg.gather [hbm4b:s3+s2], $0x80, v3, vm0, $0xb8;
	[tilespmem:$0x11000] =	vst v63  }
0xec: {  	v3 =	vld [tilespmem:s17+$0xFFFFFF40];
	_ =	sdelay $0x4  }
0xed: {  	v51 =	vshll.u32 v3, $0x1  }
0xee: {  	v3 =	vand.u32 $0x7, v3;
	v4 =	vand.u32 $0xFFFFFFF0, v51  }
0xef: {  	v3 =	vor.u32 v3, v4  }
0xf0: {  	v4 =	vperm.xlane v3, v0;
	_ =	sdelay $0x1  }
0xf1: {  	v3 =	vperm.xlane v3, v2;
	v4 =	vadd.s32 v1, v4;
	_ =	sdelay $0x1  }
0xf2: {  	v3 =	vadd.s32 v1, v3;
	_ =	sdelay $0x2  }
0xf3: {  	[tilespmem:s24], [sflag:$0x1] =	stream.indirect_vreg.gather [hbm4b:s3+s2], $0x80, v4, vm0, $0xb8;
	[tilespmem:$0x11000] =	vst v63  }
0xf4: {  	s21 =	simm.s32 $0x4800  }
0xf5: {  	[tilespmem:s21], [sflag:$0x1] =	stream.indirect_vreg.gather [hbm4b:s3+s2], $0x80, v3, vm0, $0xb8;
	[tilespmem:$0x11000] =	vst v63  }
0xf6: {  	v3 =	vld [tilespmem:s17+$0xFFFFFF50];
	_ =	sdelay $0x4  }
0xf7: {  	v52 =	vshll.u32 v3, $0x1  }
0xf8: {  	v3 =	vand.u32 $0x7, v3;
	v4 =	vand.u32 $0xFFFFFFF0, v52  }
0xf9: {  	v3 =	vor.u32 v3, v4  }
0xfa: {  	v4 =	vperm.xlane v3, v0;
	_ =	sdelay $0x1  }
0xfb: {  	v3 =	vperm.xlane v3, v2;
	v4 =	vadd.s32 v1, v4;
	_ =	sdelay $0x1  }
0xfc: {  	v3 =	vadd.s32 v1, v3;
	_ =	sdelay $0x2  }
0xfd: {  	[tilespmem:s28], [sflag:$0x1] =	stream.indirect_vreg.gather [hbm4b:s3+s2], $0x80, v4, vm0, $0xb8;
	[tilespmem:$0x11000] =	vst v63  }
0xfe: {  	s21 =	simm.s32 $0x5800  }
0xff: {  	[tilespmem:s21], [sflag:$0x1] =	stream.indirect_vreg.gather [hbm4b:s3+s2], $0x80, v3, vm0, $0xb8;
	[tilespmem:$0x11000] =	vst v63  }
0x100: {  	v3 =	vld [tilespmem:s17+$0xFFFFFF60];
	_ =	sdelay $0x4  }
0x101: {  	v53 =	vshll.u32 v3, $0x1  }
0x102: {  	v3 =	vand.u32 $0x7, v3;
	v4 =	vand.u32 $0xFFFFFFF0, v53  }
0x103: {  	v3 =	vor.u32 v3, v4  }
0x104: {  	v4 =	vperm.xlane v3, v0;
	_ =	sdelay $0x1  }
0x105: {  	v3 =	vperm.xlane v3, v2;
	v4 =	vadd.s32 v1, v4;
	_ =	sdelay $0x1  }
0x106: {  	v3 =	vadd.s32 v1, v3;
	_ =	sdelay $0x2  }
0x107: {  	[tilespmem:s30], [sflag:$0x1] =	stream.indirect_vreg.gather [hbm4b:s3+s2], $0x80, v4, vm0, $0xb8;
	[tilespmem:$0x11000] =	vst v63  }
0x108: {  	_ = 	snop  }
0x109: {  	[tilespmem:s31], [sflag:$0x1] =	stream.indirect_vreg.gather [hbm4b:s3+s2], $0x80, v3, vm0, $0xb8;
	[tilespmem:$0x11000] =	vst v63  }
0x10a: {  	v3 =	vld [tilespmem:s17+$0xFFFFFF70];
	_ =	sdelay $0x4  }
0x10b: {  	v54 =	vshll.u32 v3, $0x1  }
0x10c: {  	v3 =	vand.u32 $0x7, v3;
	v4 =	vand.u32 $0xFFFFFFF0, v54  }
0x10d: {  	v3 =	vor.u32 v3, v4  }
0x10e: {  	v4 =	vperm.xlane v3, v0;
	_ =	sdelay $0x1  }
0x10f: {  	v3 =	vperm.xlane v3, v2;
	v4 =	vadd.s32 v1, v4;
	_ =	sdelay $0x1  }
0x110: {  	v3 =	vadd.s32 v1, v3;
	_ =	sdelay $0x2  }
0x111: {  	[tilespmem:s0], [sflag:$0x1] =	stream.indirect_vreg.gather [hbm4b:s3+s2], $0x80, v4, vm0, $0xb8;
	[tilespmem:$0x11000] =	vst v63  }
0x112: {  	_ = 	snop  }
0x113: {  	[tilespmem:s1], [sflag:$0x1] =	stream.indirect_vreg.gather [hbm4b:s3+s2], $0x80, v3, vm0, $0xb8;
	[tilespmem:$0x11000] =	vst v63  }
0x114: {  	v3 =	vld [tilespmem:s17+$0xFFFFFF80];
	_ =	sdelay $0x4  }
0x115: {  	v55 =	vshll.u32 v3, $0x1  }
0x116: {  	v3 =	vand.u32 $0x7, v3;
	v4 =	vand.u32 $0xFFFFFFF0, v55  }
0x117: {  	v3 =	vor.u32 v3, v4  }
0x118: {  	v4 =	vperm.xlane v3, v0;
	_ =	sdelay $0x1  }
0x119: {  	v3 =	vperm.xlane v3, v2;
	v4 =	vadd.s32 v1, v4;
	_ =	sdelay $0x1  }
0x11a: {  	v3 =	vadd.s32 v1, v3;
	_ =	sdelay $0x2  }
0x11b: {  	[tilespmem:s4], [sflag:$0x1] =	stream.indirect_vreg.gather [hbm4b:s3+s2], $0x80, v4, vm0, $0xb8;
	[tilespmem:$0x11000] =	vst v63  }
0x11c: {  	_ = 	snop  }
0x11d: {  	[tilespmem:s5], [sflag:$0x1] =	stream.indirect_vreg.gather [hbm4b:s3+s2], $0x80, v3, vm0, $0xb8;
	[tilespmem:$0x11000] =	vst v63  }
0x11e: {  	_ =	swait.ge [sflag:s16], $0x8000  }
0x11f: {  	[sflag:s16] =	ssyncset.done $0x0  }
0x120: {  	[sflag:s16] =	ssyncadd.s32 $0xFFFF8000  }
0x121: {  	v3 =	vld [tilespmem:s17+$0xFFFFFF90];
	_ =	sdelay $0x4  }
0x122: {  	v56 =	vshll.u32 v3, $0x1  }
0x123: {  	v3 =	vand.u32 $0x7, v3;
	v4 =	vand.u32 $0xFFFFFFF0, v56  }
0x124: {  	v3 =	vor.u32 v3, v4  }
0x125: {  	v4 =	vperm.xlane v3, v0;
	_ =	sdelay $0x1  }
0x126: {  	v3 =	vperm.xlane v3, v2;
	v4 =	vadd.s32 v1, v4;
	_ =	sdelay $0x1  }
0x127: {  	v3 =	vadd.s32 v1, v3;
	_ =	sdelay $0x2  }
0x128: {  	[tilespmem:s23], [sflag:$0x2] =	stream.indirect_vreg.gather [hbm4b:s3+s2], $0x80, v4, vm0, $0xb8;
	[tilespmem:$0x11000] =	vst v63  }
0x129: {  	_ = 	snop  }
0x12a: {  	[tilespmem:s6], [sflag:$0x2] =	stream.indirect_vreg.gather [hbm4b:s3+s2], $0x80, v3, vm0, $0xb8;
	[tilespmem:$0x11000] =	vst v63  }
0x12b: {  	v3 =	vld [tilespmem:s17+$0xFFFFFFA0];
	_ =	sdelay $0x4  }
0x12c: {  	v57 =	vshll.u32 v3, $0x1  }
0x12d: {  	v3 =	vand.u32 $0x7, v3;
	v4 =	vand.u32 $0xFFFFFFF0, v57  }
0x12e: {  	v3 =	vor.u32 v3, v4  }
0x12f: {  	v4 =	vperm.xlane v3, v0;
	_ =	sdelay $0x1  }
0x130: {  	v3 =	vperm.xlane v3, v2;
	v4 =	vadd.s32 v1, v4;
	_ =	sdelay $0x1  }
0x131: {  	v3 =	vadd.s32 v1, v3;
	_ =	sdelay $0x2  }
0x132: {  	[tilespmem:s7], [sflag:$0x2] =	stream.indirect_vreg.gather [hbm4b:s3+s2], $0x80, v4, vm0, $0xb8;
	[tilespmem:$0x11000] =	vst v63  }
0x133: {  	_ = 	snop  }
0x134: {  	[tilespmem:s8], [sflag:$0x2] =	stream.indirect_vreg.gather [hbm4b:s3+s2], $0x80, v3, vm0, $0xb8;
	[tilespmem:$0x11000] =	vst v63  }
0x135: {  	v3 =	vld [tilespmem:s17+$0xFFFFFFB0];
	_ =	sdelay $0x4  }
0x136: {  	v58 =	vshll.u32 v3, $0x1  }
0x137: {  	v3 =	vand.u32 $0x7, v3;
	v4 =	vand.u32 $0xFFFFFFF0, v58  }
0x138: {  	v3 =	vor.u32 v3, v4  }
0x139: {  	v4 =	vperm.xlane v3, v0;
	_ =	sdelay $0x1  }
0x13a: {  	v3 =	vperm.xlane v3, v2;
	v4 =	vadd.s32 v1, v4;
	_ =	sdelay $0x1  }
0x13b: {  	v3 =	vadd.s32 v1, v3;
	_ =	sdelay $0x2  }
0x13c: {  	[tilespmem:s10], [sflag:$0x2] =	stream.indirect_vreg.gather [hbm4b:s3+s2], $0x80, v4, vm0, $0xb8;
	[tilespmem:$0x11000] =	vst v63  }
0x13d: {  	_ = 	snop  }
0x13e: {  	[tilespmem:s11], [sflag:$0x2] =	stream.indirect_vreg.gather [hbm4b:s3+s2], $0x80, v3, vm0, $0xb8;
	[tilespmem:$0x11000] =	vst v63  }
0x13f: {  	v3 =	vld [tilespmem:s17+$0xFFFFFFC0];
	_ =	sdelay $0x4  }
0x140: {  	v59 =	vshll.u32 v3, $0x1  }
0x141: {  	v3 =	vand.u32 $0x7, v3;
	v4 =	vand.u32 $0xFFFFFFF0, v59  }
0x142: {  	v3 =	vor.u32 v3, v4  }
0x143: {  	v4 =	vperm.xlane v3, v0;
	_ =	sdelay $0x1  }
0x144: {  	v3 =	vperm.xlane v3, v2;
	v4 =	vadd.s32 v1, v4;
	_ =	sdelay $0x1  }
0x145: {  	v3 =	vadd.s32 v1, v3;
	_ =	sdelay $0x2  }
0x146: {  	[tilespmem:s12], [sflag:$0x2] =	stream.indirect_vreg.gather [hbm4b:s3+s2], $0x80, v4, vm0, $0xb8;
	[tilespmem:$0x11000] =	vst v63  }
0x147: {  	_ = 	snop  }
0x148: {  	[tilespmem:s9], [sflag:$0x2] =	stream.indirect_vreg.gather [hbm4b:s3+s2], $0x80, v3, vm0, $0xb8;
	[tilespmem:$0x11000] =	vst v63  }
0x149: {  	v3 =	vld [tilespmem:s17+$0xFFFFFFD0];
	_ =	sdelay $0x4  }
0x14a: {  	v60 =	vshll.u32 v3, $0x1  }
0x14b: {  	v3 =	vand.u32 $0x7, v3;
	v4 =	vand.u32 $0xFFFFFFF0, v60  }
0x14c: {  	v3 =	vor.u32 v3, v4  }
0x14d: {  	v4 =	vperm.xlane v3, v0;
	_ =	sdelay $0x1  }
0x14e: {  	v3 =	vperm.xlane v3, v2;
	v4 =	vadd.s32 v1, v4;
	_ =	sdelay $0x1  }
0x14f: {  	v3 =	vadd.s32 v1, v3;
	_ =	sdelay $0x1  }
0x150: {  	s23 =	simm.s32 $0xD000  }
0x151: {  	[tilespmem:s23], [sflag:$0x2] =	stream.indirect_vreg.gather [hbm4b:s3+s2], $0x80, v4, vm0, $0xb8;
	[tilespmem:$0x11000] =	vst v63  }
0x152: {  	s23 =	simm.s32 $0xD800  }
0x153: {  	[tilespmem:s23], [sflag:$0x2] =	stream.indirect_vreg.gather [hbm4b:s3+s2], $0x80, v3, vm0, $0xb8;
	[tilespmem:$0x11000] =	vst v63  }
0x154: {  	v3 =	vld [tilespmem:s17+$0xFFFFFFE0];
	_ =	sdelay $0x4  }
0x155: {  	v61 =	vshll.u32 v3, $0x1  }
0x156: {  	v3 =	vand.u32 $0x7, v3;
	v4 =	vand.u32 $0xFFFFFFF0, v61  }
0x157: {  	v3 =	vor.u32 v3, v4  }
0x158: {  	v4 =	vperm.xlane v3, v0;
	_ =	sdelay $0x1  }
0x159: {  	v3 =	vperm.xlane v3, v2;
	v4 =	vadd.s32 v1, v4;
	_ =	sdelay $0x1  }
0x15a: {  	v3 =	vadd.s32 v1, v3;
	_ =	sdelay $0x1  }
0x15b: {  	s23 =	simm.s32 $0xE000  }
0x15c: {  	[tilespmem:s23], [sflag:$0x2] =	stream.indirect_vreg.gather [hbm4b:s3+s2], $0x80, v4, vm0, $0xb8;
	[tilespmem:$0x11000] =	vst v63  }
0x15d: {  	s23 =	simm.s32 $0xE800  }
0x15e: {  	[tilespmem:s23], [sflag:$0x2] =	stream.indirect_vreg.gather [hbm4b:s3+s2], $0x80, v3, vm0, $0xb8;
	[tilespmem:$0x11000] =	vst v63  }
0x15f: {  	v3 =	vld [tilespmem:s17+$0xFFFFFFF0];
	_ =	sdelay $0x4  }
0x160: {  	v62 =	vshll.u32 v3, $0x1  }
0x161: {  	v3 =	vand.u32 $0x7, v3;
	v4 =	vand.u32 $0xFFFFFFF0, v62  }
0x162: {  	v3 =	vor.u32 v3, v4  }
0x163: {  	v4 =	vperm.xlane v3, v0;
	_ =	sdelay $0x1  }
0x164: {  	v3 =	vperm.xlane v3, v2;
	v4 =	vadd.s32 v1, v4;
	_ =	sdelay $0x1  }
0x165: {  	v3 =	vadd.s32 v1, v3;
	_ =	sdelay $0x1  }
0x166: {  	s23 =	simm.s32 $0xF000  }
0x167: {  	[tilespmem:s23], [sflag:$0x2] =	stream.indirect_vreg.gather [hbm4b:s3+s2], $0x80, v4, vm0, $0xb8;
	[tilespmem:$0x11000] =	vst v63  }
0x168: {  	s23 =	simm.s32 $0xF800  }
0x169: {  	[tilespmem:s23], [sflag:$0x2] =	stream.indirect_vreg.gather [hbm4b:s3+s2], $0x80, v3, vm0, $0xb8;
	[tilespmem:$0x11000] =	vst v63  }
0x16a: {  	v3 =	vld [tilespmem:s17+$0x0];
	_ =	sdelay $0x4  }
0x16b: {  	v63 =	vshll.u32 v3, $0x1  }
0x16c: {  	v3 =	vand.u32 $0x7, v3;
	v4 =	vand.u32 $0xFFFFFFF0, v63  }
0x16d: {  	v3 =	vor.u32 v3, v4  }
0x16e: {  	v4 =	vperm.xlane v3, v0;
	_ =	sdelay $0x1  }
0x16f: {  	v3 =	vperm.xlane v3, v2;
	v4 =	vadd.s32 v1, v4;
	_ =	sdelay $0x1  }
0x170: {  	p0 =	sne.s32 s18, $0x1C000;
	v3 =	vadd.s32 v1, v3  }
.Ltmp0:
0x171: {  	_ = 	snop;
	(pc) =	sbr.rel @p0 .LBB2_2-.Ltmp0, $4  }
0x172: {  	s25 =	simm.s32 $0x1000  }
0x173: {  	[tilespmem:s26], [sflag:$0x2] =	stream.indirect_vreg.gather [hbm4b:s3+s2], $0x80, v4, vm0, $0xb8;
	[tilespmem:$0x11000] =	vst v63  }
0x174: {  	s18 =	sadd.s32 $0x2000, s18;
	s21 =	simm.s32 $0x9000;
	s17 =	sadd.s32 $0x100, s17  }
0x175: {  	[tilespmem:s29], [sflag:$0x2] =	stream.indirect_vreg.gather [hbm4b:s3+s2], $0x80, v3, vm0, $0xb8;
	[tilespmem:$0x11000] =	vst v63  }
0x176: {  	_ =	swait.ge [sflag:s13], $0x8000  }
0x177: {  	[sflag:s13] =	ssyncset.done $0x0  }
0x178: {  	s17 =	rddreg [dreg:$0x4];
	[sflag:s13] =	ssyncadd.s32 $0xFFFF8000  }
0x179: {  	[hbm4b:s17+s2] =	stream.linear.scatter [tilespmem:s25], [sflag:$0x3], $0x8000, $0x38;
	[tilespmem:$0x11000] =	vst v63  }
0x17a: {  	_ =	swait.ge [sflag:s14], $0x8000  }
0x17b: {  	[sflag:s14] =	ssyncset.done $0x0  }
0x17c: {  	s24 =	rddreg [dreg:$0x5];
	[sflag:s14] =	ssyncadd.s32 $0xFFFF8000  }
0x17d: {  	[hbm4b:s24+s2] =	stream.linear.scatter [tilespmem:s21], [sflag:$0x4], $0x8000, $0x38;
	[tilespmem:$0x11000] =	vst v63  }
0x17e: {  	_ =	swait.ge [sflag:s15], $0x8000  }
0x17f: {  	s18 =	simm.s32 $0x2000;
	[sflag:s15] =	ssyncset.done $0x0  }
0x180: {  	s20 =	simm.s32 $0x2800;
	s31 =	simm.s32 $0x3000;
	[sflag:s15] =	ssyncadd.s32 $0xFFFF8000  }
0x181: {  	s22 =	simm.s32 $0x3800;
	s23 =	simm.s32 $0x4000;
	_ =	swait.ge [sflag:s16], $0x8000  }
0x182: {  	s28 =	simm.s32 $0x5800;
	s29 =	simm.s32 $0x6000;
	s0 =	rddreg [dreg:$0x7]  }
0x183: {  	s30 =	simm.s32 $0x6800;
	s26 =	rddreg [dreg:$0x6];
	s0 =	sadd.s32 $0x1, s0  }
0x184: {  	s1 =	simm.s32 $0x7800;
	s4 =	simm.s32 $0x8000;
	p0 =	sne.s32 s0, s26  }
.Ltmp1:
0x185: {  	s5 =	simm.s32 $0x8800;
	s6 =	simm.s32 $0x9800;
	(pc) =	sbr.rel @p0 .LBB2_1-.Ltmp1, $4  }
0x186: {  	s7 =	simm.s32 $0xA000;
	s8 =	simm.s32 $0xA800;
	s10 =	simm.s32 $0xB000  }
0x187: {  	s11 =	simm.s32 $0xB800;
	s12 =	simm.s32 $0xC000;
	[sflag:s16] =	ssyncset.done $0x0  }
0x188: {  	s9 =	simm.s32 $0xC800;
	s24 =	simm.s32 $0x4800;
	[sflag:s16] =	ssyncadd.s32 $0xFFFF8000  }
0x189: {  	[dreg:$0x7] =	wrdreg s0;
	s26 =	simm.s32 $0x5000;
	s0 =	simm.s32 $0x7000  }
0x18a: {  	_ =	sfence.sel $0x180000  }
0x18b: {  	[bflag:$0x0] =	sbarrier.arrive $0xFFFF  }
0x18c: {  	_ =	strace $0x90000047  }
0x18d: {  	s0 =	stileid.u32;
	[bflag:$0x2] =	sbarrier.arrive $0xFFFF  }
0x18e: {  	p0 =	sne.s32 s0, $0x0;
	s0 =	rddreg [dreg:$0x1]  }
0x18f: {  	s0 =	sadd.s32 @!p0 $0x100000, s0  }
0x190: {  	[sflag:s0] =	ssyncadd.tile.s32 @!p0 $0x1;
	_ =	shalt  }
.Lfunc_end2:
_tile_overlayer_lowered:
.L_overlay_start_2:
0x191: {  	(tag) =	ssettag $0x2  }
0x192: {  	s0 =	rddreg [dreg:$0x0];
	s2 =	stileid.u32  }
0x193: {  	s1 =	rddreg [dreg:$0x1];
	p0 =	sne.s32 s2, $0x0  }
0x194: {  	s3 =	rddreg [dreg:$0x2];
	[bflag:$0x3] =	sbarrier.arrive $0xFFFF;
	s2 =	simm.s32 @!p0 $0x1C05  }
0x195: {  	[timem:s3], [sflag:s2] =	dma.local @!p0 [hbm:s0], s1  }
0x196: {  	s0 =	simm.s32 @!p0 $0x5  }
0x197: {  	_ =	swait.ge @!p0 [sflag:s0], s1  }
0x198: {  	s1 =	ssub.s32 @!p0 $0x0, s1;
	[sflag:s0] =	ssyncset.done @!p0 $0x0  }
0x199: {  	[sflag:s0] =	ssyncadd.s32 @!p0 s1  }
0x19a: {  	[bflag:$0x3] =	sbarrier.arrive $0xFFFF  }
0x19b: {  	_ =	shalt  }

// kernel: kernel.9.cloned.1.call-start
scs
__scs_entry_jumppad:
0x0: {  	(pc) =	sbr.rel $0x88, $3  }
0x1: {  	(tag) =	ssettag $0x0;
	lr =	simm.s32 $0x1  }
0x2: {  	[smem:$0x3F93] =	sst lr;
	_ =	strace $0xD0000000  }
0x3: {  	_ = 	snop  }
0x4: {  	_ = 	snop  }
0x5: {  	_ = 	snop  }
0x6: {  	_ = 	snop  }
0x7: {  	_ = 	snop  }
__scs_overlays_trampoline_lowered:
0x8: {  	[smem:$0x3FA2] =	sst s0  }
0x9: {  	[smem:$0x3FA3] =	sst s1  }
0xa: {  	[smem:$0x3FA4] =	sst s2  }
0xb: {  	[smem:$0x3FA5] =	sst s3  }
0xc: {  	[smem:$0x3FA6] =	sst s4  }
0xd: {  	[smem:$0x3FA7] =	sst s5  }
0xe: {  	[smem:$0x3FA8] =	sst s6  }
0xf: {  	[smem:$0x3FA9] =	sst s7  }
0x10: {  	[smem:$0x3FAA] =	sst s8  }
0x11: {  	[smem:$0x3FAB] =	sst s9;
	s0 =	simm.s32 @!p0 $0x0  }
0x12: {  	s1 =	sld [smem:$0x3F91];
	s0 =	simm.s32 @p0 $0x1  }
0x13: {  	[smem:$0x3FAC] =	sst s0;
	s0 =	simm.s32 @!p1 $0x0  }
0x14: {  	s2 =	sld [smem:$0x3F90];
	s0 =	simm.s32 @p1 $0x1  }
0x15: {  	[smem:$0x3FAD] =	sst s0;
	s0 =	simm.s32 @!p2 $0x0  }
0x16: {  	s3 =	sld [smem:$0x3FDB];
	s0 =	simm.s32 @p2 $0x1  }
0x17: {  	s4 =	simm.s32 $0x1BF5;
	[smem:$0x3FAF] =	sst s0  }
0x18: {  	s0 =	sld [smem:$0x3F92];
	_ =	swait.ge [sflag:s4], $0x0  }
0x19: {  	s7 =	sld [smem:$0x3F93]  }
0x1a: {  	s8 =	sadd.s32 $0xFFFFE003, lr  }
0x1b: {  	s9 =	sadd.s32 $0xFFFFFEF7, lr;
	s5 =	simm.s32 $0xFFFFFFFF;
	p2 =	slt.u32 s8, $0xFFFFF086  }
0x1c: {  	p1 =	slt.u32 s9, $0xF7A;
	s5 =	simm.s32 @!p2 $0x0  }
0x1d: {  	s5 =	simm.s32 @p1 $0x1;
	p0 =	seq.s32 s7, s2  }
0x1e: {  	s7 =	smul.u32 @!p0 $0xF7A, s2;
	p2 =	seq.s32 @!p0 s5, $0x0  }
0x1f: {  	s9 =	smul.u32 $0xF7A, s1;
	s8 =	simm.s32 @!p0 $0x1BF5;
	p2 =	por !p2, p0  }
0x20: {  	[sflag:s8] =	ssyncset.s32 @!p0 $0xFFFFF086;
	s6 =	sadd.s32 @!p0 s3, s7;
	s7 =	simm.s32 @!p0 $0x108  }
0x21: {  	s3 =	sadd.s32 s3, s9;
	s6 =	sadd.s32 @!p0 $0x88, s6;
	s7 =	simm.s32 @p2 $0x1082  }
0x22: {  	[simem:s7], [sflag:s8] =	dma.local @!p0 [hbm:s6], $0xF7A  }
0x23: {  	s9 =	sor.u32 $0xD0000000, s2;
	s6 =	simm.s32 $0x108;
	_ =	swait.ge @!p0 [sflag:s8], $0x0  }
0x24: {  	s3 =	sadd.s32 $0x88, s3;
	s6 =	simm.s32 @!p1 $0x1082;
	[sflag:s4] =	ssyncset.s32 $0xFFFFF086  }
0x25: {  	[simem:s6], [sflag:s4] =	dma.local [hbm:s3], $0xF7A  }
0x26: {  	[smem:$0x3F93] =	sst s1;
	(tag) =	ssettag s2;
	_ =	strace s9  }
0x27: {  	s1 =	sld [smem:$0x3FA3]  }
0x28: {  	s2 =	sld [smem:$0x3FA4]  }
0x29: {  	s4 =	sld [smem:$0x3FA6]  }
0x2a: {  	p0 =	seq.s32 s5, $0x0;
	s5 =	sld [smem:$0x3FA7]  }
0x2b: {  	s6 =	sld [smem:$0x3FA8]  }
0x2c: {  	s7 =	sld [smem:$0x3FA9]  }
0x2d: {  	s3 =	simm.s32 $0x108;
	s8 =	sld [smem:$0x3FAA]  }
0x2e: {  	s3 =	simm.s32 @!p0 $0x1082;
	s9 =	sld [smem:$0x3FAB]  }
0x2f: {  	lr =	sadd.s32 s0, s3;
	s0 =	sld [smem:$0x3FA2]  }
0x30: {  	s3 =	sld [smem:$0x3FA5]  }
0x31: {  	[smem:$0x3FAE] =	sst s10  }
0x32: {  	s10 =	sld [smem:$0x3FAC];
	_ =	sdelay $0x3  }
0x33: {  	p0 =	seq.s32 s10, $0x1;
	s10 =	sld [smem:$0x3FAE];
	_ =	sdelay $0x3  }
0x34: {  	[smem:$0x3FAE] =	sst s10  }
0x35: {  	s10 =	sld [smem:$0x3FAD];
	_ =	sdelay $0x3  }
0x36: {  	p1 =	seq.s32 s10, $0x1;
	s10 =	sld [smem:$0x3FAE];
	_ =	sdelay $0x3  }
0x37: {  	[smem:$0x3FAE] =	sst s10  }
0x38: {  	s10 =	sld [smem:$0x3FAF]  }
0x39: {  	_ = 	snop;
	(pc) =	sbr.ind lr, $3  }
0x3a: {  	_ = 	snop  }
0x3b: {  	_ = 	snop  }
0x3c: {  	p2 =	seq.s32 s10, $0x1;
	s10 =	sld [smem:$0x3FAE]  }
0x3d: {  	_ =	shalt  }
0x3e: {  	_ =	shalt  }
0x3f: {  	_ =	shalt  }
0x40: {  	_ =	shalt  }
0x41: {  	_ =	shalt  }
0x42: {  	_ =	shalt  }
0x43: {  	_ =	shalt  }
0x44: {  	_ =	shalt  }
0x45: {  	_ =	shalt  }
0x46: {  	_ =	shalt  }
0x47: {  	_ =	shalt  }
0x48: {  	_ =	shalt  }
0x49: {  	_ =	shalt  }
0x4a: {  	_ =	shalt  }
0x4b: {  	_ =	shalt  }
0x4c: {  	_ =	shalt  }
0x4d: {  	_ =	shalt  }
0x4e: {  	_ =	shalt  }
0x4f: {  	_ =	shalt  }
0x50: {  	_ =	shalt  }
0x51: {  	_ =	shalt  }
0x52: {  	_ =	shalt  }
0x53: {  	_ =	shalt  }
0x54: {  	_ =	shalt  }
0x55: {  	_ =	shalt  }
0x56: {  	_ =	shalt  }
0x57: {  	_ =	shalt  }
0x58: {  	_ =	shalt  }
0x59: {  	_ =	shalt  }
0x5a: {  	_ =	shalt  }
0x5b: {  	_ =	shalt  }
0x5c: {  	_ =	shalt  }
0x5d: {  	_ =	shalt  }
0x5e: {  	_ =	shalt  }
0x5f: {  	_ =	shalt  }
0x60: {  	_ =	shalt  }
0x61: {  	_ =	shalt  }
0x62: {  	_ =	shalt  }
0x63: {  	_ =	shalt  }
0x64: {  	_ =	shalt  }
0x65: {  	_ =	shalt  }
0x66: {  	_ =	shalt  }
0x67: {  	_ =	shalt  }
0x68: {  	_ =	shalt  }
0x69: {  	_ =	shalt  }
0x6a: {  	_ =	shalt  }
0x6b: {  	_ =	shalt  }
0x6c: {  	_ =	shalt  }
0x6d: {  	_ =	shalt  }
0x6e: {  	_ =	shalt  }
0x6f: {  	_ =	shalt  }
0x70: {  	_ =	shalt  }
0x71: {  	_ =	shalt  }
0x72: {  	_ =	shalt  }
0x73: {  	_ =	shalt  }
0x74: {  	_ =	shalt  }
0x75: {  	_ =	shalt  }
0x76: {  	_ =	shalt  }
0x77: {  	_ =	shalt  }
0x78: {  	_ =	shalt  }
0x79: {  	_ =	shalt  }
0x7a: {  	_ =	shalt  }
0x7b: {  	_ =	shalt  }
0x7c: {  	_ =	shalt  }
0x7d: {  	_ =	shalt  }
0x7e: {  	_ =	shalt  }
0x7f: {  	_ =	shalt  }
0x80: {  	_ =	shalt  }
0x81: {  	_ =	shalt  }
0x82: {  	_ =	shalt  }
0x83: {  	_ =	shalt  }
0x84: {  	_ =	shalt  }
0x85: {  	_ =	shalt  }
0x86: {  	_ =	shalt  }
0x87: {  	_ =	shalt  }
.Lfunc_end0:
.L_simem_size_0:
called_computation_lowered:
.L_overlay_start_0:
0x88: {  	s2 =	sld [smem:$0x3FD9]  }
0x89: {  	s3 =	sld [smem:$0x3FFE];
	_ =	sdelay $0x1  }
0x8a: {  	s1 =	srdreg.scid  }
0x8b: {  	s0 =	sand.u32 $0x1, s1  }
0x8c: {  	s17 =	sshll.u32 s0, $0xA;
	s2 =	sadd.s32 s3, s2  }
0x8d: {  	s2 =	sadd.s32 s2, s17  }
0x8e: {  	[smem:$0x3FBA] =	sst s2  }
0x8f: {  	_ = 	snop  }
0x90: {  	s18 =	sld [smem:$0x3FD0];
	(tm) =	ssettm $0x1  }
0x91: {  	s19 =	sld [smem:$0x3FFB];
	_ =	sdelay $0x3  }
0x92: {  	_ =	strace s19  }
0x93: {  	s2 =	sld [smem:$0x3FFC];
	_ =	sdelay $0x3  }
0x94: {  	_ =	strace s2  }
0x95: {  	s2 =	sld [smem:$0x3FFD];
	_ =	sdelay $0x3  }
0x96: {  	_ =	strace s2  }
0x97: {  	_ =	strace $0x8FFFFFFF  }
0x98: {  	s20 =	sld [smem:$0x3FDB];
	_ =	sdelay $0x1  }
0x99: {  	s4 =	simm.s32 $_scs_section_size  }
0x9a: {  	s5 =	simm.s32 $_size__tile_overlayer_lowered;
	s6 =	simm.s32 $_tile_overlayer_lowered  }
0x9b: {  	s7 =	simm.s32 $0x1BFF;
	s21 =	sshll.u32 s6, $0x1;
	s4 =	sadd.s32 s4, s20  }
0x9c: {  	s22 =	simm.s32 $0x0;
	s5 =	sshll.u32 s5, $0x1;
	s6 =	sadd.s32 s21, s4  }
0x9d: {  	[timem:s22], [sflag:s7] =	dma.local [hbm:s6], s5  }
0x9e: {  	_ =	swait.ge [sflag:s7], s5  }
0x9f: {  	s5 =	ssub.s32 $0x0, s5;
	[sflag:s7] =	ssyncset.done $0x0  }
0xa0: {  	[sflag:s7] =	ssyncadd.s32 s5;
	_ =	sdelay $0x1  }
0xa1: {  	s23 =	simm.s32 $0x1B8B  }
0xa2: {  	_ =	swait.ge [sflag:s23], $0x1  }
0xa3: {  	[sflag:s23] =	ssyncset.done $0x0  }
0xa4: {  	[sflag:s23] =	ssyncadd.s32 $0xFFFFFFFF  }
0xa5: {  	s5 =	sld [smem:$0x0]  }
0xa6: {  	s6 =	sand.u32 $0xFFFFFFFE, s1  }
0xa7: {  	p0 =	sne.s32 s1, s6  }
0xa8: {  	s6 =	sshll.u32 @p0 s6, $0xE  }
0xa9: {  	s6 =	sadd.s32 @p0 $0x11B8D, s6;
	s7 =	sshll.u32 @p0 s5, $0x11  }
0xaa: {  	s6 =	sor.u32 @p0 s7, s6  }
0xab: {  	[sflag:s6] =	ssyncadd.remote.s32 @p0 $0x1;
	_ =	sdelay $0x1  }
0xac: {  	s6 =	simm.s32 @p0 $0x1B8D  }
0xad: {  	_ =	swait.eq @p0 [sflag:s6], $0x1  }
0xae: {  	[sflag:s6] =	ssyncadd.s32 @p0 $0xFFFFFFFF  }
0xaf: {  	s7 =	sshll.u32 @!p0 s1, $0xE  }
0xb0: {  	s7 =	sor.u32 @!p0 $0x4000, s7;
	s6 =	simm.s32 @!p0 $0x1B8D  }
0xb1: {  	s5 =	sshll.u32 @!p0 s5, $0x11;
	s7 =	sadd.s32 @!p0 $0x11B8D, s7;
	_ =	swait.eq @!p0 [sflag:s6], $0x1  }
0xb2: {  	s5 =	sor.u32 @!p0 s5, s7;
	[sflag:s6] =	ssyncadd.s32 @!p0 $0xFFFFFFFF  }
0xb3: {  	s25 =	simm.s32 $0x1B8E;
	s24 =	sld [smem:$0x3FFE];
	[sflag:s5] =	ssyncadd.remote.s32 @!p0 $0x1  }
0xb4: {  	s26 =	simm.s32 $execute0_lowered;
	[smem:$0x3FD2] =	sst s25  }
0xb5: {  	s6 =	sshll.u32 s26, $0x1;
	_ =	strace $0x80000049;
	[dreg:$0x1] =	wrdreg $0xFFFFFFFF  }
0xb6: {  	s28 =	simm.s32 $_size_execute0_lowered;
	s4 =	sadd.s32 s4, s6;
	[dreg:$0x0] =	wrdreg $0x0  }
0xb7: {  	s6 =	sshll.u32 s28, $0x1;
	[dreg:$0x2] =	wrdreg s4  }
0xb8: {  	[dreg:$0x3] =	wrdreg s6  }
0xb9: {  	[dreg:$0x4] =	wrdreg $0xC0  }
0xba: {  	_ =	task [dreg:s22], $0x5FFFF  }
0xbb: {  	[dreg:$0x1] =	wrdreg $0xFFFFFFFF  }
0xbc: {  	[dreg:$0x0] =	wrdreg $0x60  }
0xbd: {  	[dreg:$0x2] =	wrdreg s24  }
0xbe: {  	[dreg:$0x3] =	wrdreg s18  }
0xbf: {  	[dreg:$0x4] =	wrdreg $0x9  }
0xc0: {  	_ =	task.clear_ibuf [dreg:s22], $0x5FFFF;
	_ =	strace $0x90000049  }
0xc1: {  	s29 =	simm.s32 $0x9;
	_ =	strace $0x8000004B  }
0xc2: {  	_ =	swait.ge [sflag:s29], $0x1  }
0xc3: {  	[sflag:s29] =	ssyncadd.s32 $0xFFFFFFFF  }
0xc4: {  	_ =	strace $0x9000004B  }
0xc5: {  	_ =	sfence  }
0xc6: {  	s30 =	sld [smem:$0x0];
	_ =	sdelay $0x2  }
0xc7: {  	s31 =	sshll.u32 s1, $0xD;
	s1 =	sshrl.u32 s1, $0x2  }
0xc8: {  	s4 =	sand.u32 $0x4000, s31;
	s1 =	sadd.s32 s1, s30  }
0xc9: {  	s0 =	sor.u32 s4, s0;
	s1 =	sshll.u32 s1, $0x11  }
0xca: {  	s0 =	sor.u32 s1, s0  }
0xcb: {  	s0 =	sadd.s32 $0x8F2B, s0  }
0xcc: {  	[sflag:s0] =	ssyncadd.remote.s32 $0x1  }
0xcd: {  	_ =	sfence.sel $0xFFFF  }
0xce: {  	[dreg:$0x0] =	wrdreg $0xFFFFFFFF;
	(pc) =	sbr.abs _section_cstart, $3  }
0xcf: {  	[dreg:$0x1] =	wrdreg $0xFFFFFFFF  }
0xd0: {  	_ =	task.clear_ibuf [dreg:s22], $0x2FFFF;
	_ =	strace $0x9FFFFFFF  }
0xd1: {  	(tm) =	ssettm $0x7FFFFFFF  }
tec
execute0_lowered:
.L_overlay_start_1:
0x0: {  	(tag) =	ssettag $0x1  }
0x1: {  	s0 =	rddreg [dreg:$0x0]  }
0x2: {  	s2 =	rddreg [dreg:$0x1]  }
0x3: {  	s1 =	simm.s32 $0x0;
	s4 =	srdreg.scid;
	s9 =	stileid.u32  }
0x4: {  	s19 =	simm.s32 $0x1800;
	s18 =	simm.s32 $0x2000;
	s20 =	simm.s32 $0x2800  }
0x5: {  	s31 =	simm.s32 $0x3000;
	s22 =	simm.s32 $0x3800;
	s28 =	simm.s32 $0x5800  }
0x6: {  	s29 =	simm.s32 $0x6000;
	s30 =	simm.s32 $0x6800;
	s21 =	simm.s32 $0x9000  }
0x7: {  	s10 =	simm.s32 $0xB000;
	s11 =	simm.s32 $0xB800;
	s12 =	simm.s32 $0xC000  }
0x8: {  	s13 =	simm.s32 $0x1;
	s14 =	simm.s32 $0x2;
	s15 =	simm.s32 $0x3  }
0x9: {  	s16 =	simm.s32 $0x4;
	s17 =	simm.s32 $0x0;
	[smem:$0x7FF] =	sst s1  }
0xa: {  	s3 =	sadd.s32 $0x1A3000, s0;
	s4 =	sand.u32 $0x1, s4;
	s6 =	sshll.u32 s9, $0xD  }
0xb: {  	s0 =	sadd.s32 $0x7A3000, s0;
	s24 =	sshll.u32 s9, $0x12;
	s9 =	simm.s32 $0xC800  }
0xc: {  	_ =	strace $0x8000004A;
	s5 =	ssub.s32 $0x2, s4;
	s7 =	sshll.u32 s4, $0xC  }
0xd: {  	s4 =	sshll.u32 s4, $0x11;
	s8 =	sshrl.u32 s5, $0x1;
	s6 =	sor.u32 s7, s6  }
0xe: {  	[dreg:$0x8] =	wrdreg s17;
	s5 =	ssub.s32 s5, s8;
	s7 =	sshrl.u32 s6, $0x3  }
0xf: {  	s6 =	sshll.u32 s6, $0x5;
	s8 =	simm.s32 $0xA800;
	s2 =	sadd.s32 s2, s7  }
0x10: {  	s23 =	sadd.s32 s6, s0;
	s0 =	sadd.s32 s24, s0;
	s26 =	smax.u32 s5, $0x1  }
0x11: {  	s24 =	simm.s32 $0x4800;
	s5 =	simm.s32 $0x8800;
	[dreg:$0x4] =	wrdreg s2  }
0x12: {  	s6 =	simm.s32 $0x9800;
	s25 =	sadd.s32 $0x1E000, s23;
	[dreg:$0x7] =	wrdreg s26  }
0x13: {  	s7 =	simm.s32 $0xA000;
	s2 =	sadd.s32 $0x1F000, s23;
	[dreg:$0x5] =	wrdreg s25  }
0x14: {  	v2 =	vlaneseq.u32;
	s0 =	sadd.s32 s4, s0;
	s23 =	simm.s32 $0x4000;
	[dreg:$0x6] =	wrdreg s2  }
0x15: {  	vm0 =	vmmov $0xffff;
	v1 =	vshrl.u32 v2, $0x3;
	s26 =	simm.s32 $0x5000;
	s4 =	simm.s32 $0x8000;
	[dreg:$0x3] =	wrdreg s0  }
0x16: {  	v0 =	vand.u32 $0x7, v2;
	v2 =	vor.u32 $0x8, v2;
	v1 =	vmul.u32 $0x8, v1;
	s25 =	simm.s32 $0x1000;
	s0 =	simm.s32 $0x7000;
	s2 =	simm.s32 $0x7800  }
.LBB2_1:
0x17: {  	s17 =	rddreg [dreg:$0x4]  }
0x18: {  	[tilespmem:s1], [sflag:$0x5] =	stream.linear.gather [hbm4b:s17+s1], $0x1000, $0x38;
	[tilespmem:$0x11000] =	vst v63  }
0x19: {  	s17 =	simm.s32 $0x5  }
0x1a: {  	_ =	swait.ge [sflag:s17], $0x1000  }
0x1b: {  	[sflag:s17] =	ssyncset.done $0x0  }
0x1c: {  	[sflag:s17] =	ssyncadd.s32 $0xFFFFF000  }
0x1d: {  	v3 =	vld [tilespmem:$0x0];
	_ =	sdelay $0x4  }
0x1e: {  	v4 =	vshll.u32 v3, $0x1  }
0x1f: {  	v3 =	vand.u32 $0x7, v3;
	v4 =	vand.u32 $0xFFFFFFF0, v4  }
0x20: {  	v3 =	vor.u32 v3, v4  }
0x21: {  	v4 =	vperm.xlane v3, v0;
	_ =	sdelay $0x1  }
0x22: {  	v3 =	vperm.xlane v3, v2;
	v4 =	vadd.s32 v1, v4;
	_ =	sdelay $0x1  }
0x23: {  	v3 =	vadd.s32 v1, v3;
	_ =	sdelay $0x2  }
0x24: {  	[tilespmem:s25], [sflag:$0x1] =	stream.indirect_vreg.gather [hbm4b:s3+s1], $0x80, v4, vm0, $0xb8;
	[tilespmem:$0x11000] =	vst v63  }
0x25: {  	_ = 	snop  }
0x26: {  	[tilespmem:s19], [sflag:$0x1] =	stream.indirect_vreg.gather [hbm4b:s3+s1], $0x80, v3, vm0, $0xb8;
	[tilespmem:$0x11000] =	vst v63  }
0x27: {  	v3 =	vld [tilespmem:$0x10];
	_ =	sdelay $0x4  }
0x28: {  	v49 =	vshll.u32 v3, $0x1  }
0x29: {  	v3 =	vand.u32 $0x7, v3;
	v4 =	vand.u32 $0xFFFFFFF0, v49  }
0x2a: {  	v3 =	vor.u32 v3, v4  }
0x2b: {  	v4 =	vperm.xlane v3, v0;
	_ =	sdelay $0x1  }
0x2c: {  	v3 =	vperm.xlane v3, v2;
	v4 =	vadd.s32 v1, v4;
	_ =	sdelay $0x1  }
0x2d: {  	v3 =	vadd.s32 v1, v3;
	_ =	sdelay $0x2  }
0x2e: {  	[tilespmem:s18], [sflag:$0x1] =	stream.indirect_vreg.gather [hbm4b:s3+s1], $0x80, v4, vm0, $0xb8;
	[tilespmem:$0x11000] =	vst v63  }
0x2f: {  	_ = 	snop  }
0x30: {  	[tilespmem:s20], [sflag:$0x1] =	stream.indirect_vreg.gather [hbm4b:s3+s1], $0x80, v3, vm0, $0xb8;
	[tilespmem:$0x11000] =	vst v63  }
0x31: {  	v3 =	vld [tilespmem:$0x20];
	_ =	sdelay $0x4  }
0x32: {  	v50 =	vshll.u32 v3, $0x1  }
0x33: {  	v3 =	vand.u32 $0x7, v3;
	v4 =	vand.u32 $0xFFFFFFF0, v50  }
0x34: {  	v3 =	vor.u32 v3, v4  }
0x35: {  	v4 =	vperm.xlane v3, v0;
	_ =	sdelay $0x1  }
0x36: {  	v3 =	vperm.xlane v3, v2;
	v4 =	vadd.s32 v1, v4;
	_ =	sdelay $0x1  }
0x37: {  	v3 =	vadd.s32 v1, v3;
	_ =	sdelay $0x2  }
0x38: {  	[tilespmem:s31], [sflag:$0x1] =	stream.indirect_vreg.gather [hbm4b:s3+s1], $0x80, v4, vm0, $0xb8;
	[tilespmem:$0x11000] =	vst v63  }
0x39: {  	_ = 	snop  }
0x3a: {  	[tilespmem:s22], [sflag:$0x1] =	stream.indirect_vreg.gather [hbm4b:s3+s1], $0x80, v3, vm0, $0xb8;
	[tilespmem:$0x11000] =	vst v63  }
0x3b: {  	v3 =	vld [tilespmem:$0x30];
	_ =	sdelay $0x4  }
0x3c: {  	v51 =	vshll.u32 v3, $0x1  }
0x3d: {  	v3 =	vand.u32 $0x7, v3;
	v4 =	vand.u32 $0xFFFFFFF0, v51  }
0x3e: {  	v3 =	vor.u32 v3, v4  }
0x3f: {  	v4 =	vperm.xlane v3, v0;
	_ =	sdelay $0x1  }
0x40: {  	v3 =	vperm.xlane v3, v2;
	v4 =	vadd.s32 v1, v4;
	_ =	sdelay $0x1  }
0x41: {  	v3 =	vadd.s32 v1, v3;
	_ =	sdelay $0x2  }
0x42: {  	[tilespmem:s23], [sflag:$0x1] =	stream.indirect_vreg.gather [hbm4b:s3+s1], $0x80, v4, vm0, $0xb8;
	[tilespmem:$0x11000] =	vst v63  }
0x43: {  	_ = 	snop  }
0x44: {  	[tilespmem:s24], [sflag:$0x1] =	stream.indirect_vreg.gather [hbm4b:s3+s1], $0x80, v3, vm0, $0xb8;
	[tilespmem:$0x11000] =	vst v63  }
0x45: {  	v3 =	vld [tilespmem:$0x40];
	_ =	sdelay $0x4  }
0x46: {  	v52 =	vshll.u32 v3, $0x1  }
0x47: {  	v3 =	vand.u32 $0x7, v3;
	v4 =	vand.u32 $0xFFFFFFF0, v52  }
0x48: {  	v3 =	vor.u32 v3, v4  }
0x49: {  	v4 =	vperm.xlane v3, v0;
	_ =	sdelay $0x1  }
0x4a: {  	v3 =	vperm.xlane v3, v2;
	v4 =	vadd.s32 v1, v4;
	_ =	sdelay $0x1  }
0x4b: {  	v3 =	vadd.s32 v1, v3;
	_ =	sdelay $0x2  }
0x4c: {  	[tilespmem:s26], [sflag:$0x1] =	stream.indirect_vreg.gather [hbm4b:s3+s1], $0x80, v4, vm0, $0xb8;
	[tilespmem:$0x11000] =	vst v63  }
0x4d: {  	_ = 	snop  }
0x4e: {  	[tilespmem:s28], [sflag:$0x1] =	stream.indirect_vreg.gather [hbm4b:s3+s1], $0x80, v3, vm0, $0xb8;
	[tilespmem:$0x11000] =	vst v63  }
0x4f: {  	v3 =	vld [tilespmem:$0x50];
	_ =	sdelay $0x4  }
0x50: {  	v53 =	vshll.u32 v3, $0x1  }
0x51: {  	v3 =	vand.u32 $0x7, v3;
	v4 =	vand.u32 $0xFFFFFFF0, v53  }
0x52: {  	v3 =	vor.u32 v3, v4  }
0x53: {  	v4 =	vperm.xlane v3, v0;
	_ =	sdelay $0x1  }
0x54: {  	v3 =	vperm.xlane v3, v2;
	v4 =	vadd.s32 v1, v4;
	_ =	sdelay $0x1  }
0x55: {  	v3 =	vadd.s32 v1, v3;
	_ =	sdelay $0x2  }
0x56: {  	[tilespmem:s29], [sflag:$0x1] =	stream.indirect_vreg.gather [hbm4b:s3+s1], $0x80, v4, vm0, $0xb8;
	[tilespmem:$0x11000] =	vst v63  }
0x57: {  	_ = 	snop  }
0x58: {  	[tilespmem:s30], [sflag:$0x1] =	stream.indirect_vreg.gather [hbm4b:s3+s1], $0x80, v3, vm0, $0xb8;
	[tilespmem:$0x11000] =	vst v63  }
0x59: {  	v3 =	vld [tilespmem:$0x60];
	_ =	sdelay $0x4  }
0x5a: {  	v54 =	vshll.u32 v3, $0x1  }
0x5b: {  	v3 =	vand.u32 $0x7, v3;
	v4 =	vand.u32 $0xFFFFFFF0, v54  }
0x5c: {  	v3 =	vor.u32 v3, v4  }
0x5d: {  	v4 =	vperm.xlane v3, v0;
	_ =	sdelay $0x1  }
0x5e: {  	v3 =	vperm.xlane v3, v2;
	v4 =	vadd.s32 v1, v4;
	_ =	sdelay $0x1  }
0x5f: {  	v3 =	vadd.s32 v1, v3;
	_ =	sdelay $0x2  }
0x60: {  	[tilespmem:s0], [sflag:$0x1] =	stream.indirect_vreg.gather [hbm4b:s3+s1], $0x80, v4, vm0, $0xb8;
	[tilespmem:$0x11000] =	vst v63  }
0x61: {  	_ = 	snop  }
0x62: {  	[tilespmem:s2], [sflag:$0x1] =	stream.indirect_vreg.gather [hbm4b:s3+s1], $0x80, v3, vm0, $0xb8;
	[tilespmem:$0x11000] =	vst v63  }
0x63: {  	v3 =	vld [tilespmem:$0x70];
	_ =	sdelay $0x4  }
0x64: {  	v55 =	vshll.u32 v3, $0x1  }
0x65: {  	v3 =	vand.u32 $0x7, v3;
	v4 =	vand.u32 $0xFFFFFFF0, v55  }
0x66: {  	v3 =	vor.u32 v3, v4  }
0x67: {  	v4 =	vperm.xlane v3, v0;
	_ =	sdelay $0x1  }
0x68: {  	v3 =	vperm.xlane v3, v2;
	v4 =	vadd.s32 v1, v4;
	_ =	sdelay $0x1  }
0x69: {  	v3 =	vadd.s32 v1, v3;
	_ =	sdelay $0x2  }
0x6a: {  	[tilespmem:s4], [sflag:$0x1] =	stream.indirect_vreg.gather [hbm4b:s3+s1], $0x80, v4, vm0, $0xb8;
	[tilespmem:$0x11000] =	vst v63  }
0x6b: {  	_ = 	snop  }
0x6c: {  	[tilespmem:s5], [sflag:$0x1] =	stream.indirect_vreg.gather [hbm4b:s3+s1], $0x80, v3, vm0, $0xb8;
	[tilespmem:$0x11000] =	vst v63  }
0x6d: {  	v3 =	vld [tilespmem:$0x80];
	_ =	sdelay $0x4  }
0x6e: {  	v56 =	vshll.u32 v3, $0x1  }
0x6f: {  	v3 =	vand.u32 $0x7, v3;
	v4 =	vand.u32 $0xFFFFFFF0, v56  }
0x70: {  	v3 =	vor.u32 v3, v4  }
0x71: {  	v4 =	vperm.xlane v3, v0;
	_ =	sdelay $0x1  }
0x72: {  	v3 =	vperm.xlane v3, v2;
	v4 =	vadd.s32 v1, v4;
	_ =	sdelay $0x1  }
0x73: {  	v3 =	vadd.s32 v1, v3;
	_ =	sdelay $0x2  }
0x74: {  	[tilespmem:s21], [sflag:$0x2] =	stream.indirect_vreg.gather [hbm4b:s3+s1], $0x80, v4, vm0, $0xb8;
	[tilespmem:$0x11000] =	vst v63  }
0x75: {  	_ = 	snop  }
0x76: {  	[tilespmem:s6], [sflag:$0x2] =	stream.indirect_vreg.gather [hbm4b:s3+s1], $0x80, v3, vm0, $0xb8;
	[tilespmem:$0x11000] =	vst v63  }
0x77: {  	v3 =	vld [tilespmem:$0x90];
	_ =	sdelay $0x4  }
0x78: {  	v57 =	vshll.u32 v3, $0x1  }
0x79: {  	v3 =	vand.u32 $0x7, v3;
	v4 =	vand.u32 $0xFFFFFFF0, v57  }
0x7a: {  	v3 =	vor.u32 v3, v4  }
0x7b: {  	v4 =	vperm.xlane v3, v0;
	_ =	sdelay $0x1  }
0x7c: {  	v3 =	vperm.xlane v3, v2;
	v4 =	vadd.s32 v1, v4;
	_ =	sdelay $0x1  }
0x7d: {  	v3 =	vadd.s32 v1, v3;
	_ =	sdelay $0x2  }
0x7e: {  	[tilespmem:s7], [sflag:$0x2] =	stream.indirect_vreg.gather [hbm4b:s3+s1], $0x80, v4, vm0, $0xb8;
	[tilespmem:$0x11000] =	vst v63  }
0x7f: {  	_ = 	snop  }
0x80: {  	[tilespmem:s8], [sflag:$0x2] =	stream.indirect_vreg.gather [hbm4b:s3+s1], $0x80, v3, vm0, $0xb8;
	[tilespmem:$0x11000] =	vst v63  }
0x81: {  	v3 =	vld [tilespmem:$0xA0];
	_ =	sdelay $0x4  }
0x82: {  	v58 =	vshll.u32 v3, $0x1  }
0x83: {  	v3 =	vand.u32 $0x7, v3;
	v4 =	vand.u32 $0xFFFFFFF0, v58  }
0x84: {  	v3 =	vor.u32 v3, v4  }
0x85: {  	v4 =	vperm.xlane v3, v0;
	_ =	sdelay $0x1  }
0x86: {  	v3 =	vperm.xlane v3, v2;
	v4 =	vadd.s32 v1, v4;
	_ =	sdelay $0x1  }
0x87: {  	v3 =	vadd.s32 v1, v3;
	_ =	sdelay $0x2  }
0x88: {  	[tilespmem:s10], [sflag:$0x2] =	stream.indirect_vreg.gather [hbm4b:s3+s1], $0x80, v4, vm0, $0xb8;
	[tilespmem:$0x11000] =	vst v63  }
0x89: {  	_ = 	snop  }
0x8a: {  	[tilespmem:s11], [sflag:$0x2] =	stream.indirect_vreg.gather [hbm4b:s3+s1], $0x80, v3, vm0, $0xb8;
	[tilespmem:$0x11000] =	vst v63  }
0x8b: {  	v3 =	vld [tilespmem:$0xB0];
	_ =	sdelay $0x4  }
0x8c: {  	v59 =	vshll.u32 v3, $0x1  }
0x8d: {  	v3 =	vand.u32 $0x7, v3;
	v4 =	vand.u32 $0xFFFFFFF0, v59  }
0x8e: {  	v3 =	vor.u32 v3, v4  }
0x8f: {  	v4 =	vperm.xlane v3, v0;
	_ =	sdelay $0x1  }
0x90: {  	v3 =	vperm.xlane v3, v2;
	v4 =	vadd.s32 v1, v4;
	_ =	sdelay $0x1  }
0x91: {  	v3 =	vadd.s32 v1, v3;
	_ =	sdelay $0x2  }
0x92: {  	[tilespmem:s12], [sflag:$0x2] =	stream.indirect_vreg.gather [hbm4b:s3+s1], $0x80, v4, vm0, $0xb8;
	[tilespmem:$0x11000] =	vst v63  }
0x93: {  	_ = 	snop  }
0x94: {  	[tilespmem:s9], [sflag:$0x2] =	stream.indirect_vreg.gather [hbm4b:s3+s1], $0x80, v3, vm0, $0xb8;
	[tilespmem:$0x11000] =	vst v63  }
0x95: {  	v3 =	vld [tilespmem:$0xC0];
	_ =	sdelay $0x4  }
0x96: {  	v60 =	vshll.u32 v3, $0x1  }
0x97: {  	v3 =	vand.u32 $0x7, v3;
	v4 =	vand.u32 $0xFFFFFFF0, v60  }
0x98: {  	v3 =	vor.u32 v3, v4  }
0x99: {  	v4 =	vperm.xlane v3, v0;
	_ =	sdelay $0x1  }
0x9a: {  	v3 =	vperm.xlane v3, v2;
	v4 =	vadd.s32 v1, v4;
	_ =	sdelay $0x1  }
0x9b: {  	v3 =	vadd.s32 v1, v3;
	_ =	sdelay $0x1  }
0x9c: {  	s21 =	simm.s32 $0xD000  }
0x9d: {  	[tilespmem:s21], [sflag:$0x2] =	stream.indirect_vreg.gather [hbm4b:s3+s1], $0x80, v4, vm0, $0xb8;
	[tilespmem:$0x11000] =	vst v63  }
0x9e: {  	s22 =	simm.s32 $0xD800  }
0x9f: {  	[tilespmem:s22], [sflag:$0x2] =	stream.indirect_vreg.gather [hbm4b:s3+s1], $0x80, v3, vm0, $0xb8;
	[tilespmem:$0x11000] =	vst v63  }
0xa0: {  	v3 =	vld [tilespmem:$0xD0];
	_ =	sdelay $0x4  }
0xa1: {  	v61 =	vshll.u32 v3, $0x1  }
0xa2: {  	v3 =	vand.u32 $0x7, v3;
	v4 =	vand.u32 $0xFFFFFFF0, v61  }
0xa3: {  	v3 =	vor.u32 v3, v4  }
0xa4: {  	v4 =	vperm.xlane v3, v0;
	_ =	sdelay $0x1  }
0xa5: {  	v3 =	vperm.xlane v3, v2;
	v4 =	vadd.s32 v1, v4;
	_ =	sdelay $0x1  }
0xa6: {  	v3 =	vadd.s32 v1, v3;
	_ =	sdelay $0x1  }
0xa7: {  	s23 =	simm.s32 $0xE000  }
0xa8: {  	[tilespmem:s23], [sflag:$0x2] =	stream.indirect_vreg.gather [hbm4b:s3+s1], $0x80, v4, vm0, $0xb8;
	[tilespmem:$0x11000] =	vst v63  }
0xa9: {  	s24 =	simm.s32 $0xE800  }
0xaa: {  	[tilespmem:s24], [sflag:$0x2] =	stream.indirect_vreg.gather [hbm4b:s3+s1], $0x80, v3, vm0, $0xb8;
	[tilespmem:$0x11000] =	vst v63  }
0xab: {  	v3 =	vld [tilespmem:$0xE0];
	_ =	sdelay $0x4  }
0xac: {  	v62 =	vshll.u32 v3, $0x1  }
0xad: {  	v3 =	vand.u32 $0x7, v3;
	v4 =	vand.u32 $0xFFFFFFF0, v62  }
0xae: {  	v3 =	vor.u32 v3, v4  }
0xaf: {  	v4 =	vperm.xlane v3, v0;
	_ =	sdelay $0x1  }
0xb0: {  	v3 =	vperm.xlane v3, v2;
	v4 =	vadd.s32 v1, v4;
	_ =	sdelay $0x1  }
0xb1: {  	v3 =	vadd.s32 v1, v3;
	_ =	sdelay $0x1  }
0xb2: {  	s25 =	simm.s32 $0xF000  }
0xb3: {  	[tilespmem:s25], [sflag:$0x2] =	stream.indirect_vreg.gather [hbm4b:s3+s1], $0x80, v4, vm0, $0xb8;
	[tilespmem:$0x11000] =	vst v63  }
0xb4: {  	s26 =	simm.s32 $0xF800  }
0xb5: {  	[tilespmem:s26], [sflag:$0x2] =	stream.indirect_vreg.gather [hbm4b:s3+s1], $0x80, v3, vm0, $0xb8;
	[tilespmem:$0x11000] =	vst v63  }
0xb6: {  	v3 =	vld [tilespmem:$0xF0];
	_ =	sdelay $0x4  }
0xb7: {  	v63 =	vshll.u32 v3, $0x1  }
0xb8: {  	v3 =	vand.u32 $0x7, v3;
	v4 =	vand.u32 $0xFFFFFFF0, v63  }
0xb9: {  	v3 =	vor.u32 v3, v4  }
0xba: {  	v4 =	vperm.xlane v3, v0  }
0xbb: {  	s17 =	simm.s32 $0x1F0;
	s18 =	simm.s32 $0x0;
	s20 =	simm.s32 $0x2000  }
0xbc: {  	s31 =	simm.s32 $0x6800;
	s28 =	simm.s32 $0x5000;
	s29 =	simm.s32 $0x10800;
	v3 =	vperm.xlane v3, v2;
	v4 =	vadd.s32 v1, v4  }
0xbd: {  	s30 =	simm.s32 $0x6000;
	s0 =	simm.s32 $0x7000;
	s2 =	simm.s32 $0x7800  }
0xbe: {  	s4 =	simm.s32 $0x8000;
	s5 =	simm.s32 $0x8800;
	s6 =	simm.s32 $0x9800;
	v3 =	vadd.s32 v1, v3  }
0xbf: {  	s7 =	simm.s32 $0xA000;
	s8 =	simm.s32 $0xA800;
	s10 =	simm.s32 $0xB000  }
0xc0: {  	s11 =	simm.s32 $0xB800;
	s12 =	simm.s32 $0xC000;
	s26 =	simm.s32 $0x10000  }
0xc1: {  	[tilespmem:s26], [sflag:$0x2] =	stream.indirect_vreg.gather [hbm4b:s3+s1], $0x80, v4, vm0, $0xb8;
	[tilespmem:$0x11000] =	vst v63  }
0xc2: {  	s9 =	simm.s32 $0xC800;
	s22 =	simm.s32 $0x3000;
	s24 =	simm.s32 $0x4000  }
0xc3: {  	[tilespmem:s29], [sflag:$0x2] =	stream.indirect_vreg.gather [hbm4b:s3+s1], $0x80, v3, vm0, $0xb8;
	[tilespmem:$0x11000] =	vst v63  }
.LBB2_2:
0xc4: {  	_ =	swait.ge [sflag:s13], $0x8000  }
0xc5: {  	s19 =	rddreg [dreg:$0x3];
	[sflag:s13] =	ssyncset.done $0x0  }
0xc6: {  	s21 =	simm.s32 $0x1000;
	[sflag:s13] =	ssyncadd.s32 $0xFFFF8000;
	s19 =	sadd.s32 s18, s19  }
0xc7: {  	[hbm4b:s19+s1] =	stream.linear.scatter [tilespmem:s21], [sflag:$0x3], $0x8000, $0x38;
	[tilespmem:$0x11000] =	vst v63  }
0xc8: {  	_ =	swait.ge [sflag:s14], $0x8000  }
0xc9: {  	[sflag:s14] =	ssyncset.done $0x0  }
0xca: {  	s23 =	simm.s32 $0x9000;
	s19 =	sadd.s32 $0x1000, s19;
	[sflag:s14] =	ssyncadd.s32 $0xFFFF8000  }
0xcb: {  	[hbm4b:s19+s1] =	stream.linear.scatter [tilespmem:s23], [sflag:$0x4], $0x8000, $0x38;
	[tilespmem:$0x11000] =	vst v63  }
0xcc: {  	_ =	swait.ge [sflag:s15], $0x8000  }
0xcd: {  	[sflag:s15] =	ssyncset.done $0x0  }
0xce: {  	[sflag:s15] =	ssyncadd.s32 $0xFFFF8000  }
0xcf: {  	v3 =	vld [tilespmem:s17+$0xFFFFFF10];
	_ =	sdelay $0x4  }
0xd0: {  	v4 =	vshll.u32 v3, $0x1  }
0xd1: {  	v3 =	vand.u32 $0x7, v3;
	v4 =	vand.u32 $0xFFFFFFF0, v4  }
0xd2: {  	v3 =	vor.u32 v3, v4  }
0xd3: {  	v4 =	vperm.xlane v3, v0;
	_ =	sdelay $0x1  }
0xd4: {  	v3 =	vperm.xlane v3, v2;
	v4 =	vadd.s32 v1, v4;
	_ =	sdelay $0x1  }
0xd5: {  	v3 =	vadd.s32 v1, v3;
	_ =	sdelay $0x2  }
0xd6: {  	[tilespmem:s21], [sflag:$0x1] =	stream.indirect_vreg.gather [hbm4b:s3+s1], $0x80, v4, vm0, $0xb8;
	[tilespmem:$0x11000] =	vst v63  }
0xd7: {  	s19 =	simm.s32 $0x1800  }
0xd8: {  	[tilespmem:s19], [sflag:$0x1] =	stream.indirect_vreg.gather [hbm4b:s3+s1], $0x80, v3, vm0, $0xb8;
	[tilespmem:$0x11000] =	vst v63  }
0xd9: {  	v3 =	vld [tilespmem:s17+$0xFFFFFF20];
	_ =	sdelay $0x4  }
0xda: {  	v49 =	vshll.u32 v3, $0x1  }
0xdb: {  	v3 =	vand.u32 $0x7, v3;
	v4 =	vand.u32 $0xFFFFFFF0, v49  }
0xdc: {  	v3 =	vor.u32 v3, v4  }
0xdd: {  	v4 =	vperm.xlane v3, v0;
	_ =	sdelay $0x1  }
0xde: {  	v3 =	vperm.xlane v3, v2;
	v4 =	vadd.s32 v1, v4;
	_ =	sdelay $0x1  }
0xdf: {  	v3 =	vadd.s32 v1, v3;
	_ =	sdelay $0x2  }
0xe0: {  	[tilespmem:s20], [sflag:$0x1] =	stream.indirect_vreg.gather [hbm4b:s3+s1], $0x80, v4, vm0, $0xb8;
	[tilespmem:$0x11000] =	vst v63  }
0xe1: {  	s21 =	simm.s32 $0x2800  }
0xe2: {  	[tilespmem:s21], [sflag:$0x1] =	stream.indirect_vreg.gather [hbm4b:s3+s1], $0x80, v3, vm0, $0xb8;
	[tilespmem:$0x11000] =	vst v63  }
0xe3: {  	v3 =	vld [tilespmem:s17+$0xFFFFFF30];
	_ =	sdelay $0x4  }
0xe4: {  	v50 =	vshll.u32 v3, $0x1  }
0xe5: {  	v3 =	vand.u32 $0x7, v3;
	v4 =	vand.u32 $0xFFFFFFF0, v50  }
0xe6: {  	v3 =	vor.u32 v3, v4  }
0xe7: {  	v4 =	vperm.xlane v3, v0;
	_ =	sdelay $0x1  }
0xe8: {  	v3 =	vperm.xlane v3, v2;
	v4 =	vadd.s32 v1, v4;
	_ =	sdelay $0x1  }
0xe9: {  	v3 =	vadd.s32 v1, v3;
	_ =	sdelay $0x2  }
0xea: {  	[tilespmem:s22], [sflag:$0x1] =	stream.indirect_vreg.gather [hbm4b:s3+s1], $0x80, v4, vm0, $0xb8;
	[tilespmem:$0x11000] =	vst v63  }
0xeb: {  	s21 =	simm.s32 $0x3800  }
0xec: {  	[tilespmem:s21], [sflag:$0x1] =	stream.indirect_vreg.gather [hbm4b:s3+s1], $0x80, v3, vm0, $0xb8;
	[tilespmem:$0x11000] =	vst v63  }
0xed: {  	v3 =	vld [tilespmem:s17+$0xFFFFFF40];
	_ =	sdelay $0x4  }
0xee: {  	v51 =	vshll.u32 v3, $0x1  }
0xef: {  	v3 =	vand.u32 $0x7, v3;
	v4 =	vand.u32 $0xFFFFFFF0, v51  }
0xf0: {  	v3 =	vor.u32 v3, v4  }
0xf1: {  	v4 =	vperm.xlane v3, v0;
	_ =	sdelay $0x1  }
0xf2: {  	v3 =	vperm.xlane v3, v2;
	v4 =	vadd.s32 v1, v4;
	_ =	sdelay $0x1  }
0xf3: {  	v3 =	vadd.s32 v1, v3;
	_ =	sdelay $0x2  }
0xf4: {  	[tilespmem:s24], [sflag:$0x1] =	stream.indirect_vreg.gather [hbm4b:s3+s1], $0x80, v4, vm0, $0xb8;
	[tilespmem:$0x11000] =	vst v63  }
0xf5: {  	s21 =	simm.s32 $0x4800  }
0xf6: {  	[tilespmem:s21], [sflag:$0x1] =	stream.indirect_vreg.gather [hbm4b:s3+s1], $0x80, v3, vm0, $0xb8;
	[tilespmem:$0x11000] =	vst v63  }
0xf7: {  	v3 =	vld [tilespmem:s17+$0xFFFFFF50];
	_ =	sdelay $0x4  }
0xf8: {  	v52 =	vshll.u32 v3, $0x1  }
0xf9: {  	v3 =	vand.u32 $0x7, v3;
	v4 =	vand.u32 $0xFFFFFFF0, v52  }
0xfa: {  	v3 =	vor.u32 v3, v4  }
0xfb: {  	v4 =	vperm.xlane v3, v0;
	_ =	sdelay $0x1  }
0xfc: {  	v3 =	vperm.xlane v3, v2;
	v4 =	vadd.s32 v1, v4;
	_ =	sdelay $0x1  }
0xfd: {  	v3 =	vadd.s32 v1, v3;
	_ =	sdelay $0x2  }
0xfe: {  	[tilespmem:s28], [sflag:$0x1] =	stream.indirect_vreg.gather [hbm4b:s3+s1], $0x80, v4, vm0, $0xb8;
	[tilespmem:$0x11000] =	vst v63  }
0xff: {  	s21 =	simm.s32 $0x5800  }
0x100: {  	[tilespmem:s21], [sflag:$0x1] =	stream.indirect_vreg.gather [hbm4b:s3+s1], $0x80, v3, vm0, $0xb8;
	[tilespmem:$0x11000] =	vst v63  }
0x101: {  	v3 =	vld [tilespmem:s17+$0xFFFFFF60];
	_ =	sdelay $0x4  }
0x102: {  	v53 =	vshll.u32 v3, $0x1  }
0x103: {  	v3 =	vand.u32 $0x7, v3;
	v4 =	vand.u32 $0xFFFFFFF0, v53  }
0x104: {  	v3 =	vor.u32 v3, v4  }
0x105: {  	v4 =	vperm.xlane v3, v0;
	_ =	sdelay $0x1  }
0x106: {  	v3 =	vperm.xlane v3, v2;
	v4 =	vadd.s32 v1, v4;
	_ =	sdelay $0x1  }
0x107: {  	v3 =	vadd.s32 v1, v3;
	_ =	sdelay $0x2  }
0x108: {  	[tilespmem:s30], [sflag:$0x1] =	stream.indirect_vreg.gather [hbm4b:s3+s1], $0x80, v4, vm0, $0xb8;
	[tilespmem:$0x11000] =	vst v63  }
0x109: {  	_ = 	snop  }
0x10a: {  	[tilespmem:s31], [sflag:$0x1] =	stream.indirect_vreg.gather [hbm4b:s3+s1], $0x80, v3, vm0, $0xb8;
	[tilespmem:$0x11000] =	vst v63  }
0x10b: {  	v3 =	vld [tilespmem:s17+$0xFFFFFF70];
	_ =	sdelay $0x4  }
0x10c: {  	v54 =	vshll.u32 v3, $0x1  }
0x10d: {  	v3 =	vand.u32 $0x7, v3;
	v4 =	vand.u32 $0xFFFFFFF0, v54  }
0x10e: {  	v3 =	vor.u32 v3, v4  }
0x10f: {  	v4 =	vperm.xlane v3, v0;
	_ =	sdelay $0x1  }
0x110: {  	v3 =	vperm.xlane v3, v2;
	v4 =	vadd.s32 v1, v4;
	_ =	sdelay $0x1  }
0x111: {  	v3 =	vadd.s32 v1, v3;
	_ =	sdelay $0x2  }
0x112: {  	[tilespmem:s0], [sflag:$0x1] =	stream.indirect_vreg.gather [hbm4b:s3+s1], $0x80, v4, vm0, $0xb8;
	[tilespmem:$0x11000] =	vst v63  }
0x113: {  	_ = 	snop  }
0x114: {  	[tilespmem:s2], [sflag:$0x1] =	stream.indirect_vreg.gather [hbm4b:s3+s1], $0x80, v3, vm0, $0xb8;
	[tilespmem:$0x11000] =	vst v63  }
0x115: {  	v3 =	vld [tilespmem:s17+$0xFFFFFF80];
	_ =	sdelay $0x4  }
0x116: {  	v55 =	vshll.u32 v3, $0x1  }
0x117: {  	v3 =	vand.u32 $0x7, v3;
	v4 =	vand.u32 $0xFFFFFFF0, v55  }
0x118: {  	v3 =	vor.u32 v3, v4  }
0x119: {  	v4 =	vperm.xlane v3, v0;
	_ =	sdelay $0x1  }
0x11a: {  	v3 =	vperm.xlane v3, v2;
	v4 =	vadd.s32 v1, v4;
	_ =	sdelay $0x1  }
0x11b: {  	v3 =	vadd.s32 v1, v3;
	_ =	sdelay $0x2  }
0x11c: {  	[tilespmem:s4], [sflag:$0x1] =	stream.indirect_vreg.gather [hbm4b:s3+s1], $0x80, v4, vm0, $0xb8;
	[tilespmem:$0x11000] =	vst v63  }
0x11d: {  	_ = 	snop  }
0x11e: {  	[tilespmem:s5], [sflag:$0x1] =	stream.indirect_vreg.gather [hbm4b:s3+s1], $0x80, v3, vm0, $0xb8;
	[tilespmem:$0x11000] =	vst v63  }
0x11f: {  	_ =	swait.ge [sflag:s16], $0x8000  }
0x120: {  	[sflag:s16] =	ssyncset.done $0x0  }
0x121: {  	[sflag:s16] =	ssyncadd.s32 $0xFFFF8000  }
0x122: {  	v3 =	vld [tilespmem:s17+$0xFFFFFF90];
	_ =	sdelay $0x4  }
0x123: {  	v56 =	vshll.u32 v3, $0x1  }
0x124: {  	v3 =	vand.u32 $0x7, v3;
	v4 =	vand.u32 $0xFFFFFFF0, v56  }
0x125: {  	v3 =	vor.u32 v3, v4  }
0x126: {  	v4 =	vperm.xlane v3, v0;
	_ =	sdelay $0x1  }
0x127: {  	v3 =	vperm.xlane v3, v2;
	v4 =	vadd.s32 v1, v4;
	_ =	sdelay $0x1  }
0x128: {  	v3 =	vadd.s32 v1, v3;
	_ =	sdelay $0x2  }
0x129: {  	[tilespmem:s23], [sflag:$0x2] =	stream.indirect_vreg.gather [hbm4b:s3+s1], $0x80, v4, vm0, $0xb8;
	[tilespmem:$0x11000] =	vst v63  }
0x12a: {  	_ = 	snop  }
0x12b: {  	[tilespmem:s6], [sflag:$0x2] =	stream.indirect_vreg.gather [hbm4b:s3+s1], $0x80, v3, vm0, $0xb8;
	[tilespmem:$0x11000] =	vst v63  }
0x12c: {  	v3 =	vld [tilespmem:s17+$0xFFFFFFA0];
	_ =	sdelay $0x4  }
0x12d: {  	v57 =	vshll.u32 v3, $0x1  }
0x12e: {  	v3 =	vand.u32 $0x7, v3;
	v4 =	vand.u32 $0xFFFFFFF0, v57  }
0x12f: {  	v3 =	vor.u32 v3, v4  }
0x130: {  	v4 =	vperm.xlane v3, v0;
	_ =	sdelay $0x1  }
0x131: {  	v3 =	vperm.xlane v3, v2;
	v4 =	vadd.s32 v1, v4;
	_ =	sdelay $0x1  }
0x132: {  	v3 =	vadd.s32 v1, v3;
	_ =	sdelay $0x2  }
0x133: {  	[tilespmem:s7], [sflag:$0x2] =	stream.indirect_vreg.gather [hbm4b:s3+s1], $0x80, v4, vm0, $0xb8;
	[tilespmem:$0x11000] =	vst v63  }
0x134: {  	_ = 	snop  }
0x135: {  	[tilespmem:s8], [sflag:$0x2] =	stream.indirect_vreg.gather [hbm4b:s3+s1], $0x80, v3, vm0, $0xb8;
	[tilespmem:$0x11000] =	vst v63  }
0x136: {  	v3 =	vld [tilespmem:s17+$0xFFFFFFB0];
	_ =	sdelay $0x4  }
0x137: {  	v58 =	vshll.u32 v3, $0x1  }
0x138: {  	v3 =	vand.u32 $0x7, v3;
	v4 =	vand.u32 $0xFFFFFFF0, v58  }
0x139: {  	v3 =	vor.u32 v3, v4  }
0x13a: {  	v4 =	vperm.xlane v3, v0;
	_ =	sdelay $0x1  }
0x13b: {  	v3 =	vperm.xlane v3, v2;
	v4 =	vadd.s32 v1, v4;
	_ =	sdelay $0x1  }
0x13c: {  	v3 =	vadd.s32 v1, v3;
	_ =	sdelay $0x2  }
0x13d: {  	[tilespmem:s10], [sflag:$0x2] =	stream.indirect_vreg.gather [hbm4b:s3+s1], $0x80, v4, vm0, $0xb8;
	[tilespmem:$0x11000] =	vst v63  }
0x13e: {  	_ = 	snop  }
0x13f: {  	[tilespmem:s11], [sflag:$0x2] =	stream.indirect_vreg.gather [hbm4b:s3+s1], $0x80, v3, vm0, $0xb8;
	[tilespmem:$0x11000] =	vst v63  }
0x140: {  	v3 =	vld [tilespmem:s17+$0xFFFFFFC0];
	_ =	sdelay $0x4  }
0x141: {  	v59 =	vshll.u32 v3, $0x1  }
0x142: {  	v3 =	vand.u32 $0x7, v3;
	v4 =	vand.u32 $0xFFFFFFF0, v59  }
0x143: {  	v3 =	vor.u32 v3, v4  }
0x144: {  	v4 =	vperm.xlane v3, v0;
	_ =	sdelay $0x1  }
0x145: {  	v3 =	vperm.xlane v3, v2;
	v4 =	vadd.s32 v1, v4;
	_ =	sdelay $0x1  }
0x146: {  	v3 =	vadd.s32 v1, v3;
	_ =	sdelay $0x2  }
0x147: {  	[tilespmem:s12], [sflag:$0x2] =	stream.indirect_vreg.gather [hbm4b:s3+s1], $0x80, v4, vm0, $0xb8;
	[tilespmem:$0x11000] =	vst v63  }
0x148: {  	_ = 	snop  }
0x149: {  	[tilespmem:s9], [sflag:$0x2] =	stream.indirect_vreg.gather [hbm4b:s3+s1], $0x80, v3, vm0, $0xb8;
	[tilespmem:$0x11000] =	vst v63  }
0x14a: {  	v3 =	vld [tilespmem:s17+$0xFFFFFFD0];
	_ =	sdelay $0x4  }
0x14b: {  	v60 =	vshll.u32 v3, $0x1  }
0x14c: {  	v3 =	vand.u32 $0x7, v3;
	v4 =	vand.u32 $0xFFFFFFF0, v60  }
0x14d: {  	v3 =	vor.u32 v3, v4  }
0x14e: {  	v4 =	vperm.xlane v3, v0;
	_ =	sdelay $0x1  }
0x14f: {  	v3 =	vperm.xlane v3, v2;
	v4 =	vadd.s32 v1, v4;
	_ =	sdelay $0x1  }
0x150: {  	v3 =	vadd.s32 v1, v3;
	_ =	sdelay $0x1  }
0x151: {  	s23 =	simm.s32 $0xD000  }
0x152: {  	[tilespmem:s23], [sflag:$0x2] =	stream.indirect_vreg.gather [hbm4b:s3+s1], $0x80, v4, vm0, $0xb8;
	[tilespmem:$0x11000] =	vst v63  }
0x153: {  	s23 =	simm.s32 $0xD800  }
0x154: {  	[tilespmem:s23], [sflag:$0x2] =	stream.indirect_vreg.gather [hbm4b:s3+s1], $0x80, v3, vm0, $0xb8;
	[tilespmem:$0x11000] =	vst v63  }
0x155: {  	v3 =	vld [tilespmem:s17+$0xFFFFFFE0];
	_ =	sdelay $0x4  }
0x156: {  	v61 =	vshll.u32 v3, $0x1  }
0x157: {  	v3 =	vand.u32 $0x7, v3;
	v4 =	vand.u32 $0xFFFFFFF0, v61  }
0x158: {  	v3 =	vor.u32 v3, v4  }
0x159: {  	v4 =	vperm.xlane v3, v0;
	_ =	sdelay $0x1  }
0x15a: {  	v3 =	vperm.xlane v3, v2;
	v4 =	vadd.s32 v1, v4;
	_ =	sdelay $0x1  }
0x15b: {  	v3 =	vadd.s32 v1, v3;
	_ =	sdelay $0x1  }
0x15c: {  	s23 =	simm.s32 $0xE000  }
0x15d: {  	[tilespmem:s23], [sflag:$0x2] =	stream.indirect_vreg.gather [hbm4b:s3+s1], $0x80, v4, vm0, $0xb8;
	[tilespmem:$0x11000] =	vst v63  }
0x15e: {  	s23 =	simm.s32 $0xE800  }
0x15f: {  	[tilespmem:s23], [sflag:$0x2] =	stream.indirect_vreg.gather [hbm4b:s3+s1], $0x80, v3, vm0, $0xb8;
	[tilespmem:$0x11000] =	vst v63  }
0x160: {  	v3 =	vld [tilespmem:s17+$0xFFFFFFF0];
	_ =	sdelay $0x4  }
0x161: {  	v62 =	vshll.u32 v3, $0x1  }
0x162: {  	v3 =	vand.u32 $0x7, v3;
	v4 =	vand.u32 $0xFFFFFFF0, v62  }
0x163: {  	v3 =	vor.u32 v3, v4  }
0x164: {  	v4 =	vperm.xlane v3, v0;
	_ =	sdelay $0x1  }
0x165: {  	v3 =	vperm.xlane v3, v2;
	v4 =	vadd.s32 v1, v4;
	_ =	sdelay $0x1  }
0x166: {  	v3 =	vadd.s32 v1, v3;
	_ =	sdelay $0x1  }
0x167: {  	s23 =	simm.s32 $0xF000  }
0x168: {  	[tilespmem:s23], [sflag:$0x2] =	stream.indirect_vreg.gather [hbm4b:s3+s1], $0x80, v4, vm0, $0xb8;
	[tilespmem:$0x11000] =	vst v63  }
0x169: {  	s23 =	simm.s32 $0xF800  }
0x16a: {  	[tilespmem:s23], [sflag:$0x2] =	stream.indirect_vreg.gather [hbm4b:s3+s1], $0x80, v3, vm0, $0xb8;
	[tilespmem:$0x11000] =	vst v63  }
0x16b: {  	v3 =	vld [tilespmem:s17+$0x0];
	_ =	sdelay $0x4  }
0x16c: {  	v63 =	vshll.u32 v3, $0x1  }
0x16d: {  	v3 =	vand.u32 $0x7, v3;
	v4 =	vand.u32 $0xFFFFFFF0, v63  }
0x16e: {  	v3 =	vor.u32 v3, v4  }
0x16f: {  	v4 =	vperm.xlane v3, v0;
	_ =	sdelay $0x1  }
0x170: {  	v3 =	vperm.xlane v3, v2;
	v4 =	vadd.s32 v1, v4;
	_ =	sdelay $0x1  }
0x171: {  	p0 =	sne.s32 s18, $0x1C000;
	v3 =	vadd.s32 v1, v3  }
.Ltmp0:
0x172: {  	_ = 	snop;
	(pc) =	sbr.rel @p0 .LBB2_2-.Ltmp0, $4  }
0x173: {  	s25 =	simm.s32 $0x1000  }
0x174: {  	[tilespmem:s26], [sflag:$0x2] =	stream.indirect_vreg.gather [hbm4b:s3+s1], $0x80, v4, vm0, $0xb8;
	[tilespmem:$0x11000] =	vst v63  }
0x175: {  	s18 =	sadd.s32 $0x2000, s18;
	s21 =	simm.s32 $0x9000;
	s17 =	sadd.s32 $0x100, s17  }
0x176: {  	[tilespmem:s29], [sflag:$0x2] =	stream.indirect_vreg.gather [hbm4b:s3+s1], $0x80, v3, vm0, $0xb8;
	[tilespmem:$0x11000] =	vst v63  }
0x177: {  	_ =	swait.ge [sflag:s13], $0x8000  }
0x178: {  	[sflag:s13] =	ssyncset.done $0x0  }
0x179: {  	s17 =	rddreg [dreg:$0x5];
	[sflag:s13] =	ssyncadd.s32 $0xFFFF8000  }
0x17a: {  	[hbm4b:s17+s1] =	stream.linear.scatter [tilespmem:s25], [sflag:$0x3], $0x8000, $0x38;
	[tilespmem:$0x11000] =	vst v63  }
0x17b: {  	_ =	swait.ge [sflag:s14], $0x8000  }
0x17c: {  	[sflag:s14] =	ssyncset.done $0x0  }
0x17d: {  	s24 =	rddreg [dreg:$0x6];
	[sflag:s14] =	ssyncadd.s32 $0xFFFF8000  }
0x17e: {  	[hbm4b:s24+s1] =	stream.linear.scatter [tilespmem:s21], [sflag:$0x4], $0x8000, $0x38;
	[tilespmem:$0x11000] =	vst v63  }
0x17f: {  	_ =	swait.ge [sflag:s15], $0x8000  }
0x180: {  	s18 =	simm.s32 $0x2000;
	[sflag:s15] =	ssyncset.done $0x0  }
0x181: {  	s20 =	simm.s32 $0x2800;
	s31 =	simm.s32 $0x3000;
	[sflag:s15] =	ssyncadd.s32 $0xFFFF8000  }
0x182: {  	s22 =	simm.s32 $0x3800;
	s23 =	simm.s32 $0x4000;
	_ =	swait.ge [sflag:s16], $0x8000  }
0x183: {  	s28 =	simm.s32 $0x5800;
	s29 =	simm.s32 $0x6000;
	s0 =	rddreg [dreg:$0x8]  }
0x184: {  	s30 =	simm.s32 $0x6800;
	s26 =	rddreg [dreg:$0x7];
	s0 =	sadd.s32 $0x1, s0  }
0x185: {  	s2 =	simm.s32 $0x7800;
	s4 =	simm.s32 $0x8000;
	p0 =	sne.s32 s0, s26  }
.Ltmp1:
0x186: {  	s5 =	simm.s32 $0x8800;
	s6 =	simm.s32 $0x9800;
	(pc) =	sbr.rel @p0 .LBB2_1-.Ltmp1, $4  }
0x187: {  	s7 =	simm.s32 $0xA000;
	s8 =	simm.s32 $0xA800;
	s10 =	simm.s32 $0xB000  }
0x188: {  	s11 =	simm.s32 $0xB800;
	s12 =	simm.s32 $0xC000;
	[sflag:s16] =	ssyncset.done $0x0  }
0x189: {  	s9 =	simm.s32 $0xC800;
	s24 =	simm.s32 $0x4800;
	[sflag:s16] =	ssyncadd.s32 $0xFFFF8000  }
0x18a: {  	[dreg:$0x8] =	wrdreg s0;
	s26 =	simm.s32 $0x5000;
	s0 =	simm.s32 $0x7000  }
0x18b: {  	_ =	sfence.sel $0x180000  }
0x18c: {  	[bflag:$0x0] =	sbarrier.arrive $0xFFFF  }
0x18d: {  	_ =	strace $0x9000004A  }
0x18e: {  	s0 =	stileid.u32;
	[bflag:$0x2] =	sbarrier.arrive $0xFFFF  }
0x18f: {  	p0 =	sne.s32 s0, $0x0;
	s0 =	rddreg [dreg:$0x2]  }
0x190: {  	s0 =	sadd.s32 @!p0 $0x100000, s0  }
0x191: {  	[sflag:s0] =	ssyncadd.tile.s32 @!p0 $0x1;
	_ =	shalt  }
.Lfunc_end2:
_tile_overlayer_lowered:
.L_overlay_start_2:
0x192: {  	(tag) =	ssettag $0x2  }
0x193: {  	s0 =	rddreg [dreg:$0x0];
	s2 =	stileid.u32  }
0x194: {  	s1 =	rddreg [dreg:$0x1];
	p0 =	sne.s32 s2, $0x0  }
0x195: {  	s3 =	rddreg [dreg:$0x2];
	[bflag:$0x3] =	sbarrier.arrive $0xFFFF;
	s2 =	simm.s32 @!p0 $0x1C05  }
0x196: {  	[timem:s3], [sflag:s2] =	dma.local @!p0 [hbm:s0], s1  }
0x197: {  	s0 =	simm.s32 @!p0 $0x5  }
0x198: {  	_ =	swait.ge @!p0 [sflag:s0], s1  }
0x199: {  	s1 =	ssub.s32 @!p0 $0x0, s1;
	[sflag:s0] =	ssyncset.done @!p0 $0x0  }
0x19a: {  	[sflag:s0] =	ssyncadd.s32 @!p0 s1  }
0x19b: {  	[bflag:$0x3] =	sbarrier.arrive $0xFFFF  }
0x19c: {  	_ =	shalt  }

</sc_bundles>
